<compile_context>
chip_gen: v7x
topology: tpu7x:2x2x1
jax: 0.10.2.dev20260603
libtpu: 0.0.44.dev20260713+nightly
codegen_flags: <defaults>
</compile_context>

<pallas_src>
import functools

import jax
import jax.numpy as jnp
from jax import lax
from jax.experimental import pallas as pl
from jax.experimental.pallas import tpu as pltpu
from jax.experimental.pallas import tpu_sc as plsc

S = 160
ROW = S * S
NV = S * ROW
NZ = 40
HALO = 8
EXT = NZ + 2 * HALO
NSLAB = S // NZ
NC, NS, L = 2, 16, 16
TILE_VOX = NZ * ROW // NS
V = 800
NCHUNK = TILE_VOX // V
NGRP = V // L
ZSTRIPE = EXT * ROW // NS
HWORDS = HALO * ROW
HSTRIPE = HWORDS // NS


def _splat_body(phi_hbm, main_hbm, lo_hbm, hi_hbm,
                d0, d1, i0, i1, w0, w1, acc,
                in_sem0, in_sem1, sc_sem0, sc_sem1):
    c = lax.axis_index("c")
    t = lax.axis_index("s")
    iota = lax.iota(jnp.int32, L)
    dbuf = (d0, d1)
    ibuf = (i0, i1)
    wbuf = (w0, w1)
    isem = (in_sem0, in_sem1)
    ssem = (sc_sem0, sc_sem1)

    def start_in(k, p):
        base = (c * 3) * NV + lax.convert_element_type(k, jnp.int32) * V
        for d in range(3):
            pltpu.async_copy(
                phi_hbm.at[pl.ds(base + d * NV, V)],
                dbuf[p].at[pl.ds(d * V, V)], isem[p])

    def wait_in(p):
        for d in range(3):
            pltpu.make_async_copy(
                phi_hbm.at[pl.ds(0, V)],
                dbuf[p].at[pl.ds(d * V, V)], isem[p]).wait()

    def wait_scatter(p):
        pltpu.make_async_copy(wbuf[p], acc.at[ibuf[p]], ssem[p]).wait()

    def _pass(s, _):
        def _z(i, _):
            w0[pl.ds(i * L, L)] = jnp.zeros((L,), jnp.float32)
            return 0
        lax.fori_loop(0, 8 * V // L, _z, 0)

        def _zdma(j, _):
            pltpu.sync_copy(w0, acc.at[pl.ds(t * ZSTRIPE + j * (8 * V), 8 * V)])
            return 0
        lax.fori_loop(0, ZSTRIPE // (8 * V), _zdma, 0)
        plsc.subcore_barrier()

        kbase = s * (NZ * ROW // V) + t * NCHUNK

        def compute(k, p):
            z = k >> 5
            y0 = (k & 31) * (V // S)
            zf = z.astype(jnp.float32)
            zsub = (S - HALO) + s * NZ

            @plsc.parallel_loop(0, NGRP, 1, unroll=2)
            def _grp(g):
                j = (g * 6554) >> 16
                g2 = g - j * (S // L)
                off = g * L
                dz = dbuf[p][pl.ds(off, L)]
                dy = dbuf[p][pl.ds(V + off, L)]
                dx = dbuf[p][pl.ds(2 * V + off, L)]

                xf = (iota + g2 * L).astype(jnp.float32)
                yf = (y0 + j).astype(jnp.float32)

                def flb(pv):
                    pb = pv + jnp.float32(S)
                    i = pb.astype(jnp.int32)
                    return i, pb - i.astype(jnp.float32)

                bx, w1x = flb(dx + xf)
                by, w1y = flb(dy + yf)
                bz, w1z = flb(dz + zf)

                def wrap2(i):
                    i = jnp.where(i >= 2 * S, i - 2 * S, i)
                    return jnp.where(i >= S, i - S, i)

                ix0 = wrap2(bx)
                ix1 = jnp.where(ix0 + 1 >= S, ix0 + 1 - S, ix0 + 1)
                iy0 = wrap2(by)
                iy1 = jnp.where(iy0 + 1 >= S, iy0 + 1 - S, iy0 + 1)
                iz0 = jnp.clip(bz - zsub, 0, EXT - 1)
                iz1 = jnp.minimum(iz0 + 1, EXT - 1)

                tz0 = iz0 * ROW
                tz1 = iz1 * ROW
                ty0 = iy0 * S
                ty1 = iy1 * S
                a00 = tz0 + ty0
                a01 = tz0 + ty1
                a10 = tz1 + ty0
                a11 = tz1 + ty1

                w0x = 1.0 - w1x
                w0y = 1.0 - w1y
                w0z = 1.0 - w1z
                c00 = w0z * w0y
                c01 = w0z * w1y
                c10 = w1z * w0y
                c11 = w1z * w1y

                combos = ((a00, c00), (a01, c01), (a10, c10), (a11, c11))
                for ci, (a, wzy) in enumerate(combos):
                    ibuf[p][pl.ds((2 * ci) * V + off, L)] = a + ix0
                    wbuf[p][pl.ds((2 * ci) * V + off, L)] = wzy * w0x
                    ibuf[p][pl.ds((2 * ci + 1) * V + off, L)] = a + ix1
                    wbuf[p][pl.ds((2 * ci + 1) * V + off, L)] = wzy * w1x

        start_in(kbase, 0)
        start_in(kbase + 1, 1)

        def _chunk2(kk, _):
            for p in (0, 1):
                k = 2 * kk + p
                wait_in(p)

                @pl.when(k >= 2)
                def _():
                    wait_scatter(p)

                compute(kbase + k, p)

                @pl.when(k + 2 < NCHUNK)
                def _():
                    start_in(kbase + k + 2, p)

                pltpu.async_copy(wbuf[p], acc.at[ibuf[p]], ssem[p], add=True)
            return 0

        lax.fori_loop(0, NCHUNK // 2, _chunk2, 0)
        wait_scatter(0)
        wait_scatter(1)
        plsc.subcore_barrier()

        pltpu.sync_copy(
            acc.at[pl.ds(HALO * ROW + t * TILE_VOX, TILE_VOX)],
            main_hbm.at[pl.ds(c * NV + s * NZ * ROW + t * TILE_VOX, TILE_VOX)])
        hoff = (c * NSLAB + s) * HWORDS + t * HSTRIPE
        pltpu.sync_copy(acc.at[pl.ds(t * HSTRIPE, HSTRIPE)],
                        lo_hbm.at[pl.ds(hoff, HSTRIPE)])
        pltpu.sync_copy(acc.at[pl.ds((HALO + NZ) * ROW + t * HSTRIPE, HSTRIPE)],
                        hi_hbm.at[pl.ds(hoff, HSTRIPE)])
        plsc.subcore_barrier()
        return 0

    lax.fori_loop(0, NSLAB, _pass, 0)

    H2 = HSTRIPE // 2
    for sreg in range(NSLAB):
        for arr, zr in ((lo_hbm, (sreg * NZ - HALO) % S),
                        (hi_hbm, (sreg * NZ + NZ) % S)):
            for half in range(2):
                soff = (c * NSLAB + sreg) * HWORDS + t * HSTRIPE + half * H2
                doff = c * NV + zr * ROW + t * HSTRIPE + half * H2
                pltpu.sync_copy(arr.at[pl.ds(soff, H2)], w1)
                pltpu.sync_copy(main_hbm.at[pl.ds(doff, H2)], w0)

                def _acc(i, _):
                    w0[pl.ds(i * L, L)] = (w0[pl.ds(i * L, L)]
                                           + w1[pl.ds(i * L, L)])
                    return 0
                lax.fori_loop(0, H2 // L, _acc, 0)
                pltpu.sync_copy(w0, main_hbm.at[pl.ds(doff, H2)])


_splat = functools.partial(
    pl.kernel,
    out_type=(
        jax.ShapeDtypeStruct((2 * NV,), jnp.float32),
        jax.ShapeDtypeStruct((2 * NSLAB * HWORDS,), jnp.float32),
        jax.ShapeDtypeStruct((2 * NSLAB * HWORDS,), jnp.float32),
    ),
    mesh=plsc.VectorSubcoreMesh(
        core_axis_name="c", subcore_axis_name="s",
        num_cores=NC, num_subcores=NS),
    scratch_types=(
        pltpu.VMEM((3 * V,), jnp.float32),
        pltpu.VMEM((3 * V,), jnp.float32),
        pltpu.VMEM((8 * V,), jnp.int32),
        pltpu.VMEM((8 * V,), jnp.int32),
        pltpu.VMEM((8 * V,), jnp.float32),
        pltpu.VMEM((8 * V,), jnp.float32),
        pltpu.VMEM_SHARED((EXT * ROW,), jnp.float32),
        pltpu.SemaphoreType.DMA,
        pltpu.SemaphoreType.DMA,
        pltpu.SemaphoreType.DMA,
        pltpu.SemaphoreType.DMA,
    ),
)(_splat_body)


@jax.jit
def kernel(phi):
    phi_flat = phi.reshape(6 * NV)
    main, _, _ = _splat(phi_flat)
    return main.reshape(2, 1, S, S, S)

# --- scband reference (transcript-rebuilt; emitter-appended) ---
"""Pipeline reference for scband-count-41506563948881 (READ-ONLY COPY).

The authoritative reference and input builder live on the scoring server;
editing this copy changes nothing except your own understanding.
"""

import jax, jax.numpy as jnp
import numpy as np
import itertools


def setup_inputs(seed: int = 0) -> dict:
    key = jax.random.key(seed)
    phi = jax.random.normal(key, (2, 3, 160, 160, 160), dtype=jnp.float32)
    return {"phi": phi}


def _count(phi):
    # phi: (B, D, *shape) displacement field in voxels
    B = phi.shape[0]
    D = phi.shape[1]
    shape = phi.shape[2:]
    disp = jnp.moveaxis(phi, 1, -1)  # (B, *shape, D)
    grids = jnp.meshgrid(*[jnp.arange(s, dtype=phi.dtype) for s in shape], indexing='ij')
    grid = jnp.stack(grids, axis=-1)  # (*shape, D)
    pos = disp + grid  # absolute sampling positions, (B, *shape, D)
    p0 = jnp.floor(pos)
    w1 = pos - p0          # fractional part -> weight for upper corner
    w0 = 1.0 - w1          # weight for lower corner
    i0 = p0.astype(jnp.int32)
    strides = [int(np.prod(shape[d + 1:])) for d in range(D)]
    nvox = int(np.prod(shape))
    flat = jnp.zeros((B, nvox), phi.dtype)
    bidx = jnp.arange(B)[:, None]
    # multilinear splat of an image of ones: scatter-add the 2**D corner weights
    for corner in itertools.product((0, 1), repeat=D):
        w = jnp.ones(pos.shape[:-1], phi.dtype)
        lin = jnp.zeros(pos.shape[:-1], jnp.int32)
        for d, c in enumerate(corner):
            idx_d = jnp.mod(i0[..., d] + c, shape[d])  # 'wrap' boundary
            w = w * (w1[..., d] if c else w0[..., d])
            lin = lin + idx_d * strides[d]
        flat = flat.at[bidx, lin.reshape(B, -1)].add(w.reshape(B, -1))
    out = flat.reshape((B, 1) + tuple(shape))  # (B, 1, *shape)
    return out


def reference(phi):
    return _count(phi)

if __name__ == "__main__":
    import jax
    _d = setup_inputs()
    print(jax.jit(kernel)(*tuple(_d.values())))

</pallas_src>

<mosaic_0001>
#map = affine_map<(d0, d1) -> (0)>
module attributes {stable_mosaic.version = 14 : i64} {
  func.func @_splat_body(%arg0: i32, %arg1: i32, %arg2: memref<24576000xf32, #tpu.memory_space<hbm>>, %arg3: memref<8192000xf32, #tpu.memory_space<hbm>>, %arg4: memref<1638400xf32, #tpu.memory_space<hbm>>, %arg5: memref<1638400xf32, #tpu.memory_space<hbm>>, %arg6: memref<2400xf32, #tpu.memory_space<vmem>>, %arg7: memref<2400xf32, #tpu.memory_space<vmem>>, %arg8: memref<6400xi32, #tpu.memory_space<vmem>>, %arg9: memref<6400xi32, #tpu.memory_space<vmem>>, %arg10: memref<6400xf32, #tpu.memory_space<vmem>>, %arg11: memref<6400xf32, #tpu.memory_space<vmem>>, %arg12: memref<1433600xf32, #tpu.memory_space<vmem_shared>>, %arg13: memref<!tpu.dma_semaphore, #tpu.memory_space<semaphore_mem>>, %arg14: memref<!tpu.dma_semaphore, #tpu.memory_space<semaphore_mem>>, %arg15: memref<!tpu.dma_semaphore, #tpu.memory_space<semaphore_mem>>, %arg16: memref<!tpu.dma_semaphore, #tpu.memory_space<semaphore_mem>>) attributes {dimension_semantics = [#tpu.dimension_semantics<core_parallel>, #tpu.dimension_semantics<subcore_parallel>], iteration_bounds = array<i64: 2, 16>, scalar_prefetch = 0 : i64, scratch_operands = 11 : i64, tpu.core_type = #tpu.core_type<sc_vector_subcore>, window_params = [{transform_indices = #map}, {transform_indices = #map}, {transform_indices = #map}, {transform_indices = #map}]} {
    %iota3A = tpu.iota {dimensions = array<i32: 0>} : vector<16xi32>
    %scan3A = arith.constant 0 : i32
    %scan3A_0 = arith.constant 0 : i32
    %scan3A_1 = arith.constant 4 : i32
    %scan3A_2 = arith.addi %scan3A_0, %scan3A_1 : i32
    %scan3A_3 = arith.constant 1 : i32
    %scan3A_4 = scf.for %scan3A_436 = %scan3A_0 to %scan3A_2 step %scan3A_3 iter_args(%scan3A_437 = %scan3A) -> (i32)  : i32 {
      %scan3A_438 = arith.constant 0 : i32
      %scan3A_439 = arith.constant 0 : i32
      %scan3A_440 = arith.constant 400 : i32
      %scan3A_441 = arith.addi %scan3A_439, %scan3A_440 : i32
      %scan3A_442 = arith.constant 1 : i32
      %scan3A_443 = scf.for %scan3A_561 = %scan3A_439 to %scan3A_441 step %scan3A_442 iter_args(%scan3A_562 = %scan3A_438) -> (i32)  : i32 {
        %broadcast_in_dim3A = arith.constant 0.000000e+00 : f32
        %broadcast_in_dim3A_563 = vector.broadcast %broadcast_in_dim3A : f32 to vector<16xf32>
        %mul3A_564 = arith.constant 16 : i32
        %mul3A_565 = arith.muli %scan3A_561, %mul3A_564 : i32
        %swap3A = arith.index_cast %mul3A_565 : i32 to index
        %swap3A_566 = tpu.vector_load %arg10[%swap3A] {strides = array<i32>} : memref<6400xf32, #tpu.memory_space<vmem>>, vector<16xf32>,
        %swap3A_567 = vector.shape_cast %swap3A_566 : vector<16xf32> to vector<16xf32>
        %swap3A_568 = vector.shape_cast %broadcast_in_dim3A_563 : vector<16xf32> to vector<16xf32>
        tpu.vector_store %arg10[%swap3A], %swap3A_568 {strides = array<i32>} : memref<6400xf32, #tpu.memory_space<vmem>>, vector<16xf32>,
        %scan3A_569 = arith.constant 0 : i32
        scf.yield %scan3A_569 : i32
      }
      %scan3A_444 = arith.constant 400 : i32
      %scan3A_445 = arith.constant 0 : i32
      %scan3A_446 = arith.constant 0 : i32
      %scan3A_447 = arith.constant 14 : i32
      %scan3A_448 = arith.addi %scan3A_446, %scan3A_447 : i32
      %scan3A_449 = arith.constant 1 : i32
      %scan3A_450 = scf.for %scan3A_561 = %scan3A_446 to %scan3A_448 step %scan3A_449 iter_args(%scan3A_562 = %scan3A_445) -> (i32)  : i32 {
        %mul3A_563 = arith.constant 89600 : i32
        %mul3A_564 = arith.muli %arg1, %mul3A_563 : i32
        %mul3A_565 = arith.constant 6400 : i32
        %mul3A_566 = arith.muli %scan3A_561, %mul3A_565 : i32
        %add3A_567 = arith.addi %mul3A_564, %mul3A_566 : i32
        "tpu.region"() ({
          %run_scoped3A = tpu.sem_alloc : memref<!tpu.dma_semaphore, #tpu.memory_space<semaphore_mem>>
          %dma_start3A_569 = tpu.memref_slice %arg12[%add3A_567] : memref<1433600xf32, #tpu.memory_space<vmem_shared>> -> memref<6400xf32, #tpu.memory_space<vmem_shared>>
          %dma_start3A_570 = tpu.memref_slice %arg12[%add3A_567] : memref<1433600xf32, #tpu.memory_space<vmem_shared>> -> memref<6400xf32, #tpu.memory_space<vmem_shared>>
          tpu.enqueue_dma source(%arg10 : memref<6400xf32, #tpu.memory_space<vmem>>) target(%dma_start3A_570 : memref<6400xf32, #tpu.memory_space<vmem_shared>>) target_semaphore(%run_scoped3A : memref<!tpu.dma_semaphore, #tpu.memory_space<semaphore_mem>>)
          %dma_wait3A_571 = tpu.memref_slice %arg12[%add3A_567] : memref<1433600xf32, #tpu.memory_space<vmem_shared>> -> memref<6400xf32, #tpu.memory_space<vmem_shared>>
          %dma_wait3A_572 = tpu.memref_slice %arg12[%add3A_567] : memref<1433600xf32, #tpu.memory_space<vmem_shared>> -> memref<6400xf32, #tpu.memory_space<vmem_shared>>
          tpu.wait_dma2 semaphore(%run_scoped3A : memref<!tpu.dma_semaphore, #tpu.memory_space<semaphore_mem>>) src(%arg10 : memref<6400xf32, #tpu.memory_space<vmem>>) dst(%dma_wait3A_572 : memref<6400xf32, #tpu.memory_space<vmem_shared>>)
          tpu.yield
        }) : () -> ()
        %scan3A_568 = arith.constant 0 : i32
        scf.yield %scan3A_568 : i32
      }
      %scan3A_451 = arith.constant 14 : i32
      %barrier3A = arith.constant 0 : index
      tpu.barrier barrier_id(%barrier3A)
      %mul3A_452 = arith.constant 1280 : i32
      %mul3A_453 = arith.muli %scan3A_436, %mul3A_452 : i32
      %mul3A_454 = arith.constant 80 : i32
      %mul3A_455 = arith.muli %arg1, %mul3A_454 : i32
      %add3A_456 = arith.addi %mul3A_453, %mul3A_455 : i32
      %mul3A_457 = arith.constant 3 : i32
      %mul3A_458 = arith.muli %arg0, %mul3A_457 : i32
      %mul3A_459 = arith.constant 4096000 : i32
      %mul3A_460 = arith.muli %mul3A_458, %mul3A_459 : i32
      %mul3A_461 = arith.constant 800 : i32
      %mul3A_462 = arith.muli %add3A_456, %mul3A_461 : i32
      %add3A_463 = arith.addi %mul3A_460, %mul3A_462 : i32
      %add3A_464 = arith.constant 0 : i32
      %add3A_465 = arith.addi %add3A_463, %add3A_464 : i32
      %dma_start3A = arith.constant 0 : i32
      %dma_start3A_466 = tpu.memref_slice %arg6[%dma_start3A] : memref<2400xf32, #tpu.memory_space<vmem>> -> memref<800xf32, #tpu.memory_space<vmem>>
      %dma_start3A_467 = tpu.memref_slice %arg2[%add3A_465] : memref<24576000xf32, #tpu.memory_space<hbm>> -> memref<800xf32, #tpu.memory_space<hbm>>
      %dma_start3A_468 = arith.constant 0 : i32
      %dma_start3A_469 = tpu.memref_slice %arg6[%dma_start3A_468] : memref<2400xf32, #tpu.memory_space<vmem>> -> memref<800xf32, #tpu.memory_space<vmem>>
      %dma_start3A_470 = tpu.memref_slice %arg2[%add3A_465] : memref<24576000xf32, #tpu.memory_space<hbm>> -> memref<800xf32, #tpu.memory_space<hbm>>
      tpu.enqueue_dma source(%dma_start3A_470 : memref<800xf32, #tpu.memory_space<hbm>>) target(%dma_start3A_469 : memref<800xf32, #tpu.memory_space<vmem>>) target_semaphore(%arg13 : memref<!tpu.dma_semaphore, #tpu.memory_space<semaphore_mem>>)
      %add3A_471 = arith.constant 4096000 : i32
      %add3A_472 = arith.addi %add3A_463, %add3A_471 : i32
      %dma_start3A_473 = arith.constant 800 : i32
      %dma_start3A_474 = tpu.memref_slice %arg6[%dma_start3A_473] : memref<2400xf32, #tpu.memory_space<vmem>> -> memref<800xf32, #tpu.memory_space<vmem>>
      %dma_start3A_475 = tpu.memref_slice %arg2[%add3A_472] : memref<24576000xf32, #tpu.memory_space<hbm>> -> memref<800xf32, #tpu.memory_space<hbm>>
      %dma_start3A_476 = arith.constant 800 : i32
      %dma_start3A_477 = tpu.memref_slice %arg6[%dma_start3A_476] : memref<2400xf32, #tpu.memory_space<vmem>> -> memref<800xf32, #tpu.memory_space<vmem>>
      %dma_start3A_478 = tpu.memref_slice %arg2[%add3A_472] : memref<24576000xf32, #tpu.memory_space<hbm>> -> memref<800xf32, #tpu.memory_space<hbm>>
      tpu.enqueue_dma source(%dma_start3A_478 : memref<800xf32, #tpu.memory_space<hbm>>) target(%dma_start3A_477 : memref<800xf32, #tpu.memory_space<vmem>>) target_semaphore(%arg13 : memref<!tpu.dma_semaphore, #tpu.memory_space<semaphore_mem>>)
      %add3A_479 = arith.constant 8192000 : i32
      %add3A_480 = arith.addi %add3A_463, %add3A_479 : i32
      %dma_start3A_481 = arith.constant 1600 : i32
      %dma_start3A_482 = tpu.memref_slice %arg6[%dma_start3A_481] : memref<2400xf32, #tpu.memory_space<vmem>> -> memref<800xf32, #tpu.memory_space<vmem>>
      %dma_start3A_483 = tpu.memref_slice %arg2[%add3A_480] : memref<24576000xf32, #tpu.memory_space<hbm>> -> memref<800xf32, #tpu.memory_space<hbm>>
      %dma_start3A_484 = arith.constant 1600 : i32
      %dma_start3A_485 = tpu.memref_slice %arg6[%dma_start3A_484] : memref<2400xf32, #tpu.memory_space<vmem>> -> memref<800xf32, #tpu.memory_space<vmem>>
      %dma_start3A_486 = tpu.memref_slice %arg2[%add3A_480] : memref<24576000xf32, #tpu.memory_space<hbm>> -> memref<800xf32, #tpu.memory_space<hbm>>
      tpu.enqueue_dma source(%dma_start3A_486 : memref<800xf32, #tpu.memory_space<hbm>>) target(%dma_start3A_485 : memref<800xf32, #tpu.memory_space<vmem>>) target_semaphore(%arg13 : memref<!tpu.dma_semaphore, #tpu.memory_space<semaphore_mem>>)
      %add3A_487 = arith.constant 1 : i32
      %add3A_488 = arith.addi %add3A_456, %add3A_487 : i32
      %mul3A_489 = arith.constant 3 : i32
      %mul3A_490 = arith.muli %arg0, %mul3A_489 : i32
      %mul3A_491 = arith.constant 4096000 : i32
      %mul3A_492 = arith.muli %mul3A_490, %mul3A_491 : i32
      %mul3A_493 = arith.constant 800 : i32
      %mul3A_494 = arith.muli %add3A_488, %mul3A_493 : i32
      %add3A_495 = arith.addi %mul3A_492, %mul3A_494 : i32
      %add3A_496 = arith.constant 0 : i32
      %add3A_497 = arith.addi %add3A_495, %add3A_496 : i32
      %dma_start3A_498 = arith.constant 0 : i32
      %dma_start3A_499 = tpu.memref_slice %arg7[%dma_start3A_498] : memref<2400xf32, #tpu.memory_space<vmem>> -> memref<800xf32, #tpu.memory_space<vmem>>
      %dma_start3A_500 = tpu.memref_slice %arg2[%add3A_497] : memref<24576000xf32, #tpu.memory_space<hbm>> -> memref<800xf32, #tpu.memory_space<hbm>>
      %dma_start3A_501 = arith.constant 0 : i32
      %dma_start3A_502 = tpu.memref_slice %arg7[%dma_start3A_501] : memref<2400xf32, #tpu.memory_space<vmem>> -> memref<800xf32, #tpu.memory_space<vmem>>
      %dma_start3A_503 = tpu.memref_slice %arg2[%add3A_497] : memref<24576000xf32, #tpu.memory_space<hbm>> -> memref<800xf32, #tpu.memory_space<hbm>>
      tpu.enqueue_dma source(%dma_start3A_503 : memref<800xf32, #tpu.memory_space<hbm>>) target(%dma_start3A_502 : memref<800xf32, #tpu.memory_space<vmem>>) target_semaphore(%arg14 : memref<!tpu.dma_semaphore, #tpu.memory_space<semaphore_mem>>)
      %add3A_504 = arith.constant 4096000 : i32
      %add3A_505 = arith.addi %add3A_495, %add3A_504 : i32
      %dma_start3A_506 = arith.constant 800 : i32
      %dma_start3A_507 = tpu.memref_slice %arg7[%dma_start3A_506] : memref<2400xf32, #tpu.memory_space<vmem>> -> memref<800xf32, #tpu.memory_space<vmem>>
      %dma_start3A_508 = tpu.memref_slice %arg2[%add3A_505] : memref<24576000xf32, #tpu.memory_space<hbm>> -> memref<800xf32, #tpu.memory_space<hbm>>
      %dma_start3A_509 = arith.constant 800 : i32
      %dma_start3A_510 = tpu.memref_slice %arg7[%dma_start3A_509] : memref<2400xf32, #tpu.memory_space<vmem>> -> memref<800xf32, #tpu.memory_space<vmem>>
      %dma_start3A_511 = tpu.memref_slice %arg2[%add3A_505] : memref<24576000xf32, #tpu.memory_space<hbm>> -> memref<800xf32, #tpu.memory_space<hbm>>
      tpu.enqueue_dma source(%dma_start3A_511 : memref<800xf32, #tpu.memory_space<hbm>>) target(%dma_start3A_510 : memref<800xf32, #tpu.memory_space<vmem>>) target_semaphore(%arg14 : memref<!tpu.dma_semaphore, #tpu.memory_space<semaphore_mem>>)
      %add3A_512 = arith.constant 8192000 : i32
      %add3A_513 = arith.addi %add3A_495, %add3A_512 : i32
      %dma_start3A_514 = arith.constant 1600 : i32
      %dma_start3A_515 = tpu.memref_slice %arg7[%dma_start3A_514] : memref<2400xf32, #tpu.memory_space<vmem>> -> memref<800xf32, #tpu.memory_space<vmem>>
      %dma_start3A_516 = tpu.memref_slice %arg2[%add3A_513] : memref<24576000xf32, #tpu.memory_space<hbm>> -> memref<800xf32, #tpu.memory_space<hbm>>
      %dma_start3A_517 = arith.constant 1600 : i32
      %dma_start3A_518 = tpu.memref_slice %arg7[%dma_start3A_517] : memref<2400xf32, #tpu.memory_space<vmem>> -> memref<800xf32, #tpu.memory_space<vmem>>
      %dma_start3A_519 = tpu.memref_slice %arg2[%add3A_513] : memref<24576000xf32, #tpu.memory_space<hbm>> -> memref<800xf32, #tpu.memory_space<hbm>>
      tpu.enqueue_dma source(%dma_start3A_519 : memref<800xf32, #tpu.memory_space<hbm>>) target(%dma_start3A_518 : memref<800xf32, #tpu.memory_space<vmem>>) target_semaphore(%arg14 : memref<!tpu.dma_semaphore, #tpu.memory_space<semaphore_mem>>)
      %scan3A_520 = arith.constant 0 : i32
      %scan3A_521 = arith.constant 0 : i32
      %scan3A_522 = arith.constant 40 : i32
      %scan3A_523 = arith.addi %scan3A_521, %scan3A_522 : i32
      %scan3A_524 = arith.constant 1 : i32
      %scan3A_525 = scf.for %scan3A_561 = %scan3A_521 to %scan3A_523 step %scan3A_524 iter_args(%scan3A_562 = %scan3A_520) -> (i32)  : i32 {
        %mul3A_563 = arith.constant 2 : i32
        %mul3A_564 = arith.muli %mul3A_563, %scan3A_561 : i32
        %add3A_565 = arith.constant 0 : i32
        %add3A_566 = arith.addi %mul3A_564, %add3A_565 : i32
        %dma_wait3A_567 = arith.constant 0 : i32
        %dma_wait3A_568 = tpu.memref_slice %arg6[%dma_wait3A_567] : memref<2400xf32, #tpu.memory_space<vmem>> -> memref<800xf32, #tpu.memory_space<vmem>>
        %dma_wait3A_569 = arith.constant 0 : i32
        %dma_wait3A_570 = tpu.memref_slice %arg2[%dma_wait3A_569] : memref<24576000xf32, #tpu.memory_space<hbm>> -> memref<800xf32, #tpu.memory_space<hbm>>
        %dma_wait3A_571 = arith.constant 0 : i32
        %dma_wait3A_572 = tpu.memref_slice %arg6[%dma_wait3A_571] : memref<2400xf32, #tpu.memory_space<vmem>> -> memref<800xf32, #tpu.memory_space<vmem>>
        %dma_wait3A_573 = arith.constant 0 : i32
        %dma_wait3A_574 = tpu.memref_slice %arg2[%dma_wait3A_573] : memref<24576000xf32, #tpu.memory_space<hbm>> -> memref<800xf32, #tpu.memory_space<hbm>>
        tpu.wait_dma2 semaphore(%arg13 : memref<!tpu.dma_semaphore, #tpu.memory_space<semaphore_mem>>) src(%dma_wait3A_574 : memref<800xf32, #tpu.memory_space<hbm>>) dst(%dma_wait3A_572 : memref<800xf32, #tpu.memory_space<vmem>>)
        %dma_wait3A_575 = arith.constant 800 : i32
        %dma_wait3A_576 = tpu.memref_slice %arg6[%dma_wait3A_575] : memref<2400xf32, #tpu.memory_space<vmem>> -> memref<800xf32, #tpu.memory_space<vmem>>
        %dma_wait3A_577 = arith.constant 0 : i32
        %dma_wait3A_578 = tpu.memref_slice %arg2[%dma_wait3A_577] : memref<24576000xf32, #tpu.memory_space<hbm>> -> memref<800xf32, #tpu.memory_space<hbm>>
        %dma_wait3A_579 = arith.constant 800 : i32
        %dma_wait3A_580 = tpu.memref_slice %arg6[%dma_wait3A_579] : memref<2400xf32, #tpu.memory_space<vmem>> -> memref<800xf32, #tpu.memory_space<vmem>>
        %dma_wait3A_581 = arith.constant 0 : i32
        %dma_wait3A_582 = tpu.memref_slice %arg2[%dma_wait3A_581] : memref<24576000xf32, #tpu.memory_space<hbm>> -> memref<800xf32, #tpu.memory_space<hbm>>
        tpu.wait_dma2 semaphore(%arg13 : memref<!tpu.dma_semaphore, #tpu.memory_space<semaphore_mem>>) src(%dma_wait3A_582 : memref<800xf32, #tpu.memory_space<hbm>>) dst(%dma_wait3A_580 : memref<800xf32, #tpu.memory_space<vmem>>)
        %dma_wait3A_583 = arith.constant 1600 : i32
        %dma_wait3A_584 = tpu.memref_slice %arg6[%dma_wait3A_583] : memref<2400xf32, #tpu.memory_space<vmem>> -> memref<800xf32, #tpu.memory_space<vmem>>
        %dma_wait3A_585 = arith.constant 0 : i32
        %dma_wait3A_586 = tpu.memref_slice %arg2[%dma_wait3A_585] : memref<24576000xf32, #tpu.memory_space<hbm>> -> memref<800xf32, #tpu.memory_space<hbm>>
        %dma_wait3A_587 = arith.constant 1600 : i32
        %dma_wait3A_588 = tpu.memref_slice %arg6[%dma_wait3A_587] : memref<2400xf32, #tpu.memory_space<vmem>> -> memref<800xf32, #tpu.memory_space<vmem>>
        %dma_wait3A_589 = arith.constant 0 : i32
        %dma_wait3A_590 = tpu.memref_slice %arg2[%dma_wait3A_589] : memref<24576000xf32, #tpu.memory_space<hbm>> -> memref<800xf32, #tpu.memory_space<hbm>>
        tpu.wait_dma2 semaphore(%arg13 : memref<!tpu.dma_semaphore, #tpu.memory_space<semaphore_mem>>) src(%dma_wait3A_590 : memref<800xf32, #tpu.memory_space<hbm>>) dst(%dma_wait3A_588 : memref<800xf32, #tpu.memory_space<vmem>>)
        %ge3A = arith.constant 2 : i32
        %ge3A_591 = arith.cmpi sge, %add3A_566, %ge3A : i32
        %convert_element_type3A = arith.extui %ge3A_591 : i1 to i32
        %cond3A = arith.constant 0 : i32
        %cond3A_592 = arith.cmpi ne, %convert_element_type3A, %cond3A : i32
        scf.if %cond3A_592 {
          %dma_wait3A_671 = arith.constant 0 : i32
          %dma_wait3A_672 = tpu.memref_slice %arg12[%dma_wait3A_671] : memref<1433600xf32, #tpu.memory_space<vmem_shared>> -> memref<1433600xf32, #tpu.memory_space<vmem_shared>>
          tpu.wait_indirect_dma semaphore(%arg15 : memref<!tpu.dma_semaphore, #tpu.memory_space<semaphore_mem>>) src(%arg10 : memref<6400xf32, #tpu.memory_space<vmem>>) dst(%dma_wait3A_672 : memref<1433600xf32, #tpu.memory_space<vmem_shared>>)
        } else {
        }
        %add3A_593 = arith.addi %add3A_456, %add3A_566 : i32
        %shift_right_arithmetic3A = arith.constant 5 : i32
        %shift_right_arithmetic3A_594 = arith.shrsi %add3A_593, %shift_right_arithmetic3A : i32
        %and3A = arith.constant 31 : i32
        %and3A_595 = arith.andi %add3A_593, %and3A : i32
        %mul3A_596 = arith.constant 5 : i32
        %mul3A_597 = arith.muli %and3A_595, %mul3A_596 : i32
        %convert_element_type3A_598 = arith.sitofp %shift_right_arithmetic3A_594 : i32 to f32
        %mul3A_599 = arith.constant 40 : i32
        %mul3A_600 = arith.muli %scan3A_436, %mul3A_599 : i32
        %add3A_601 = arith.constant 152 : i32
        %add3A_602 = arith.addi %add3A_601, %mul3A_600 : i32
        %parallel_loop3A = arith.constant 0 : i32
        %parallel_loop3A_603 = arith.constant 50 : i32
        %parallel_loop3A_604 = arith.constant 1 : i32
        scf.for %parallel_loop3A_671 = %parallel_loop3A to %parallel_loop3A_603 step %parallel_loop3A_604  : i32 {
          %parallel_loop3A_672 = arith.constant 6554 : i32
          %parallel_loop3A_673 = arith.muli %parallel_loop3A_671, %parallel_loop3A_672 : i32
          %parallel_loop3A_674 = arith.constant 16 : i32
          %parallel_loop3A_675 = arith.shrsi %parallel_loop3A_673, %parallel_loop3A_674 : i32
          %parallel_loop3A_676 = arith.constant 10 : i32
          %parallel_loop3A_677 = arith.muli %parallel_loop3A_675, %parallel_loop3A_676 : i32
          %parallel_loop3A_678 = arith.subi %parallel_loop3A_671, %parallel_loop3A_677 : i32
          %parallel_loop3A_679 = arith.constant 16 : i32
          %parallel_loop3A_680 = arith.muli %parallel_loop3A_671, %parallel_loop3A_679 : i32
          %parallel_loop3A_681 = arith.index_cast %parallel_loop3A_680 : i32 to index
          %parallel_loop3A_682 = tpu.vector_load %arg6[%parallel_loop3A_681] {strides = array<i32>} : memref<2400xf32, #tpu.memory_space<vmem>>, vector<16xf32>,
          %parallel_loop3A_683 = vector.shape_cast %parallel_loop3A_682 : vector<16xf32> to vector<16xf32>
          %parallel_loop3A_684 = arith.constant 800 : i32
          %parallel_loop3A_685 = arith.addi %parallel_loop3A_684, %parallel_loop3A_680 : i32
          %parallel_loop3A_686 = arith.index_cast %parallel_loop3A_685 : i32 to index
          %parallel_loop3A_687 = tpu.vector_load %arg6[%parallel_loop3A_686] {strides = array<i32>} : memref<2400xf32, #tpu.memory_space<vmem>>, vector<16xf32>,
          %parallel_loop3A_688 = vector.shape_cast %parallel_loop3A_687 : vector<16xf32> to vector<16xf32>
          %parallel_loop3A_689 = arith.constant 1600 : i32
          %parallel_loop3A_690 = arith.addi %parallel_loop3A_689, %parallel_loop3A_680 : i32
          %parallel_loop3A_691 = arith.index_cast %parallel_loop3A_690 : i32 to index
          %parallel_loop3A_692 = tpu.vector_load %arg6[%parallel_loop3A_691] {strides = array<i32>} : memref<2400xf32, #tpu.memory_space<vmem>>, vector<16xf32>,
          %parallel_loop3A_693 = vector.shape_cast %parallel_loop3A_692 : vector<16xf32> to vector<16xf32>
          %parallel_loop3A_694 = arith.constant 16 : i32
          %parallel_loop3A_695 = arith.muli %parallel_loop3A_678, %parallel_loop3A_694 : i32
          %parallel_loop3A_696 = vector.broadcast %parallel_loop3A_695 : i32 to vector<16xi32>
          %parallel_loop3A_697 = arith.addi %iota3A, %parallel_loop3A_696 : vector<16xi32>
          %parallel_loop3A_698 = arith.sitofp %parallel_loop3A_697 : vector<16xi32> to vector<16xf32>
          %parallel_loop3A_699 = arith.addi %mul3A_597, %parallel_loop3A_675 : i32
          %parallel_loop3A_700 = arith.sitofp %parallel_loop3A_699 : i32 to f32
          %parallel_loop3A_701 = arith.addf %parallel_loop3A_693, %parallel_loop3A_698 : vector<16xf32>
          %parallel_loop3A_702 = arith.constant 1.600000e+02 : f32
          %parallel_loop3A_703 = vector.broadcast %parallel_loop3A_702 : f32 to vector<16xf32>
          %parallel_loop3A_704 = arith.addf %parallel_loop3A_701, %parallel_loop3A_703 : vector<16xf32>
          %parallel_loop3A_705 = arith.fptosi %parallel_loop3A_704 : vector<16xf32> to vector<16xi32>
          %parallel_loop3A_706 = arith.sitofp %parallel_loop3A_705 : vector<16xi32> to vector<16xf32>
          %parallel_loop3A_707 = arith.subf %parallel_loop3A_704, %parallel_loop3A_706 : vector<16xf32>
          %parallel_loop3A_708 = vector.broadcast %parallel_loop3A_700 : f32 to vector<16xf32>
          %parallel_loop3A_709 = arith.addf %parallel_loop3A_688, %parallel_loop3A_708 : vector<16xf32>
          %parallel_loop3A_710 = arith.constant 1.600000e+02 : f32
          %parallel_loop3A_711 = vector.broadcast %parallel_loop3A_710 : f32 to vector<16xf32>
          %parallel_loop3A_712 = arith.addf %parallel_loop3A_709, %parallel_loop3A_711 : vector<16xf32>
          %parallel_loop3A_713 = arith.fptosi %parallel_loop3A_712 : vector<16xf32> to vector<16xi32>
          %parallel_loop3A_714 = arith.sitofp %parallel_loop3A_713 : vector<16xi32> to vector<16xf32>
          %parallel_loop3A_715 = arith.subf %parallel_loop3A_712, %parallel_loop3A_714 : vector<16xf32>
          %parallel_loop3A_716 = vector.broadcast %convert_element_type3A_598 : f32 to vector<16xf32>
          %parallel_loop3A_717 = arith.addf %parallel_loop3A_683, %parallel_loop3A_716 : vector<16xf32>
          %parallel_loop3A_718 = arith.constant 1.600000e+02 : f32
          %parallel_loop3A_719 = vector.broadcast %parallel_loop3A_718 : f32 to vector<16xf32>
          %parallel_loop3A_720 = arith.addf %parallel_loop3A_717, %parallel_loop3A_719 : vector<16xf32>
          %parallel_loop3A_721 = arith.fptosi %parallel_loop3A_720 : vector<16xf32> to vector<16xi32>
          %parallel_loop3A_722 = arith.sitofp %parallel_loop3A_721 : vector<16xi32> to vector<16xf32>
          %parallel_loop3A_723 = arith.subf %parallel_loop3A_720, %parallel_loop3A_722 : vector<16xf32>
          %parallel_loop3A_724 = arith.constant 320 : i32
          %parallel_loop3A_725 = vector.broadcast %parallel_loop3A_724 : i32 to vector<16xi32>
          %parallel_loop3A_726 = arith.cmpi sge, %parallel_loop3A_705, %parallel_loop3A_725 : vector<16xi32>
          %parallel_loop3A_727 = arith.constant 320 : i32
          %parallel_loop3A_728 = vector.broadcast %parallel_loop3A_727 : i32 to vector<16xi32>
          %parallel_loop3A_729 = arith.subi %parallel_loop3A_705, %parallel_loop3A_728 : vector<16xi32>
          %parallel_loop3A_730 = arith.select %parallel_loop3A_726, %parallel_loop3A_729, %parallel_loop3A_705 : vector<16xi1>, vector<16xi32>
          %parallel_loop3A_731 = arith.constant 160 : i32
          %parallel_loop3A_732 = vector.broadcast %parallel_loop3A_731 : i32 to vector<16xi32>
          %parallel_loop3A_733 = arith.cmpi sge, %parallel_loop3A_730, %parallel_loop3A_732 : vector<16xi32>
          %parallel_loop3A_734 = arith.constant 160 : i32
          %parallel_loop3A_735 = vector.broadcast %parallel_loop3A_734 : i32 to vector<16xi32>
          %parallel_loop3A_736 = arith.subi %parallel_loop3A_730, %parallel_loop3A_735 : vector<16xi32>
          %parallel_loop3A_737 = arith.select %parallel_loop3A_733, %parallel_loop3A_736, %parallel_loop3A_730 : vector<16xi1>, vector<16xi32>
          %parallel_loop3A_738 = arith.constant 1 : i32
          %parallel_loop3A_739 = vector.broadcast %parallel_loop3A_738 : i32 to vector<16xi32>
          %parallel_loop3A_740 = arith.addi %parallel_loop3A_737, %parallel_loop3A_739 : vector<16xi32>
          %parallel_loop3A_741 = arith.constant 160 : i32
          %parallel_loop3A_742 = vector.broadcast %parallel_loop3A_741 : i32 to vector<16xi32>
          %parallel_loop3A_743 = arith.cmpi sge, %parallel_loop3A_740, %parallel_loop3A_742 : vector<16xi32>
          %parallel_loop3A_744 = arith.constant 1 : i32
          %parallel_loop3A_745 = vector.broadcast %parallel_loop3A_744 : i32 to vector<16xi32>
          %parallel_loop3A_746 = arith.addi %parallel_loop3A_737, %parallel_loop3A_745 : vector<16xi32>
          %parallel_loop3A_747 = arith.constant 160 : i32
          %parallel_loop3A_748 = vector.broadcast %parallel_loop3A_747 : i32 to vector<16xi32>
          %parallel_loop3A_749 = arith.subi %parallel_loop3A_746, %parallel_loop3A_748 : vector<16xi32>
          %parallel_loop3A_750 = arith.constant 1 : i32
          %parallel_loop3A_751 = vector.broadcast %parallel_loop3A_750 : i32 to vector<16xi32>
          %parallel_loop3A_752 = arith.addi %parallel_loop3A_737, %parallel_loop3A_751 : vector<16xi32>
          %parallel_loop3A_753 = arith.select %parallel_loop3A_743, %parallel_loop3A_749, %parallel_loop3A_752 : vector<16xi1>, vector<16xi32>
          %parallel_loop3A_754 = arith.constant 320 : i32
          %parallel_loop3A_755 = vector.broadcast %parallel_loop3A_754 : i32 to vector<16xi32>
          %parallel_loop3A_756 = arith.cmpi sge, %parallel_loop3A_713, %parallel_loop3A_755 : vector<16xi32>
          %parallel_loop3A_757 = arith.constant 320 : i32
          %parallel_loop3A_758 = vector.broadcast %parallel_loop3A_757 : i32 to vector<16xi32>
          %parallel_loop3A_759 = arith.subi %parallel_loop3A_713, %parallel_loop3A_758 : vector<16xi32>
          %parallel_loop3A_760 = arith.select %parallel_loop3A_756, %parallel_loop3A_759, %parallel_loop3A_713 : vector<16xi1>, vector<16xi32>
          %parallel_loop3A_761 = arith.constant 160 : i32
          %parallel_loop3A_762 = vector.broadcast %parallel_loop3A_761 : i32 to vector<16xi32>
          %parallel_loop3A_763 = arith.cmpi sge, %parallel_loop3A_760, %parallel_loop3A_762 : vector<16xi32>
          %parallel_loop3A_764 = arith.constant 160 : i32
          %parallel_loop3A_765 = vector.broadcast %parallel_loop3A_764 : i32 to vector<16xi32>
          %parallel_loop3A_766 = arith.subi %parallel_loop3A_760, %parallel_loop3A_765 : vector<16xi32>
          %parallel_loop3A_767 = arith.select %parallel_loop3A_763, %parallel_loop3A_766, %parallel_loop3A_760 : vector<16xi1>, vector<16xi32>
          %parallel_loop3A_768 = arith.constant 1 : i32
          %parallel_loop3A_769 = vector.broadcast %parallel_loop3A_768 : i32 to vector<16xi32>
          %parallel_loop3A_770 = arith.addi %parallel_loop3A_767, %parallel_loop3A_769 : vector<16xi32>
          %parallel_loop3A_771 = arith.constant 160 : i32
          %parallel_loop3A_772 = vector.broadcast %parallel_loop3A_771 : i32 to vector<16xi32>
          %parallel_loop3A_773 = arith.cmpi sge, %parallel_loop3A_770, %parallel_loop3A_772 : vector<16xi32>
          %parallel_loop3A_774 = arith.constant 1 : i32
          %parallel_loop3A_775 = vector.broadcast %parallel_loop3A_774 : i32 to vector<16xi32>
          %parallel_loop3A_776 = arith.addi %parallel_loop3A_767, %parallel_loop3A_775 : vector<16xi32>
          %parallel_loop3A_777 = arith.constant 160 : i32
          %parallel_loop3A_778 = vector.broadcast %parallel_loop3A_777 : i32 to vector<16xi32>
          %parallel_loop3A_779 = arith.subi %parallel_loop3A_776, %parallel_loop3A_778 : vector<16xi32>
          %parallel_loop3A_780 = arith.constant 1 : i32
          %parallel_loop3A_781 = vector.broadcast %parallel_loop3A_780 : i32 to vector<16xi32>
          %parallel_loop3A_782 = arith.addi %parallel_loop3A_767, %parallel_loop3A_781 : vector<16xi32>
          %parallel_loop3A_783 = arith.select %parallel_loop3A_773, %parallel_loop3A_779, %parallel_loop3A_782 : vector<16xi1>, vector<16xi32>
          %parallel_loop3A_784 = vector.broadcast %add3A_602 : i32 to vector<16xi32>
          %parallel_loop3A_785 = arith.subi %parallel_loop3A_721, %parallel_loop3A_784 : vector<16xi32>
          %parallel_loop3A_786 = arith.constant 0 : i32
          %parallel_loop3A_787 = arith.constant 55 : i32
          %parallel_loop3A_788 = vector.broadcast %parallel_loop3A_786 : i32 to vector<16xi32>
          %parallel_loop3A_789 = arith.maxsi %parallel_loop3A_788, %parallel_loop3A_785 : vector<16xi32>
          %parallel_loop3A_790 = vector.broadcast %parallel_loop3A_787 : i32 to vector<16xi32>
          %parallel_loop3A_791 = arith.minsi %parallel_loop3A_790, %parallel_loop3A_789 : vector<16xi32>
          %parallel_loop3A_792 = arith.constant 1 : i32
          %parallel_loop3A_793 = vector.broadcast %parallel_loop3A_792 : i32 to vector<16xi32>
          %parallel_loop3A_794 = arith.addi %parallel_loop3A_791, %parallel_loop3A_793 : vector<16xi32>
          %parallel_loop3A_795 = arith.constant 55 : i32
          %parallel_loop3A_796 = vector.broadcast %parallel_loop3A_795 : i32 to vector<16xi32>
          %parallel_loop3A_797 = arith.minsi %parallel_loop3A_794, %parallel_loop3A_796 : vector<16xi32>
          %parallel_loop3A_798 = arith.constant 25600 : i32
          %parallel_loop3A_799 = vector.broadcast %parallel_loop3A_798 : i32 to vector<16xi32>
          %parallel_loop3A_800 = arith.muli %parallel_loop3A_791, %parallel_loop3A_799 : vector<16xi32>
          %parallel_loop3A_801 = arith.constant 25600 : i32
          %parallel_loop3A_802 = vector.broadcast %parallel_loop3A_801 : i32 to vector<16xi32>
          %parallel_loop3A_803 = arith.muli %parallel_loop3A_797, %parallel_loop3A_802 : vector<16xi32>
          %parallel_loop3A_804 = arith.constant 160 : i32
          %parallel_loop3A_805 = vector.broadcast %parallel_loop3A_804 : i32 to vector<16xi32>
          %parallel_loop3A_806 = arith.muli %parallel_loop3A_767, %parallel_loop3A_805 : vector<16xi32>
          %parallel_loop3A_807 = arith.constant 160 : i32
          %parallel_loop3A_808 = vector.broadcast %parallel_loop3A_807 : i32 to vector<16xi32>
          %parallel_loop3A_809 = arith.muli %parallel_loop3A_783, %parallel_loop3A_808 : vector<16xi32>
          %parallel_loop3A_810 = arith.addi %parallel_loop3A_800, %parallel_loop3A_806 : vector<16xi32>
          %parallel_loop3A_811 = arith.addi %parallel_loop3A_800, %parallel_loop3A_809 : vector<16xi32>
          %parallel_loop3A_812 = arith.addi %parallel_loop3A_803, %parallel_loop3A_806 : vector<16xi32>
          %parallel_loop3A_813 = arith.addi %parallel_loop3A_803, %parallel_loop3A_809 : vector<16xi32>
          %parallel_loop3A_814 = arith.constant 1.000000e+00 : f32
          %parallel_loop3A_815 = vector.broadcast %parallel_loop3A_814 : f32 to vector<16xf32>
          %parallel_loop3A_816 = arith.subf %parallel_loop3A_815, %parallel_loop3A_707 : vector<16xf32>
          %parallel_loop3A_817 = arith.constant 1.000000e+00 : f32
          %parallel_loop3A_818 = vector.broadcast %parallel_loop3A_817 : f32 to vector<16xf32>
          %parallel_loop3A_819 = arith.subf %parallel_loop3A_818, %parallel_loop3A_715 : vector<16xf32>
          %parallel_loop3A_820 = arith.constant 1.000000e+00 : f32
          %parallel_loop3A_821 = vector.broadcast %parallel_loop3A_820 : f32 to vector<16xf32>
          %parallel_loop3A_822 = arith.subf %parallel_loop3A_821, %parallel_loop3A_723 : vector<16xf32>
          %parallel_loop3A_823 = arith.mulf %parallel_loop3A_822, %parallel_loop3A_819 : vector<16xf32>
          %parallel_loop3A_824 = arith.mulf %parallel_loop3A_822, %parallel_loop3A_715 : vector<16xf32>
          %parallel_loop3A_825 = arith.mulf %parallel_loop3A_723, %parallel_loop3A_819 : vector<16xf32>
          %parallel_loop3A_826 = arith.mulf %parallel_loop3A_723, %parallel_loop3A_715 : vector<16xf32>
          %parallel_loop3A_827 = arith.addi %parallel_loop3A_810, %parallel_loop3A_737 : vector<16xi32>
          %parallel_loop3A_828 = arith.constant 0 : i32
          %parallel_loop3A_829 = arith.addi %parallel_loop3A_828, %parallel_loop3A_680 : i32
          %parallel_loop3A_830 = arith.index_cast %parallel_loop3A_829 : i32 to index
          %parallel_loop3A_831 = tpu.vector_load %arg8[%parallel_loop3A_830] {strides = array<i32>} : memref<6400xi32, #tpu.memory_space<vmem>>, vector<16xi32>,
          %parallel_loop3A_832 = vector.shape_cast %parallel_loop3A_831 : vector<16xi32> to vector<16xi32>
          %parallel_loop3A_833 = vector.shape_cast %parallel_loop3A_827 : vector<16xi32> to vector<16xi32>
          tpu.vector_store %arg8[%parallel_loop3A_830], %parallel_loop3A_833 {strides = array<i32>} : memref<6400xi32, #tpu.memory_space<vmem>>, vector<16xi32>,
          %parallel_loop3A_834 = arith.mulf %parallel_loop3A_823, %parallel_loop3A_816 : vector<16xf32>
          %parallel_loop3A_835 = arith.constant 0 : i32
          %parallel_loop3A_836 = arith.addi %parallel_loop3A_835, %parallel_loop3A_680 : i32
          %parallel_loop3A_837 = arith.index_cast %parallel_loop3A_836 : i32 to index
          %parallel_loop3A_838 = tpu.vector_load %arg10[%parallel_loop3A_837] {strides = array<i32>} : memref<6400xf32, #tpu.memory_space<vmem>>, vector<16xf32>,
          %parallel_loop3A_839 = vector.shape_cast %parallel_loop3A_838 : vector<16xf32> to vector<16xf32>
          %parallel_loop3A_840 = vector.shape_cast %parallel_loop3A_834 : vector<16xf32> to vector<16xf32>
          tpu.vector_store %arg10[%parallel_loop3A_837], %parallel_loop3A_840 {strides = array<i32>} : memref<6400xf32, #tpu.memory_space<vmem>>, vector<16xf32>,
          %parallel_loop3A_841 = arith.addi %parallel_loop3A_810, %parallel_loop3A_753 : vector<16xi32>
          %parallel_loop3A_842 = arith.constant 800 : i32
          %parallel_loop3A_843 = arith.addi %parallel_loop3A_842, %parallel_loop3A_680 : i32
          %parallel_loop3A_844 = arith.index_cast %parallel_loop3A_843 : i32 to index
          %parallel_loop3A_845 = tpu.vector_load %arg8[%parallel_loop3A_844] {strides = array<i32>} : memref<6400xi32, #tpu.memory_space<vmem>>, vector<16xi32>,
          %parallel_loop3A_846 = vector.shape_cast %parallel_loop3A_845 : vector<16xi32> to vector<16xi32>
          %parallel_loop3A_847 = vector.shape_cast %parallel_loop3A_841 : vector<16xi32> to vector<16xi32>
          tpu.vector_store %arg8[%parallel_loop3A_844], %parallel_loop3A_847 {strides = array<i32>} : memref<6400xi32, #tpu.memory_space<vmem>>, vector<16xi32>,
          %parallel_loop3A_848 = arith.mulf %parallel_loop3A_823, %parallel_loop3A_707 : vector<16xf32>
          %parallel_loop3A_849 = arith.constant 800 : i32
          %parallel_loop3A_850 = arith.addi %parallel_loop3A_849, %parallel_loop3A_680 : i32
          %parallel_loop3A_851 = arith.index_cast %parallel_loop3A_850 : i32 to index
          %parallel_loop3A_852 = tpu.vector_load %arg10[%parallel_loop3A_851] {strides = array<i32>} : memref<6400xf32, #tpu.memory_space<vmem>>, vector<16xf32>,
          %parallel_loop3A_853 = vector.shape_cast %parallel_loop3A_852 : vector<16xf32> to vector<16xf32>
          %parallel_loop3A_854 = vector.shape_cast %parallel_loop3A_848 : vector<16xf32> to vector<16xf32>
          tpu.vector_store %arg10[%parallel_loop3A_851], %parallel_loop3A_854 {strides = array<i32>} : memref<6400xf32, #tpu.memory_space<vmem>>, vector<16xf32>,
          %parallel_loop3A_855 = arith.addi %parallel_loop3A_811, %parallel_loop3A_737 : vector<16xi32>
          %parallel_loop3A_856 = arith.constant 1600 : i32
          %parallel_loop3A_857 = arith.addi %parallel_loop3A_856, %parallel_loop3A_680 : i32
          %parallel_loop3A_858 = arith.index_cast %parallel_loop3A_857 : i32 to index
          %parallel_loop3A_859 = tpu.vector_load %arg8[%parallel_loop3A_858] {strides = array<i32>} : memref<6400xi32, #tpu.memory_space<vmem>>, vector<16xi32>,
          %parallel_loop3A_860 = vector.shape_cast %parallel_loop3A_859 : vector<16xi32> to vector<16xi32>
          %parallel_loop3A_861 = vector.shape_cast %parallel_loop3A_855 : vector<16xi32> to vector<16xi32>
          tpu.vector_store %arg8[%parallel_loop3A_858], %parallel_loop3A_861 {strides = array<i32>} : memref<6400xi32, #tpu.memory_space<vmem>>, vector<16xi32>,
          %parallel_loop3A_862 = arith.mulf %parallel_loop3A_824, %parallel_loop3A_816 : vector<16xf32>
          %parallel_loop3A_863 = arith.constant 1600 : i32
          %parallel_loop3A_864 = arith.addi %parallel_loop3A_863, %parallel_loop3A_680 : i32
          %parallel_loop3A_865 = arith.index_cast %parallel_loop3A_864 : i32 to index
          %parallel_loop3A_866 = tpu.vector_load %arg10[%parallel_loop3A_865] {strides = array<i32>} : memref<6400xf32, #tpu.memory_space<vmem>>, vector<16xf32>,
          %parallel_loop3A_867 = vector.shape_cast %parallel_loop3A_866 : vector<16xf32> to vector<16xf32>
          %parallel_loop3A_868 = vector.shape_cast %parallel_loop3A_862 : vector<16xf32> to vector<16xf32>
          tpu.vector_store %arg10[%parallel_loop3A_865], %parallel_loop3A_868 {strides = array<i32>} : memref<6400xf32, #tpu.memory_space<vmem>>, vector<16xf32>,
          %parallel_loop3A_869 = arith.addi %parallel_loop3A_811, %parallel_loop3A_753 : vector<16xi32>
          %parallel_loop3A_870 = arith.constant 2400 : i32
          %parallel_loop3A_871 = arith.addi %parallel_loop3A_870, %parallel_loop3A_680 : i32
          %parallel_loop3A_872 = arith.index_cast %parallel_loop3A_871 : i32 to index
          %parallel_loop3A_873 = tpu.vector_load %arg8[%parallel_loop3A_872] {strides = array<i32>} : memref<6400xi32, #tpu.memory_space<vmem>>, vector<16xi32>,
          %parallel_loop3A_874 = vector.shape_cast %parallel_loop3A_873 : vector<16xi32> to vector<16xi32>
          %parallel_loop3A_875 = vector.shape_cast %parallel_loop3A_869 : vector<16xi32> to vector<16xi32>
          tpu.vector_store %arg8[%parallel_loop3A_872], %parallel_loop3A_875 {strides = array<i32>} : memref<6400xi32, #tpu.memory_space<vmem>>, vector<16xi32>,
          %parallel_loop3A_876 = arith.mulf %parallel_loop3A_824, %parallel_loop3A_707 : vector<16xf32>
          %parallel_loop3A_877 = arith.constant 2400 : i32
          %parallel_loop3A_878 = arith.addi %parallel_loop3A_877, %parallel_loop3A_680 : i32
          %parallel_loop3A_879 = arith.index_cast %parallel_loop3A_878 : i32 to index
          %parallel_loop3A_880 = tpu.vector_load %arg10[%parallel_loop3A_879] {strides = array<i32>} : memref<6400xf32, #tpu.memory_space<vmem>>, vector<16xf32>,
          %parallel_loop3A_881 = vector.shape_cast %parallel_loop3A_880 : vector<16xf32> to vector<16xf32>
          %parallel_loop3A_882 = vector.shape_cast %parallel_loop3A_876 : vector<16xf32> to vector<16xf32>
          tpu.vector_store %arg10[%parallel_loop3A_879], %parallel_loop3A_882 {strides = array<i32>} : memref<6400xf32, #tpu.memory_space<vmem>>, vector<16xf32>,
          %parallel_loop3A_883 = arith.addi %parallel_loop3A_812, %parallel_loop3A_737 : vector<16xi32>
          %parallel_loop3A_884 = arith.constant 3200 : i32
          %parallel_loop3A_885 = arith.addi %parallel_loop3A_884, %parallel_loop3A_680 : i32
          %parallel_loop3A_886 = arith.index_cast %parallel_loop3A_885 : i32 to index
          %parallel_loop3A_887 = tpu.vector_load %arg8[%parallel_loop3A_886] {strides = array<i32>} : memref<6400xi32, #tpu.memory_space<vmem>>, vector<16xi32>,
          %parallel_loop3A_888 = vector.shape_cast %parallel_loop3A_887 : vector<16xi32> to vector<16xi32>
          %parallel_loop3A_889 = vector.shape_cast %parallel_loop3A_883 : vector<16xi32> to vector<16xi32>
          tpu.vector_store %arg8[%parallel_loop3A_886], %parallel_loop3A_889 {strides = array<i32>} : memref<6400xi32, #tpu.memory_space<vmem>>, vector<16xi32>,
          %parallel_loop3A_890 = arith.mulf %parallel_loop3A_825, %parallel_loop3A_816 : vector<16xf32>
          %parallel_loop3A_891 = arith.constant 3200 : i32
          %parallel_loop3A_892 = arith.addi %parallel_loop3A_891, %parallel_loop3A_680 : i32
          %parallel_loop3A_893 = arith.index_cast %parallel_loop3A_892 : i32 to index
          %parallel_loop3A_894 = tpu.vector_load %arg10[%parallel_loop3A_893] {strides = array<i32>} : memref<6400xf32, #tpu.memory_space<vmem>>, vector<16xf32>,
          %parallel_loop3A_895 = vector.shape_cast %parallel_loop3A_894 : vector<16xf32> to vector<16xf32>
          %parallel_loop3A_896 = vector.shape_cast %parallel_loop3A_890 : vector<16xf32> to vector<16xf32>
          tpu.vector_store %arg10[%parallel_loop3A_893], %parallel_loop3A_896 {strides = array<i32>} : memref<6400xf32, #tpu.memory_space<vmem>>, vector<16xf32>,
          %parallel_loop3A_897 = arith.addi %parallel_loop3A_812, %parallel_loop3A_753 : vector<16xi32>
          %parallel_loop3A_898 = arith.constant 4000 : i32
          %parallel_loop3A_899 = arith.addi %parallel_loop3A_898, %parallel_loop3A_680 : i32
          %parallel_loop3A_900 = arith.index_cast %parallel_loop3A_899 : i32 to index
          %parallel_loop3A_901 = tpu.vector_load %arg8[%parallel_loop3A_900] {strides = array<i32>} : memref<6400xi32, #tpu.memory_space<vmem>>, vector<16xi32>,
          %parallel_loop3A_902 = vector.shape_cast %parallel_loop3A_901 : vector<16xi32> to vector<16xi32>
          %parallel_loop3A_903 = vector.shape_cast %parallel_loop3A_897 : vector<16xi32> to vector<16xi32>
          tpu.vector_store %arg8[%parallel_loop3A_900], %parallel_loop3A_903 {strides = array<i32>} : memref<6400xi32, #tpu.memory_space<vmem>>, vector<16xi32>,
          %parallel_loop3A_904 = arith.mulf %parallel_loop3A_825, %parallel_loop3A_707 : vector<16xf32>
          %parallel_loop3A_905 = arith.constant 4000 : i32
          %parallel_loop3A_906 = arith.addi %parallel_loop3A_905, %parallel_loop3A_680 : i32
          %parallel_loop3A_907 = arith.index_cast %parallel_loop3A_906 : i32 to index
          %parallel_loop3A_908 = tpu.vector_load %arg10[%parallel_loop3A_907] {strides = array<i32>} : memref<6400xf32, #tpu.memory_space<vmem>>, vector<16xf32>,
          %parallel_loop3A_909 = vector.shape_cast %parallel_loop3A_908 : vector<16xf32> to vector<16xf32>
          %parallel_loop3A_910 = vector.shape_cast %parallel_loop3A_904 : vector<16xf32> to vector<16xf32>
          tpu.vector_store %arg10[%parallel_loop3A_907], %parallel_loop3A_910 {strides = array<i32>} : memref<6400xf32, #tpu.memory_space<vmem>>, vector<16xf32>,
          %parallel_loop3A_911 = arith.addi %parallel_loop3A_813, %parallel_loop3A_737 : vector<16xi32>
          %parallel_loop3A_912 = arith.constant 4800 : i32
          %parallel_loop3A_913 = arith.addi %parallel_loop3A_912, %parallel_loop3A_680 : i32
          %parallel_loop3A_914 = arith.index_cast %parallel_loop3A_913 : i32 to index
          %parallel_loop3A_915 = tpu.vector_load %arg8[%parallel_loop3A_914] {strides = array<i32>} : memref<6400xi32, #tpu.memory_space<vmem>>, vector<16xi32>,
          %parallel_loop3A_916 = vector.shape_cast %parallel_loop3A_915 : vector<16xi32> to vector<16xi32>
          %parallel_loop3A_917 = vector.shape_cast %parallel_loop3A_911 : vector<16xi32> to vector<16xi32>
          tpu.vector_store %arg8[%parallel_loop3A_914], %parallel_loop3A_917 {strides = array<i32>} : memref<6400xi32, #tpu.memory_space<vmem>>, vector<16xi32>,
          %parallel_loop3A_918 = arith.mulf %parallel_loop3A_826, %parallel_loop3A_816 : vector<16xf32>
          %parallel_loop3A_919 = arith.constant 4800 : i32
          %parallel_loop3A_920 = arith.addi %parallel_loop3A_919, %parallel_loop3A_680 : i32
          %parallel_loop3A_921 = arith.index_cast %parallel_loop3A_920 : i32 to index
          %parallel_loop3A_922 = tpu.vector_load %arg10[%parallel_loop3A_921] {strides = array<i32>} : memref<6400xf32, #tpu.memory_space<vmem>>, vector<16xf32>,
          %parallel_loop3A_923 = vector.shape_cast %parallel_loop3A_922 : vector<16xf32> to vector<16xf32>
          %parallel_loop3A_924 = vector.shape_cast %parallel_loop3A_918 : vector<16xf32> to vector<16xf32>
          tpu.vector_store %arg10[%parallel_loop3A_921], %parallel_loop3A_924 {strides = array<i32>} : memref<6400xf32, #tpu.memory_space<vmem>>, vector<16xf32>,
          %parallel_loop3A_925 = arith.addi %parallel_loop3A_813, %parallel_loop3A_753 : vector<16xi32>
          %parallel_loop3A_926 = arith.constant 5600 : i32
          %parallel_loop3A_927 = arith.addi %parallel_loop3A_926, %parallel_loop3A_680 : i32
          %parallel_loop3A_928 = arith.index_cast %parallel_loop3A_927 : i32 to index
          %parallel_loop3A_929 = tpu.vector_load %arg8[%parallel_loop3A_928] {strides = array<i32>} : memref<6400xi32, #tpu.memory_space<vmem>>, vector<16xi32>,
          %parallel_loop3A_930 = vector.shape_cast %parallel_loop3A_929 : vector<16xi32> to vector<16xi32>
          %parallel_loop3A_931 = vector.shape_cast %parallel_loop3A_925 : vector<16xi32> to vector<16xi32>
          tpu.vector_store %arg8[%parallel_loop3A_928], %parallel_loop3A_931 {strides = array<i32>} : memref<6400xi32, #tpu.memory_space<vmem>>, vector<16xi32>,
          %parallel_loop3A_932 = arith.mulf %parallel_loop3A_826, %parallel_loop3A_707 : vector<16xf32>
          %parallel_loop3A_933 = arith.constant 5600 : i32
          %parallel_loop3A_934 = arith.addi %parallel_loop3A_933, %parallel_loop3A_680 : i32
          %parallel_loop3A_935 = arith.index_cast %parallel_loop3A_934 : i32 to index
          %parallel_loop3A_936 = tpu.vector_load %arg10[%parallel_loop3A_935] {strides = array<i32>} : memref<6400xf32, #tpu.memory_space<vmem>>, vector<16xf32>,
          %parallel_loop3A_937 = vector.shape_cast %parallel_loop3A_936 : vector<16xf32> to vector<16xf32>
          %parallel_loop3A_938 = vector.shape_cast %parallel_loop3A_932 : vector<16xf32> to vector<16xf32>
          tpu.vector_store %arg10[%parallel_loop3A_935], %parallel_loop3A_938 {strides = array<i32>} : memref<6400xf32, #tpu.memory_space<vmem>>, vector<16xf32>,
        } {sc.loop_unroll_factor = 2 : i64, sc.parallel_access}
        %add3A_605 = arith.constant 2 : i32
        %add3A_606 = arith.addi %add3A_566, %add3A_605 : i32
        %lt3A = arith.constant 80 : i32
        %lt3A_607 = arith.cmpi slt, %add3A_606, %lt3A : i32
        %convert_element_type3A_608 = arith.extui %lt3A_607 : i1 to i32
        %cond3A_609 = arith.constant 0 : i32
        %cond3A_610 = arith.cmpi ne, %convert_element_type3A_608, %cond3A_609 : i32
        scf.if %cond3A_610 {
          %add3A_671 = arith.addi %add3A_456, %add3A_566 : i32
          %add3A_672 = arith.constant 2 : i32
          %add3A_673 = arith.addi %add3A_671, %add3A_672 : i32
          %mul3A_674 = arith.constant 3 : i32
          %mul3A_675 = arith.muli %arg0, %mul3A_674 : i32
          %mul3A_676 = arith.constant 4096000 : i32
          %mul3A_677 = arith.muli %mul3A_675, %mul3A_676 : i32
          %mul3A_678 = arith.constant 800 : i32
          %mul3A_679 = arith.muli %add3A_673, %mul3A_678 : i32
          %add3A_680 = arith.addi %mul3A_677, %mul3A_679 : i32
          %add3A_681 = arith.constant 0 : i32
          %add3A_682 = arith.addi %add3A_680, %add3A_681 : i32
          %dma_start3A_683 = arith.constant 0 : i32
          %dma_start3A_684 = tpu.memref_slice %arg6[%dma_start3A_683] : memref<2400xf32, #tpu.memory_space<vmem>> -> memref<800xf32, #tpu.memory_space<vmem>>
          %dma_start3A_685 = tpu.memref_slice %arg2[%add3A_682] : memref<24576000xf32, #tpu.memory_space<hbm>> -> memref<800xf32, #tpu.memory_space<hbm>>
          %dma_start3A_686 = arith.constant 0 : i32
          %dma_start3A_687 = tpu.memref_slice %arg6[%dma_start3A_686] : memref<2400xf32, #tpu.memory_space<vmem>> -> memref<800xf32, #tpu.memory_space<vmem>>
          %dma_start3A_688 = tpu.memref_slice %arg2[%add3A_682] : memref<24576000xf32, #tpu.memory_space<hbm>> -> memref<800xf32, #tpu.memory_space<hbm>>
          tpu.enqueue_dma source(%dma_start3A_688 : memref<800xf32, #tpu.memory_space<hbm>>) target(%dma_start3A_687 : memref<800xf32, #tpu.memory_space<vmem>>) target_semaphore(%arg13 : memref<!tpu.dma_semaphore, #tpu.memory_space<semaphore_mem>>)
          %add3A_689 = arith.constant 4096000 : i32
          %add3A_690 = arith.addi %add3A_680, %add3A_689 : i32
          %dma_start3A_691 = arith.constant 800 : i32
          %dma_start3A_692 = tpu.memref_slice %arg6[%dma_start3A_691] : memref<2400xf32, #tpu.memory_space<vmem>> -> memref<800xf32, #tpu.memory_space<vmem>>
          %dma_start3A_693 = tpu.memref_slice %arg2[%add3A_690] : memref<24576000xf32, #tpu.memory_space<hbm>> -> memref<800xf32, #tpu.memory_space<hbm>>
          %dma_start3A_694 = arith.constant 800 : i32
          %dma_start3A_695 = tpu.memref_slice %arg6[%dma_start3A_694] : memref<2400xf32, #tpu.memory_space<vmem>> -> memref<800xf32, #tpu.memory_space<vmem>>
          %dma_start3A_696 = tpu.memref_slice %arg2[%add3A_690] : memref<24576000xf32, #tpu.memory_space<hbm>> -> memref<800xf32, #tpu.memory_space<hbm>>
          tpu.enqueue_dma source(%dma_start3A_696 : memref<800xf32, #tpu.memory_space<hbm>>) target(%dma_start3A_695 : memref<800xf32, #tpu.memory_space<vmem>>) target_semaphore(%arg13 : memref<!tpu.dma_semaphore, #tpu.memory_space<semaphore_mem>>)
          %add3A_697 = arith.constant 8192000 : i32
          %add3A_698 = arith.addi %add3A_680, %add3A_697 : i32
          %dma_start3A_699 = arith.constant 1600 : i32
          %dma_start3A_700 = tpu.memref_slice %arg6[%dma_start3A_699] : memref<2400xf32, #tpu.memory_space<vmem>> -> memref<800xf32, #tpu.memory_space<vmem>>
          %dma_start3A_701 = tpu.memref_slice %arg2[%add3A_698] : memref<24576000xf32, #tpu.memory_space<hbm>> -> memref<800xf32, #tpu.memory_space<hbm>>
          %dma_start3A_702 = arith.constant 1600 : i32
          %dma_start3A_703 = tpu.memref_slice %arg6[%dma_start3A_702] : memref<2400xf32, #tpu.memory_space<vmem>> -> memref<800xf32, #tpu.memory_space<vmem>>
          %dma_start3A_704 = tpu.memref_slice %arg2[%add3A_698] : memref<24576000xf32, #tpu.memory_space<hbm>> -> memref<800xf32, #tpu.memory_space<hbm>>
          tpu.enqueue_dma source(%dma_start3A_704 : memref<800xf32, #tpu.memory_space<hbm>>) target(%dma_start3A_703 : memref<800xf32, #tpu.memory_space<vmem>>) target_semaphore(%arg13 : memref<!tpu.dma_semaphore, #tpu.memory_space<semaphore_mem>>)
        } else {
        }
        %dma_start3A_611 = arith.constant 0 : i32
        %dma_start3A_612 = tpu.memref_slice %arg12[%dma_start3A_611] : memref<1433600xf32, #tpu.memory_space<vmem_shared>> -> memref<1433600xf32, #tpu.memory_space<vmem_shared>>
        tpu.enqueue_indirect_dma source(%arg10 : memref<6400xf32, #tpu.memory_space<vmem>>) target(%dma_start3A_612 : memref<1433600xf32, #tpu.memory_space<vmem_shared>>) offsets(%arg8 : memref<6400xi32, #tpu.memory_space<vmem>>) semaphore(%arg15 : memref<!tpu.dma_semaphore, #tpu.memory_space<semaphore_mem>>) {add = true}
        %mul3A_613 = arith.constant 2 : i32
        %mul3A_614 = arith.muli %mul3A_613, %scan3A_561 : i32
        %add3A_615 = arith.constant 1 : i32
        %add3A_616 = arith.addi %mul3A_614, %add3A_615 : i32
        %dma_wait3A_617 = arith.constant 0 : i32
        %dma_wait3A_618 = tpu.memref_slice %arg7[%dma_wait3A_617] : memref<2400xf32, #tpu.memory_space<vmem>> -> memref<800xf32, #tpu.memory_space<vmem>>
        %dma_wait3A_619 = arith.constant 0 : i32
        %dma_wait3A_620 = tpu.memref_slice %arg2[%dma_wait3A_619] : memref<24576000xf32, #tpu.memory_space<hbm>> -> memref<800xf32, #tpu.memory_space<hbm>>
        %dma_wait3A_621 = arith.constant 0 : i32
        %dma_wait3A_622 = tpu.memref_slice %arg7[%dma_wait3A_621] : memref<2400xf32, #tpu.memory_space<vmem>> -> memref<800xf32, #tpu.memory_space<vmem>>
        %dma_wait3A_623 = arith.constant 0 : i32
        %dma_wait3A_624 = tpu.memref_slice %arg2[%dma_wait3A_623] : memref<24576000xf32, #tpu.memory_space<hbm>> -> memref<800xf32, #tpu.memory_space<hbm>>
        tpu.wait_dma2 semaphore(%arg14 : memref<!tpu.dma_semaphore, #tpu.memory_space<semaphore_mem>>) src(%dma_wait3A_624 : memref<800xf32, #tpu.memory_space<hbm>>) dst(%dma_wait3A_622 : memref<800xf32, #tpu.memory_space<vmem>>)
        %dma_wait3A_625 = arith.constant 800 : i32
        %dma_wait3A_626 = tpu.memref_slice %arg7[%dma_wait3A_625] : memref<2400xf32, #tpu.memory_space<vmem>> -> memref<800xf32, #tpu.memory_space<vmem>>
        %dma_wait3A_627 = arith.constant 0 : i32
        %dma_wait3A_628 = tpu.memref_slice %arg2[%dma_wait3A_627] : memref<24576000xf32, #tpu.memory_space<hbm>> -> memref<800xf32, #tpu.memory_space<hbm>>
        %dma_wait3A_629 = arith.constant 800 : i32
        %dma_wait3A_630 = tpu.memref_slice %arg7[%dma_wait3A_629] : memref<2400xf32, #tpu.memory_space<vmem>> -> memref<800xf32, #tpu.memory_space<vmem>>
        %dma_wait3A_631 = arith.constant 0 : i32
        %dma_wait3A_632 = tpu.memref_slice %arg2[%dma_wait3A_631] : memref<24576000xf32, #tpu.memory_space<hbm>> -> memref<800xf32, #tpu.memory_space<hbm>>
        tpu.wait_dma2 semaphore(%arg14 : memref<!tpu.dma_semaphore, #tpu.memory_space<semaphore_mem>>) src(%dma_wait3A_632 : memref<800xf32, #tpu.memory_space<hbm>>) dst(%dma_wait3A_630 : memref<800xf32, #tpu.memory_space<vmem>>)
        %dma_wait3A_633 = arith.constant 1600 : i32
        %dma_wait3A_634 = tpu.memref_slice %arg7[%dma_wait3A_633] : memref<2400xf32, #tpu.memory_space<vmem>> -> memref<800xf32, #tpu.memory_space<vmem>>
        %dma_wait3A_635 = arith.constant 0 : i32
        %dma_wait3A_636 = tpu.memref_slice %arg2[%dma_wait3A_635] : memref<24576000xf32, #tpu.memory_space<hbm>> -> memref<800xf32, #tpu.memory_space<hbm>>
        %dma_wait3A_637 = arith.constant 1600 : i32
        %dma_wait3A_638 = tpu.memref_slice %arg7[%dma_wait3A_637] : memref<2400xf32, #tpu.memory_space<vmem>> -> memref<800xf32, #tpu.memory_space<vmem>>
        %dma_wait3A_639 = arith.constant 0 : i32
        %dma_wait3A_640 = tpu.memref_slice %arg2[%dma_wait3A_639] : memref<24576000xf32, #tpu.memory_space<hbm>> -> memref<800xf32, #tpu.memory_space<hbm>>
        tpu.wait_dma2 semaphore(%arg14 : memref<!tpu.dma_semaphore, #tpu.memory_space<semaphore_mem>>) src(%dma_wait3A_640 : memref<800xf32, #tpu.memory_space<hbm>>) dst(%dma_wait3A_638 : memref<800xf32, #tpu.memory_space<vmem>>)
        %ge3A_641 = arith.constant 2 : i32
        %ge3A_642 = arith.cmpi sge, %add3A_616, %ge3A_641 : i32
        %convert_element_type3A_643 = arith.extui %ge3A_642 : i1 to i32
        %cond3A_644 = arith.constant 0 : i32
        %cond3A_645 = arith.cmpi ne, %convert_element_type3A_643, %cond3A_644 : i32
        scf.if %cond3A_645 {
          %dma_wait3A_671 = arith.constant 0 : i32
          %dma_wait3A_672 = tpu.memref_slice %arg12[%dma_wait3A_671] : memref<1433600xf32, #tpu.memory_space<vmem_shared>> -> memref<1433600xf32, #tpu.memory_space<vmem_shared>>
          tpu.wait_indirect_dma semaphore(%arg16 : memref<!tpu.dma_semaphore, #tpu.memory_space<semaphore_mem>>) src(%arg11 : memref<6400xf32, #tpu.memory_space<vmem>>) dst(%dma_wait3A_672 : memref<1433600xf32, #tpu.memory_space<vmem_shared>>)
        } else {
        }
        %add3A_646 = arith.addi %add3A_456, %add3A_616 : i32
        %shift_right_arithmetic3A_647 = arith.constant 5 : i32
        %shift_right_arithmetic3A_648 = arith.shrsi %add3A_646, %shift_right_arithmetic3A_647 : i32
        %and3A_649 = arith.constant 31 : i32
        %and3A_650 = arith.andi %add3A_646, %and3A_649 : i32
        %mul3A_651 = arith.constant 5 : i32
        %mul3A_652 = arith.muli %and3A_650, %mul3A_651 : i32
        %convert_element_type3A_653 = arith.sitofp %shift_right_arithmetic3A_648 : i32 to f32
        %mul3A_654 = arith.constant 40 : i32
        %mul3A_655 = arith.muli %scan3A_436, %mul3A_654 : i32
        %add3A_656 = arith.constant 152 : i32
        %add3A_657 = arith.addi %add3A_656, %mul3A_655 : i32
        %parallel_loop3A_658 = arith.constant 0 : i32
        %parallel_loop3A_659 = arith.constant 50 : i32
        %parallel_loop3A_660 = arith.constant 1 : i32
        scf.for %parallel_loop3A_671 = %parallel_loop3A_658 to %parallel_loop3A_659 step %parallel_loop3A_660  : i32 {
          %parallel_loop3A_672 = arith.constant 6554 : i32
          %parallel_loop3A_673 = arith.muli %parallel_loop3A_671, %parallel_loop3A_672 : i32
          %parallel_loop3A_674 = arith.constant 16 : i32
          %parallel_loop3A_675 = arith.shrsi %parallel_loop3A_673, %parallel_loop3A_674 : i32
          %parallel_loop3A_676 = arith.constant 10 : i32
          %parallel_loop3A_677 = arith.muli %parallel_loop3A_675, %parallel_loop3A_676 : i32
          %parallel_loop3A_678 = arith.subi %parallel_loop3A_671, %parallel_loop3A_677 : i32
          %parallel_loop3A_679 = arith.constant 16 : i32
          %parallel_loop3A_680 = arith.muli %parallel_loop3A_671, %parallel_loop3A_679 : i32
          %parallel_loop3A_681 = arith.index_cast %parallel_loop3A_680 : i32 to index
          %parallel_loop3A_682 = tpu.vector_load %arg7[%parallel_loop3A_681] {strides = array<i32>} : memref<2400xf32, #tpu.memory_space<vmem>>, vector<16xf32>,
          %parallel_loop3A_683 = vector.shape_cast %parallel_loop3A_682 : vector<16xf32> to vector<16xf32>
          %parallel_loop3A_684 = arith.constant 800 : i32
          %parallel_loop3A_685 = arith.addi %parallel_loop3A_684, %parallel_loop3A_680 : i32
          %parallel_loop3A_686 = arith.index_cast %parallel_loop3A_685 : i32 to index
          %parallel_loop3A_687 = tpu.vector_load %arg7[%parallel_loop3A_686] {strides = array<i32>} : memref<2400xf32, #tpu.memory_space<vmem>>, vector<16xf32>,
          %parallel_loop3A_688 = vector.shape_cast %parallel_loop3A_687 : vector<16xf32> to vector<16xf32>
          %parallel_loop3A_689 = arith.constant 1600 : i32
          %parallel_loop3A_690 = arith.addi %parallel_loop3A_689, %parallel_loop3A_680 : i32
          %parallel_loop3A_691 = arith.index_cast %parallel_loop3A_690 : i32 to index
          %parallel_loop3A_692 = tpu.vector_load %arg7[%parallel_loop3A_691] {strides = array<i32>} : memref<2400xf32, #tpu.memory_space<vmem>>, vector<16xf32>,
          %parallel_loop3A_693 = vector.shape_cast %parallel_loop3A_692 : vector<16xf32> to vector<16xf32>
          %parallel_loop3A_694 = arith.constant 16 : i32
          %parallel_loop3A_695 = arith.muli %parallel_loop3A_678, %parallel_loop3A_694 : i32
          %parallel_loop3A_696 = vector.broadcast %parallel_loop3A_695 : i32 to vector<16xi32>
          %parallel_loop3A_697 = arith.addi %iota3A, %parallel_loop3A_696 : vector<16xi32>
          %parallel_loop3A_698 = arith.sitofp %parallel_loop3A_697 : vector<16xi32> to vector<16xf32>
          %parallel_loop3A_699 = arith.addi %mul3A_652, %parallel_loop3A_675 : i32
          %parallel_loop3A_700 = arith.sitofp %parallel_loop3A_699 : i32 to f32
          %parallel_loop3A_701 = arith.addf %parallel_loop3A_693, %parallel_loop3A_698 : vector<16xf32>
          %parallel_loop3A_702 = arith.constant 1.600000e+02 : f32
          %parallel_loop3A_703 = vector.broadcast %parallel_loop3A_702 : f32 to vector<16xf32>
          %parallel_loop3A_704 = arith.addf %parallel_loop3A_701, %parallel_loop3A_703 : vector<16xf32>
          %parallel_loop3A_705 = arith.fptosi %parallel_loop3A_704 : vector<16xf32> to vector<16xi32>
          %parallel_loop3A_706 = arith.sitofp %parallel_loop3A_705 : vector<16xi32> to vector<16xf32>
          %parallel_loop3A_707 = arith.subf %parallel_loop3A_704, %parallel_loop3A_706 : vector<16xf32>
          %parallel_loop3A_708 = vector.broadcast %parallel_loop3A_700 : f32 to vector<16xf32>
          %parallel_loop3A_709 = arith.addf %parallel_loop3A_688, %parallel_loop3A_708 : vector<16xf32>
          %parallel_loop3A_710 = arith.constant 1.600000e+02 : f32
          %parallel_loop3A_711 = vector.broadcast %parallel_loop3A_710 : f32 to vector<16xf32>
          %parallel_loop3A_712 = arith.addf %parallel_loop3A_709, %parallel_loop3A_711 : vector<16xf32>
          %parallel_loop3A_713 = arith.fptosi %parallel_loop3A_712 : vector<16xf32> to vector<16xi32>
          %parallel_loop3A_714 = arith.sitofp %parallel_loop3A_713 : vector<16xi32> to vector<16xf32>
          %parallel_loop3A_715 = arith.subf %parallel_loop3A_712, %parallel_loop3A_714 : vector<16xf32>
          %parallel_loop3A_716 = vector.broadcast %convert_element_type3A_653 : f32 to vector<16xf32>
          %parallel_loop3A_717 = arith.addf %parallel_loop3A_683, %parallel_loop3A_716 : vector<16xf32>
          %parallel_loop3A_718 = arith.constant 1.600000e+02 : f32
          %parallel_loop3A_719 = vector.broadcast %parallel_loop3A_718 : f32 to vector<16xf32>
          %parallel_loop3A_720 = arith.addf %parallel_loop3A_717, %parallel_loop3A_719 : vector<16xf32>
          %parallel_loop3A_721 = arith.fptosi %parallel_loop3A_720 : vector<16xf32> to vector<16xi32>
          %parallel_loop3A_722 = arith.sitofp %parallel_loop3A_721 : vector<16xi32> to vector<16xf32>
          %parallel_loop3A_723 = arith.subf %parallel_loop3A_720, %parallel_loop3A_722 : vector<16xf32>
          %parallel_loop3A_724 = arith.constant 320 : i32
          %parallel_loop3A_725 = vector.broadcast %parallel_loop3A_724 : i32 to vector<16xi32>
          %parallel_loop3A_726 = arith.cmpi sge, %parallel_loop3A_705, %parallel_loop3A_725 : vector<16xi32>
          %parallel_loop3A_727 = arith.constant 320 : i32
          %parallel_loop3A_728 = vector.broadcast %parallel_loop3A_727 : i32 to vector<16xi32>
          %parallel_loop3A_729 = arith.subi %parallel_loop3A_705, %parallel_loop3A_728 : vector<16xi32>
          %parallel_loop3A_730 = arith.select %parallel_loop3A_726, %parallel_loop3A_729, %parallel_loop3A_705 : vector<16xi1>, vector<16xi32>
          %parallel_loop3A_731 = arith.constant 160 : i32
          %parallel_loop3A_732 = vector.broadcast %parallel_loop3A_731 : i32 to vector<16xi32>
          %parallel_loop3A_733 = arith.cmpi sge, %parallel_loop3A_730, %parallel_loop3A_732 : vector<16xi32>
          %parallel_loop3A_734 = arith.constant 160 : i32
          %parallel_loop3A_735 = vector.broadcast %parallel_loop3A_734 : i32 to vector<16xi32>
          %parallel_loop3A_736 = arith.subi %parallel_loop3A_730, %parallel_loop3A_735 : vector<16xi32>
          %parallel_loop3A_737 = arith.select %parallel_loop3A_733, %parallel_loop3A_736, %parallel_loop3A_730 : vector<16xi1>, vector<16xi32>
          %parallel_loop3A_738 = arith.constant 1 : i32
          %parallel_loop3A_739 = vector.broadcast %parallel_loop3A_738 : i32 to vector<16xi32>
          %parallel_loop3A_740 = arith.addi %parallel_loop3A_737, %parallel_loop3A_739 : vector<16xi32>
          %parallel_loop3A_741 = arith.constant 160 : i32
          %parallel_loop3A_742 = vector.broadcast %parallel_loop3A_741 : i32 to vector<16xi32>
          %parallel_loop3A_743 = arith.cmpi sge, %parallel_loop3A_740, %parallel_loop3A_742 : vector<16xi32>
          %parallel_loop3A_744 = arith.constant 1 : i32
          %parallel_loop3A_745 = vector.broadcast %parallel_loop3A_744 : i32 to vector<16xi32>
          %parallel_loop3A_746 = arith.addi %parallel_loop3A_737, %parallel_loop3A_745 : vector<16xi32>
          %parallel_loop3A_747 = arith.constant 160 : i32
          %parallel_loop3A_748 = vector.broadcast %parallel_loop3A_747 : i32 to vector<16xi32>
          %parallel_loop3A_749 = arith.subi %parallel_loop3A_746, %parallel_loop3A_748 : vector<16xi32>
          %parallel_loop3A_750 = arith.constant 1 : i32
          %parallel_loop3A_751 = vector.broadcast %parallel_loop3A_750 : i32 to vector<16xi32>
          %parallel_loop3A_752 = arith.addi %parallel_loop3A_737, %parallel_loop3A_751 : vector<16xi32>
          %parallel_loop3A_753 = arith.select %parallel_loop3A_743, %parallel_loop3A_749, %parallel_loop3A_752 : vector<16xi1>, vector<16xi32>
          %parallel_loop3A_754 = arith.constant 320 : i32
          %parallel_loop3A_755 = vector.broadcast %parallel_loop3A_754 : i32 to vector<16xi32>
          %parallel_loop3A_756 = arith.cmpi sge, %parallel_loop3A_713, %parallel_loop3A_755 : vector<16xi32>
          %parallel_loop3A_757 = arith.constant 320 : i32
          %parallel_loop3A_758 = vector.broadcast %parallel_loop3A_757 : i32 to vector<16xi32>
          %parallel_loop3A_759 = arith.subi %parallel_loop3A_713, %parallel_loop3A_758 : vector<16xi32>
          %parallel_loop3A_760 = arith.select %parallel_loop3A_756, %parallel_loop3A_759, %parallel_loop3A_713 : vector<16xi1>, vector<16xi32>
          %parallel_loop3A_761 = arith.constant 160 : i32
          %parallel_loop3A_762 = vector.broadcast %parallel_loop3A_761 : i32 to vector<16xi32>
          %parallel_loop3A_763 = arith.cmpi sge, %parallel_loop3A_760, %parallel_loop3A_762 : vector<16xi32>
          %parallel_loop3A_764 = arith.constant 160 : i32
          %parallel_loop3A_765 = vector.broadcast %parallel_loop3A_764 : i32 to vector<16xi32>
          %parallel_loop3A_766 = arith.subi %parallel_loop3A_760, %parallel_loop3A_765 : vector<16xi32>
          %parallel_loop3A_767 = arith.select %parallel_loop3A_763, %parallel_loop3A_766, %parallel_loop3A_760 : vector<16xi1>, vector<16xi32>
          %parallel_loop3A_768 = arith.constant 1 : i32
          %parallel_loop3A_769 = vector.broadcast %parallel_loop3A_768 : i32 to vector<16xi32>
          %parallel_loop3A_770 = arith.addi %parallel_loop3A_767, %parallel_loop3A_769 : vector<16xi32>
          %parallel_loop3A_771 = arith.constant 160 : i32
          %parallel_loop3A_772 = vector.broadcast %parallel_loop3A_771 : i32 to vector<16xi32>
          %parallel_loop3A_773 = arith.cmpi sge, %parallel_loop3A_770, %parallel_loop3A_772 : vector<16xi32>
          %parallel_loop3A_774 = arith.constant 1 : i32
          %parallel_loop3A_775 = vector.broadcast %parallel_loop3A_774 : i32 to vector<16xi32>
          %parallel_loop3A_776 = arith.addi %parallel_loop3A_767, %parallel_loop3A_775 : vector<16xi32>
          %parallel_loop3A_777 = arith.constant 160 : i32
          %parallel_loop3A_778 = vector.broadcast %parallel_loop3A_777 : i32 to vector<16xi32>
          %parallel_loop3A_779 = arith.subi %parallel_loop3A_776, %parallel_loop3A_778 : vector<16xi32>
          %parallel_loop3A_780 = arith.constant 1 : i32
          %parallel_loop3A_781 = vector.broadcast %parallel_loop3A_780 : i32 to vector<16xi32>
          %parallel_loop3A_782 = arith.addi %parallel_loop3A_767, %parallel_loop3A_781 : vector<16xi32>
          %parallel_loop3A_783 = arith.select %parallel_loop3A_773, %parallel_loop3A_779, %parallel_loop3A_782 : vector<16xi1>, vector<16xi32>
          %parallel_loop3A_784 = vector.broadcast %add3A_657 : i32 to vector<16xi32>
          %parallel_loop3A_785 = arith.subi %parallel_loop3A_721, %parallel_loop3A_784 : vector<16xi32>
          %parallel_loop3A_786 = arith.constant 0 : i32
          %parallel_loop3A_787 = arith.constant 55 : i32
          %parallel_loop3A_788 = vector.broadcast %parallel_loop3A_786 : i32 to vector<16xi32>
          %parallel_loop3A_789 = arith.maxsi %parallel_loop3A_788, %parallel_loop3A_785 : vector<16xi32>
          %parallel_loop3A_790 = vector.broadcast %parallel_loop3A_787 : i32 to vector<16xi32>
          %parallel_loop3A_791 = arith.minsi %parallel_loop3A_790, %parallel_loop3A_789 : vector<16xi32>
          %parallel_loop3A_792 = arith.constant 1 : i32
          %parallel_loop3A_793 = vector.broadcast %parallel_loop3A_792 : i32 to vector<16xi32>
          %parallel_loop3A_794 = arith.addi %parallel_loop3A_791, %parallel_loop3A_793 : vector<16xi32>
          %parallel_loop3A_795 = arith.constant 55 : i32
          %parallel_loop3A_796 = vector.broadcast %parallel_loop3A_795 : i32 to vector<16xi32>
          %parallel_loop3A_797 = arith.minsi %parallel_loop3A_794, %parallel_loop3A_796 : vector<16xi32>
          %parallel_loop3A_798 = arith.constant 25600 : i32
          %parallel_loop3A_799 = vector.broadcast %parallel_loop3A_798 : i32 to vector<16xi32>
          %parallel_loop3A_800 = arith.muli %parallel_loop3A_791, %parallel_loop3A_799 : vector<16xi32>
          %parallel_loop3A_801 = arith.constant 25600 : i32
          %parallel_loop3A_802 = vector.broadcast %parallel_loop3A_801 : i32 to vector<16xi32>
          %parallel_loop3A_803 = arith.muli %parallel_loop3A_797, %parallel_loop3A_802 : vector<16xi32>
          %parallel_loop3A_804 = arith.constant 160 : i32
          %parallel_loop3A_805 = vector.broadcast %parallel_loop3A_804 : i32 to vector<16xi32>
          %parallel_loop3A_806 = arith.muli %parallel_loop3A_767, %parallel_loop3A_805 : vector<16xi32>
          %parallel_loop3A_807 = arith.constant 160 : i32
          %parallel_loop3A_808 = vector.broadcast %parallel_loop3A_807 : i32 to vector<16xi32>
          %parallel_loop3A_809 = arith.muli %parallel_loop3A_783, %parallel_loop3A_808 : vector<16xi32>
          %parallel_loop3A_810 = arith.addi %parallel_loop3A_800, %parallel_loop3A_806 : vector<16xi32>
          %parallel_loop3A_811 = arith.addi %parallel_loop3A_800, %parallel_loop3A_809 : vector<16xi32>
          %parallel_loop3A_812 = arith.addi %parallel_loop3A_803, %parallel_loop3A_806 : vector<16xi32>
          %parallel_loop3A_813 = arith.addi %parallel_loop3A_803, %parallel_loop3A_809 : vector<16xi32>
          %parallel_loop3A_814 = arith.constant 1.000000e+00 : f32
          %parallel_loop3A_815 = vector.broadcast %parallel_loop3A_814 : f32 to vector<16xf32>
          %parallel_loop3A_816 = arith.subf %parallel_loop3A_815, %parallel_loop3A_707 : vector<16xf32>
          %parallel_loop3A_817 = arith.constant 1.000000e+00 : f32
          %parallel_loop3A_818 = vector.broadcast %parallel_loop3A_817 : f32 to vector<16xf32>
          %parallel_loop3A_819 = arith.subf %parallel_loop3A_818, %parallel_loop3A_715 : vector<16xf32>
          %parallel_loop3A_820 = arith.constant 1.000000e+00 : f32
          %parallel_loop3A_821 = vector.broadcast %parallel_loop3A_820 : f32 to vector<16xf32>
          %parallel_loop3A_822 = arith.subf %parallel_loop3A_821, %parallel_loop3A_723 : vector<16xf32>
          %parallel_loop3A_823 = arith.mulf %parallel_loop3A_822, %parallel_loop3A_819 : vector<16xf32>
          %parallel_loop3A_824 = arith.mulf %parallel_loop3A_822, %parallel_loop3A_715 : vector<16xf32>
          %parallel_loop3A_825 = arith.mulf %parallel_loop3A_723, %parallel_loop3A_819 : vector<16xf32>
          %parallel_loop3A_826 = arith.mulf %parallel_loop3A_723, %parallel_loop3A_715 : vector<16xf32>
          %parallel_loop3A_827 = arith.addi %parallel_loop3A_810, %parallel_loop3A_737 : vector<16xi32>
          %parallel_loop3A_828 = arith.constant 0 : i32
          %parallel_loop3A_829 = arith.addi %parallel_loop3A_828, %parallel_loop3A_680 : i32
          %parallel_loop3A_830 = arith.index_cast %parallel_loop3A_829 : i32 to index
          %parallel_loop3A_831 = tpu.vector_load %arg9[%parallel_loop3A_830] {strides = array<i32>} : memref<6400xi32, #tpu.memory_space<vmem>>, vector<16xi32>,
          %parallel_loop3A_832 = vector.shape_cast %parallel_loop3A_831 : vector<16xi32> to vector<16xi32>
          %parallel_loop3A_833 = vector.shape_cast %parallel_loop3A_827 : vector<16xi32> to vector<16xi32>
          tpu.vector_store %arg9[%parallel_loop3A_830], %parallel_loop3A_833 {strides = array<i32>} : memref<6400xi32, #tpu.memory_space<vmem>>, vector<16xi32>,
          %parallel_loop3A_834 = arith.mulf %parallel_loop3A_823, %parallel_loop3A_816 : vector<16xf32>
          %parallel_loop3A_835 = arith.constant 0 : i32
          %parallel_loop3A_836 = arith.addi %parallel_loop3A_835, %parallel_loop3A_680 : i32
          %parallel_loop3A_837 = arith.index_cast %parallel_loop3A_836 : i32 to index
          %parallel_loop3A_838 = tpu.vector_load %arg11[%parallel_loop3A_837] {strides = array<i32>} : memref<6400xf32, #tpu.memory_space<vmem>>, vector<16xf32>,
          %parallel_loop3A_839 = vector.shape_cast %parallel_loop3A_838 : vector<16xf32> to vector<16xf32>
          %parallel_loop3A_840 = vector.shape_cast %parallel_loop3A_834 : vector<16xf32> to vector<16xf32>
          tpu.vector_store %arg11[%parallel_loop3A_837], %parallel_loop3A_840 {strides = array<i32>} : memref<6400xf32, #tpu.memory_space<vmem>>, vector<16xf32>,
          %parallel_loop3A_841 = arith.addi %parallel_loop3A_810, %parallel_loop3A_753 : vector<16xi32>
          %parallel_loop3A_842 = arith.constant 800 : i32
          %parallel_loop3A_843 = arith.addi %parallel_loop3A_842, %parallel_loop3A_680 : i32
          %parallel_loop3A_844 = arith.index_cast %parallel_loop3A_843 : i32 to index
          %parallel_loop3A_845 = tpu.vector_load %arg9[%parallel_loop3A_844] {strides = array<i32>} : memref<6400xi32, #tpu.memory_space<vmem>>, vector<16xi32>,
          %parallel_loop3A_846 = vector.shape_cast %parallel_loop3A_845 : vector<16xi32> to vector<16xi32>
          %parallel_loop3A_847 = vector.shape_cast %parallel_loop3A_841 : vector<16xi32> to vector<16xi32>
          tpu.vector_store %arg9[%parallel_loop3A_844], %parallel_loop3A_847 {strides = array<i32>} : memref<6400xi32, #tpu.memory_space<vmem>>, vector<16xi32>,
          %parallel_loop3A_848 = arith.mulf %parallel_loop3A_823, %parallel_loop3A_707 : vector<16xf32>
          %parallel_loop3A_849 = arith.constant 800 : i32
          %parallel_loop3A_850 = arith.addi %parallel_loop3A_849, %parallel_loop3A_680 : i32
          %parallel_loop3A_851 = arith.index_cast %parallel_loop3A_850 : i32 to index
          %parallel_loop3A_852 = tpu.vector_load %arg11[%parallel_loop3A_851] {strides = array<i32>} : memref<6400xf32, #tpu.memory_space<vmem>>, vector<16xf32>,
          %parallel_loop3A_853 = vector.shape_cast %parallel_loop3A_852 : vector<16xf32> to vector<16xf32>
          %parallel_loop3A_854 = vector.shape_cast %parallel_loop3A_848 : vector<16xf32> to vector<16xf32>
          tpu.vector_store %arg11[%parallel_loop3A_851], %parallel_loop3A_854 {strides = array<i32>} : memref<6400xf32, #tpu.memory_space<vmem>>, vector<16xf32>,
          %parallel_loop3A_855 = arith.addi %parallel_loop3A_811, %parallel_loop3A_737 : vector<16xi32>
          %parallel_loop3A_856 = arith.constant 1600 : i32
          %parallel_loop3A_857 = arith.addi %parallel_loop3A_856, %parallel_loop3A_680 : i32
          %parallel_loop3A_858 = arith.index_cast %parallel_loop3A_857 : i32 to index
          %parallel_loop3A_859 = tpu.vector_load %arg9[%parallel_loop3A_858] {strides = array<i32>} : memref<6400xi32, #tpu.memory_space<vmem>>, vector<16xi32>,
          %parallel_loop3A_860 = vector.shape_cast %parallel_loop3A_859 : vector<16xi32> to vector<16xi32>
          %parallel_loop3A_861 = vector.shape_cast %parallel_loop3A_855 : vector<16xi32> to vector<16xi32>
          tpu.vector_store %arg9[%parallel_loop3A_858], %parallel_loop3A_861 {strides = array<i32>} : memref<6400xi32, #tpu.memory_space<vmem>>, vector<16xi32>,
          %parallel_loop3A_862 = arith.mulf %parallel_loop3A_824, %parallel_loop3A_816 : vector<16xf32>
          %parallel_loop3A_863 = arith.constant 1600 : i32
          %parallel_loop3A_864 = arith.addi %parallel_loop3A_863, %parallel_loop3A_680 : i32
          %parallel_loop3A_865 = arith.index_cast %parallel_loop3A_864 : i32 to index
          %parallel_loop3A_866 = tpu.vector_load %arg11[%parallel_loop3A_865] {strides = array<i32>} : memref<6400xf32, #tpu.memory_space<vmem>>, vector<16xf32>,
          %parallel_loop3A_867 = vector.shape_cast %parallel_loop3A_866 : vector<16xf32> to vector<16xf32>
          %parallel_loop3A_868 = vector.shape_cast %parallel_loop3A_862 : vector<16xf32> to vector<16xf32>
          tpu.vector_store %arg11[%parallel_loop3A_865], %parallel_loop3A_868 {strides = array<i32>} : memref<6400xf32, #tpu.memory_space<vmem>>, vector<16xf32>,
          %parallel_loop3A_869 = arith.addi %parallel_loop3A_811, %parallel_loop3A_753 : vector<16xi32>
          %parallel_loop3A_870 = arith.constant 2400 : i32
          %parallel_loop3A_871 = arith.addi %parallel_loop3A_870, %parallel_loop3A_680 : i32
          %parallel_loop3A_872 = arith.index_cast %parallel_loop3A_871 : i32 to index
          %parallel_loop3A_873 = tpu.vector_load %arg9[%parallel_loop3A_872] {strides = array<i32>} : memref<6400xi32, #tpu.memory_space<vmem>>, vector<16xi32>,
          %parallel_loop3A_874 = vector.shape_cast %parallel_loop3A_873 : vector<16xi32> to vector<16xi32>
          %parallel_loop3A_875 = vector.shape_cast %parallel_loop3A_869 : vector<16xi32> to vector<16xi32>
          tpu.vector_store %arg9[%parallel_loop3A_872], %parallel_loop3A_875 {strides = array<i32>} : memref<6400xi32, #tpu.memory_space<vmem>>, vector<16xi32>,
          %parallel_loop3A_876 = arith.mulf %parallel_loop3A_824, %parallel_loop3A_707 : vector<16xf32>
          %parallel_loop3A_877 = arith.constant 2400 : i32
          %parallel_loop3A_878 = arith.addi %parallel_loop3A_877, %parallel_loop3A_680 : i32
          %parallel_loop3A_879 = arith.index_cast %parallel_loop3A_878 : i32 to index
          %parallel_loop3A_880 = tpu.vector_load %arg11[%parallel_loop3A_879] {strides = array<i32>} : memref<6400xf32, #tpu.memory_space<vmem>>, vector<16xf32>,
          %parallel_loop3A_881 = vector.shape_cast %parallel_loop3A_880 : vector<16xf32> to vector<16xf32>
          %parallel_loop3A_882 = vector.shape_cast %parallel_loop3A_876 : vector<16xf32> to vector<16xf32>
          tpu.vector_store %arg11[%parallel_loop3A_879], %parallel_loop3A_882 {strides = array<i32>} : memref<6400xf32, #tpu.memory_space<vmem>>, vector<16xf32>,
          %parallel_loop3A_883 = arith.addi %parallel_loop3A_812, %parallel_loop3A_737 : vector<16xi32>
          %parallel_loop3A_884 = arith.constant 3200 : i32
          %parallel_loop3A_885 = arith.addi %parallel_loop3A_884, %parallel_loop3A_680 : i32
          %parallel_loop3A_886 = arith.index_cast %parallel_loop3A_885 : i32 to index
          %parallel_loop3A_887 = tpu.vector_load %arg9[%parallel_loop3A_886] {strides = array<i32>} : memref<6400xi32, #tpu.memory_space<vmem>>, vector<16xi32>,
          %parallel_loop3A_888 = vector.shape_cast %parallel_loop3A_887 : vector<16xi32> to vector<16xi32>
          %parallel_loop3A_889 = vector.shape_cast %parallel_loop3A_883 : vector<16xi32> to vector<16xi32>
          tpu.vector_store %arg9[%parallel_loop3A_886], %parallel_loop3A_889 {strides = array<i32>} : memref<6400xi32, #tpu.memory_space<vmem>>, vector<16xi32>,
          %parallel_loop3A_890 = arith.mulf %parallel_loop3A_825, %parallel_loop3A_816 : vector<16xf32>
          %parallel_loop3A_891 = arith.constant 3200 : i32
          %parallel_loop3A_892 = arith.addi %parallel_loop3A_891, %parallel_loop3A_680 : i32
          %parallel_loop3A_893 = arith.index_cast %parallel_loop3A_892 : i32 to index
          %parallel_loop3A_894 = tpu.vector_load %arg11[%parallel_loop3A_893] {strides = array<i32>} : memref<6400xf32, #tpu.memory_space<vmem>>, vector<16xf32>,
          %parallel_loop3A_895 = vector.shape_cast %parallel_loop3A_894 : vector<16xf32> to vector<16xf32>
          %parallel_loop3A_896 = vector.shape_cast %parallel_loop3A_890 : vector<16xf32> to vector<16xf32>
          tpu.vector_store %arg11[%parallel_loop3A_893], %parallel_loop3A_896 {strides = array<i32>} : memref<6400xf32, #tpu.memory_space<vmem>>, vector<16xf32>,
          %parallel_loop3A_897 = arith.addi %parallel_loop3A_812, %parallel_loop3A_753 : vector<16xi32>
          %parallel_loop3A_898 = arith.constant 4000 : i32
          %parallel_loop3A_899 = arith.addi %parallel_loop3A_898, %parallel_loop3A_680 : i32
          %parallel_loop3A_900 = arith.index_cast %parallel_loop3A_899 : i32 to index
          %parallel_loop3A_901 = tpu.vector_load %arg9[%parallel_loop3A_900] {strides = array<i32>} : memref<6400xi32, #tpu.memory_space<vmem>>, vector<16xi32>,
          %parallel_loop3A_902 = vector.shape_cast %parallel_loop3A_901 : vector<16xi32> to vector<16xi32>
          %parallel_loop3A_903 = vector.shape_cast %parallel_loop3A_897 : vector<16xi32> to vector<16xi32>
          tpu.vector_store %arg9[%parallel_loop3A_900], %parallel_loop3A_903 {strides = array<i32>} : memref<6400xi32, #tpu.memory_space<vmem>>, vector<16xi32>,
          %parallel_loop3A_904 = arith.mulf %parallel_loop3A_825, %parallel_loop3A_707 : vector<16xf32>
          %parallel_loop3A_905 = arith.constant 4000 : i32
          %parallel_loop3A_906 = arith.addi %parallel_loop3A_905, %parallel_loop3A_680 : i32
          %parallel_loop3A_907 = arith.index_cast %parallel_loop3A_906 : i32 to index
          %parallel_loop3A_908 = tpu.vector_load %arg11[%parallel_loop3A_907] {strides = array<i32>} : memref<6400xf32, #tpu.memory_space<vmem>>, vector<16xf32>,
          %parallel_loop3A_909 = vector.shape_cast %parallel_loop3A_908 : vector<16xf32> to vector<16xf32>
          %parallel_loop3A_910 = vector.shape_cast %parallel_loop3A_904 : vector<16xf32> to vector<16xf32>
          tpu.vector_store %arg11[%parallel_loop3A_907], %parallel_loop3A_910 {strides = array<i32>} : memref<6400xf32, #tpu.memory_space<vmem>>, vector<16xf32>,
          %parallel_loop3A_911 = arith.addi %parallel_loop3A_813, %parallel_loop3A_737 : vector<16xi32>
          %parallel_loop3A_912 = arith.constant 4800 : i32
          %parallel_loop3A_913 = arith.addi %parallel_loop3A_912, %parallel_loop3A_680 : i32
          %parallel_loop3A_914 = arith.index_cast %parallel_loop3A_913 : i32 to index
          %parallel_loop3A_915 = tpu.vector_load %arg9[%parallel_loop3A_914] {strides = array<i32>} : memref<6400xi32, #tpu.memory_space<vmem>>, vector<16xi32>,
          %parallel_loop3A_916 = vector.shape_cast %parallel_loop3A_915 : vector<16xi32> to vector<16xi32>
          %parallel_loop3A_917 = vector.shape_cast %parallel_loop3A_911 : vector<16xi32> to vector<16xi32>
          tpu.vector_store %arg9[%parallel_loop3A_914], %parallel_loop3A_917 {strides = array<i32>} : memref<6400xi32, #tpu.memory_space<vmem>>, vector<16xi32>,
          %parallel_loop3A_918 = arith.mulf %parallel_loop3A_826, %parallel_loop3A_816 : vector<16xf32>
          %parallel_loop3A_919 = arith.constant 4800 : i32
          %parallel_loop3A_920 = arith.addi %parallel_loop3A_919, %parallel_loop3A_680 : i32
          %parallel_loop3A_921 = arith.index_cast %parallel_loop3A_920 : i32 to index
          %parallel_loop3A_922 = tpu.vector_load %arg11[%parallel_loop3A_921] {strides = array<i32>} : memref<6400xf32, #tpu.memory_space<vmem>>, vector<16xf32>,
          %parallel_loop3A_923 = vector.shape_cast %parallel_loop3A_922 : vector<16xf32> to vector<16xf32>
          %parallel_loop3A_924 = vector.shape_cast %parallel_loop3A_918 : vector<16xf32> to vector<16xf32>
          tpu.vector_store %arg11[%parallel_loop3A_921], %parallel_loop3A_924 {strides = array<i32>} : memref<6400xf32, #tpu.memory_space<vmem>>, vector<16xf32>,
          %parallel_loop3A_925 = arith.addi %parallel_loop3A_813, %parallel_loop3A_753 : vector<16xi32>
          %parallel_loop3A_926 = arith.constant 5600 : i32
          %parallel_loop3A_927 = arith.addi %parallel_loop3A_926, %parallel_loop3A_680 : i32
          %parallel_loop3A_928 = arith.index_cast %parallel_loop3A_927 : i32 to index
          %parallel_loop3A_929 = tpu.vector_load %arg9[%parallel_loop3A_928] {strides = array<i32>} : memref<6400xi32, #tpu.memory_space<vmem>>, vector<16xi32>,
          %parallel_loop3A_930 = vector.shape_cast %parallel_loop3A_929 : vector<16xi32> to vector<16xi32>
          %parallel_loop3A_931 = vector.shape_cast %parallel_loop3A_925 : vector<16xi32> to vector<16xi32>
          tpu.vector_store %arg9[%parallel_loop3A_928], %parallel_loop3A_931 {strides = array<i32>} : memref<6400xi32, #tpu.memory_space<vmem>>, vector<16xi32>,
          %parallel_loop3A_932 = arith.mulf %parallel_loop3A_826, %parallel_loop3A_707 : vector<16xf32>
          %parallel_loop3A_933 = arith.constant 5600 : i32
          %parallel_loop3A_934 = arith.addi %parallel_loop3A_933, %parallel_loop3A_680 : i32
          %parallel_loop3A_935 = arith.index_cast %parallel_loop3A_934 : i32 to index
          %parallel_loop3A_936 = tpu.vector_load %arg11[%parallel_loop3A_935] {strides = array<i32>} : memref<6400xf32, #tpu.memory_space<vmem>>, vector<16xf32>,
          %parallel_loop3A_937 = vector.shape_cast %parallel_loop3A_936 : vector<16xf32> to vector<16xf32>
          %parallel_loop3A_938 = vector.shape_cast %parallel_loop3A_932 : vector<16xf32> to vector<16xf32>
          tpu.vector_store %arg11[%parallel_loop3A_935], %parallel_loop3A_938 {strides = array<i32>} : memref<6400xf32, #tpu.memory_space<vmem>>, vector<16xf32>,
        } {sc.loop_unroll_factor = 2 : i64, sc.parallel_access}
        %add3A_661 = arith.constant 2 : i32
        %add3A_662 = arith.addi %add3A_616, %add3A_661 : i32
        %lt3A_663 = arith.constant 80 : i32
        %lt3A_664 = arith.cmpi slt, %add3A_662, %lt3A_663 : i32
        %convert_element_type3A_665 = arith.extui %lt3A_664 : i1 to i32
        %cond3A_666 = arith.constant 0 : i32
        %cond3A_667 = arith.cmpi ne, %convert_element_type3A_665, %cond3A_666 : i32
        scf.if %cond3A_667 {
          %add3A_671 = arith.addi %add3A_456, %add3A_616 : i32
          %add3A_672 = arith.constant 2 : i32
          %add3A_673 = arith.addi %add3A_671, %add3A_672 : i32
          %mul3A_674 = arith.constant 3 : i32
          %mul3A_675 = arith.muli %arg0, %mul3A_674 : i32
          %mul3A_676 = arith.constant 4096000 : i32
          %mul3A_677 = arith.muli %mul3A_675, %mul3A_676 : i32
          %mul3A_678 = arith.constant 800 : i32
          %mul3A_679 = arith.muli %add3A_673, %mul3A_678 : i32
          %add3A_680 = arith.addi %mul3A_677, %mul3A_679 : i32
          %add3A_681 = arith.constant 0 : i32
          %add3A_682 = arith.addi %add3A_680, %add3A_681 : i32
          %dma_start3A_683 = arith.constant 0 : i32
          %dma_start3A_684 = tpu.memref_slice %arg7[%dma_start3A_683] : memref<2400xf32, #tpu.memory_space<vmem>> -> memref<800xf32, #tpu.memory_space<vmem>>
          %dma_start3A_685 = tpu.memref_slice %arg2[%add3A_682] : memref<24576000xf32, #tpu.memory_space<hbm>> -> memref<800xf32, #tpu.memory_space<hbm>>
          %dma_start3A_686 = arith.constant 0 : i32
          %dma_start3A_687 = tpu.memref_slice %arg7[%dma_start3A_686] : memref<2400xf32, #tpu.memory_space<vmem>> -> memref<800xf32, #tpu.memory_space<vmem>>
          %dma_start3A_688 = tpu.memref_slice %arg2[%add3A_682] : memref<24576000xf32, #tpu.memory_space<hbm>> -> memref<800xf32, #tpu.memory_space<hbm>>
          tpu.enqueue_dma source(%dma_start3A_688 : memref<800xf32, #tpu.memory_space<hbm>>) target(%dma_start3A_687 : memref<800xf32, #tpu.memory_space<vmem>>) target_semaphore(%arg14 : memref<!tpu.dma_semaphore, #tpu.memory_space<semaphore_mem>>)
          %add3A_689 = arith.constant 4096000 : i32
          %add3A_690 = arith.addi %add3A_680, %add3A_689 : i32
          %dma_start3A_691 = arith.constant 800 : i32
          %dma_start3A_692 = tpu.memref_slice %arg7[%dma_start3A_691] : memref<2400xf32, #tpu.memory_space<vmem>> -> memref<800xf32, #tpu.memory_space<vmem>>
          %dma_start3A_693 = tpu.memref_slice %arg2[%add3A_690] : memref<24576000xf32, #tpu.memory_space<hbm>> -> memref<800xf32, #tpu.memory_space<hbm>>
          %dma_start3A_694 = arith.constant 800 : i32
          %dma_start3A_695 = tpu.memref_slice %arg7[%dma_start3A_694] : memref<2400xf32, #tpu.memory_space<vmem>> -> memref<800xf32, #tpu.memory_space<vmem>>
          %dma_start3A_696 = tpu.memref_slice %arg2[%add3A_690] : memref<24576000xf32, #tpu.memory_space<hbm>> -> memref<800xf32, #tpu.memory_space<hbm>>
          tpu.enqueue_dma source(%dma_start3A_696 : memref<800xf32, #tpu.memory_space<hbm>>) target(%dma_start3A_695 : memref<800xf32, #tpu.memory_space<vmem>>) target_semaphore(%arg14 : memref<!tpu.dma_semaphore, #tpu.memory_space<semaphore_mem>>)
          %add3A_697 = arith.constant 8192000 : i32
          %add3A_698 = arith.addi %add3A_680, %add3A_697 : i32
          %dma_start3A_699 = arith.constant 1600 : i32
          %dma_start3A_700 = tpu.memref_slice %arg7[%dma_start3A_699] : memref<2400xf32, #tpu.memory_space<vmem>> -> memref<800xf32, #tpu.memory_space<vmem>>
          %dma_start3A_701 = tpu.memref_slice %arg2[%add3A_698] : memref<24576000xf32, #tpu.memory_space<hbm>> -> memref<800xf32, #tpu.memory_space<hbm>>
          %dma_start3A_702 = arith.constant 1600 : i32
          %dma_start3A_703 = tpu.memref_slice %arg7[%dma_start3A_702] : memref<2400xf32, #tpu.memory_space<vmem>> -> memref<800xf32, #tpu.memory_space<vmem>>
          %dma_start3A_704 = tpu.memref_slice %arg2[%add3A_698] : memref<24576000xf32, #tpu.memory_space<hbm>> -> memref<800xf32, #tpu.memory_space<hbm>>
          tpu.enqueue_dma source(%dma_start3A_704 : memref<800xf32, #tpu.memory_space<hbm>>) target(%dma_start3A_703 : memref<800xf32, #tpu.memory_space<vmem>>) target_semaphore(%arg14 : memref<!tpu.dma_semaphore, #tpu.memory_space<semaphore_mem>>)
        } else {
        }
        %dma_start3A_668 = arith.constant 0 : i32
        %dma_start3A_669 = tpu.memref_slice %arg12[%dma_start3A_668] : memref<1433600xf32, #tpu.memory_space<vmem_shared>> -> memref<1433600xf32, #tpu.memory_space<vmem_shared>>
        tpu.enqueue_indirect_dma source(%arg11 : memref<6400xf32, #tpu.memory_space<vmem>>) target(%dma_start3A_669 : memref<1433600xf32, #tpu.memory_space<vmem_shared>>) offsets(%arg9 : memref<6400xi32, #tpu.memory_space<vmem>>) semaphore(%arg16 : memref<!tpu.dma_semaphore, #tpu.memory_space<semaphore_mem>>) {add = true}
        %scan3A_670 = arith.constant 0 : i32
        scf.yield %scan3A_670 : i32
      }
      %scan3A_526 = arith.constant 40 : i32
      %dma_wait3A = arith.constant 0 : i32
      %dma_wait3A_527 = tpu.memref_slice %arg12[%dma_wait3A] : memref<1433600xf32, #tpu.memory_space<vmem_shared>> -> memref<1433600xf32, #tpu.memory_space<vmem_shared>>
      tpu.wait_indirect_dma semaphore(%arg15 : memref<!tpu.dma_semaphore, #tpu.memory_space<semaphore_mem>>) src(%arg10 : memref<6400xf32, #tpu.memory_space<vmem>>) dst(%dma_wait3A_527 : memref<1433600xf32, #tpu.memory_space<vmem_shared>>)
      %dma_wait3A_528 = arith.constant 0 : i32
      %dma_wait3A_529 = tpu.memref_slice %arg12[%dma_wait3A_528] : memref<1433600xf32, #tpu.memory_space<vmem_shared>> -> memref<1433600xf32, #tpu.memory_space<vmem_shared>>
      tpu.wait_indirect_dma semaphore(%arg16 : memref<!tpu.dma_semaphore, #tpu.memory_space<semaphore_mem>>) src(%arg11 : memref<6400xf32, #tpu.memory_space<vmem>>) dst(%dma_wait3A_529 : memref<1433600xf32, #tpu.memory_space<vmem_shared>>)
      %barrier3A_530 = arith.constant 0 : index
      tpu.barrier barrier_id(%barrier3A_530)
      %mul3A_531 = arith.constant 64000 : i32
      %mul3A_532 = arith.muli %arg1, %mul3A_531 : i32
      %add3A_533 = arith.constant 204800 : i32
      %add3A_534 = arith.addi %add3A_533, %mul3A_532 : i32
      %mul3A_535 = arith.constant 4096000 : i32
      %mul3A_536 = arith.muli %arg0, %mul3A_535 : i32
      %mul3A_537 = arith.constant 40 : i32
      %mul3A_538 = arith.muli %scan3A_436, %mul3A_537 : i32
      %mul3A_539 = arith.constant 25600 : i32
      %mul3A_540 = arith.muli %mul3A_538, %mul3A_539 : i32
      %add3A_541 = arith.addi %mul3A_536, %mul3A_540 : i32
      %mul3A_542 = arith.constant 64000 : i32
      %mul3A_543 = arith.muli %arg1, %mul3A_542 : i32
      %add3A_544 = arith.addi %add3A_541, %mul3A_543 : i32
      "tpu.region"() ({
        %run_scoped3A = tpu.sem_alloc : memref<!tpu.dma_semaphore, #tpu.memory_space<semaphore_mem>>
        %dma_start3A_561 = tpu.memref_slice %arg3[%add3A_544] : memref<8192000xf32, #tpu.memory_space<hbm>> -> memref<64000xf32, #tpu.memory_space<hbm>>
        %dma_start3A_562 = tpu.memref_slice %arg12[%add3A_534] : memref<1433600xf32, #tpu.memory_space<vmem_shared>> -> memref<64000xf32, #tpu.memory_space<vmem_shared>>
        tpu.enqueue_dma source(%dma_start3A_562 : memref<64000xf32, #tpu.memory_space<vmem_shared>>) target(%dma_start3A_561 : memref<64000xf32, #tpu.memory_space<hbm>>) target_semaphore(%run_scoped3A : memref<!tpu.dma_semaphore, #tpu.memory_space<semaphore_mem>>)
        %dma_wait3A_563 = tpu.memref_slice %arg3[%add3A_544] : memref<8192000xf32, #tpu.memory_space<hbm>> -> memref<64000xf32, #tpu.memory_space<hbm>>
        %dma_wait3A_564 = tpu.memref_slice %arg12[%add3A_534] : memref<1433600xf32, #tpu.memory_space<vmem_shared>> -> memref<64000xf32, #tpu.memory_space<vmem_shared>>
        tpu.wait_dma2 semaphore(%run_scoped3A : memref<!tpu.dma_semaphore, #tpu.memory_space<semaphore_mem>>) src(%dma_wait3A_564 : memref<64000xf32, #tpu.memory_space<vmem_shared>>) dst(%dma_wait3A_563 : memref<64000xf32, #tpu.memory_space<hbm>>)
        tpu.yield
      }) : () -> ()
      %mul3A_545 = arith.constant 4 : i32
      %mul3A_546 = arith.muli %arg0, %mul3A_545 : i32
      %add3A_547 = arith.addi %mul3A_546, %scan3A_436 : i32
      %mul3A_548 = arith.constant 204800 : i32
      %mul3A_549 = arith.muli %add3A_547, %mul3A_548 : i32
      %mul3A_550 = arith.constant 12800 : i32
      %mul3A_551 = arith.muli %arg1, %mul3A_550 : i32
      %add3A_552 = arith.addi %mul3A_549, %mul3A_551 : i32
      %mul3A_553 = arith.constant 12800 : i32
      %mul3A_554 = arith.muli %arg1, %mul3A_553 : i32
      "tpu.region"() ({
        %run_scoped3A = tpu.sem_alloc : memref<!tpu.dma_semaphore, #tpu.memory_space<semaphore_mem>>
        %dma_start3A_561 = tpu.memref_slice %arg4[%add3A_552] : memref<1638400xf32, #tpu.memory_space<hbm>> -> memref<12800xf32, #tpu.memory_space<hbm>>
        %dma_start3A_562 = tpu.memref_slice %arg12[%mul3A_554] : memref<1433600xf32, #tpu.memory_space<vmem_shared>> -> memref<12800xf32, #tpu.memory_space<vmem_shared>>
        tpu.enqueue_dma source(%dma_start3A_562 : memref<12800xf32, #tpu.memory_space<vmem_shared>>) target(%dma_start3A_561 : memref<12800xf32, #tpu.memory_space<hbm>>) target_semaphore(%run_scoped3A : memref<!tpu.dma_semaphore, #tpu.memory_space<semaphore_mem>>)
        %dma_wait3A_563 = tpu.memref_slice %arg4[%add3A_552] : memref<1638400xf32, #tpu.memory_space<hbm>> -> memref<12800xf32, #tpu.memory_space<hbm>>
        %dma_wait3A_564 = tpu.memref_slice %arg12[%mul3A_554] : memref<1433600xf32, #tpu.memory_space<vmem_shared>> -> memref<12800xf32, #tpu.memory_space<vmem_shared>>
        tpu.wait_dma2 semaphore(%run_scoped3A : memref<!tpu.dma_semaphore, #tpu.memory_space<semaphore_mem>>) src(%dma_wait3A_564 : memref<12800xf32, #tpu.memory_space<vmem_shared>>) dst(%dma_wait3A_563 : memref<12800xf32, #tpu.memory_space<hbm>>)
        tpu.yield
      }) : () -> ()
      %mul3A_555 = arith.constant 12800 : i32
      %mul3A_556 = arith.muli %arg1, %mul3A_555 : i32
      %add3A_557 = arith.constant 1228800 : i32
      %add3A_558 = arith.addi %add3A_557, %mul3A_556 : i32
      "tpu.region"() ({
        %run_scoped3A = tpu.sem_alloc : memref<!tpu.dma_semaphore, #tpu.memory_space<semaphore_mem>>
        %dma_start3A_561 = tpu.memref_slice %arg5[%add3A_552] : memref<1638400xf32, #tpu.memory_space<hbm>> -> memref<12800xf32, #tpu.memory_space<hbm>>
        %dma_start3A_562 = tpu.memref_slice %arg12[%add3A_558] : memref<1433600xf32, #tpu.memory_space<vmem_shared>> -> memref<12800xf32, #tpu.memory_space<vmem_shared>>
        tpu.enqueue_dma source(%dma_start3A_562 : memref<12800xf32, #tpu.memory_space<vmem_shared>>) target(%dma_start3A_561 : memref<12800xf32, #tpu.memory_space<hbm>>) target_semaphore(%run_scoped3A : memref<!tpu.dma_semaphore, #tpu.memory_space<semaphore_mem>>)
        %dma_wait3A_563 = tpu.memref_slice %arg5[%add3A_552] : memref<1638400xf32, #tpu.memory_space<hbm>> -> memref<12800xf32, #tpu.memory_space<hbm>>
        %dma_wait3A_564 = tpu.memref_slice %arg12[%add3A_558] : memref<1433600xf32, #tpu.memory_space<vmem_shared>> -> memref<12800xf32, #tpu.memory_space<vmem_shared>>
        tpu.wait_dma2 semaphore(%run_scoped3A : memref<!tpu.dma_semaphore, #tpu.memory_space<semaphore_mem>>) src(%dma_wait3A_564 : memref<12800xf32, #tpu.memory_space<vmem_shared>>) dst(%dma_wait3A_563 : memref<12800xf32, #tpu.memory_space<hbm>>)
        tpu.yield
      }) : () -> ()
      %barrier3A_559 = arith.constant 0 : index
      tpu.barrier barrier_id(%barrier3A_559)
      %scan3A_560 = arith.constant 0 : i32
      scf.yield %scan3A_560 : i32
    }
    %scan3A_5 = arith.constant 4 : i32
    %mul3A = arith.constant 4 : i32
    %mul3A_6 = arith.muli %arg0, %mul3A : i32
    %add3A = arith.constant 0 : i32
    %add3A_7 = arith.addi %mul3A_6, %add3A : i32
    %mul3A_8 = arith.constant 204800 : i32
    %mul3A_9 = arith.muli %add3A_7, %mul3A_8 : i32
    %mul3A_10 = arith.constant 12800 : i32
    %mul3A_11 = arith.muli %arg1, %mul3A_10 : i32
    %add3A_12 = arith.addi %mul3A_9, %mul3A_11 : i32
    %add3A_13 = arith.constant 0 : i32
    %add3A_14 = arith.addi %add3A_12, %add3A_13 : i32
    %mul3A_15 = arith.constant 4096000 : i32
    %mul3A_16 = arith.muli %arg0, %mul3A_15 : i32
    %add3A_17 = arith.constant 3891200 : i32
    %add3A_18 = arith.addi %mul3A_16, %add3A_17 : i32
    %mul3A_19 = arith.constant 12800 : i32
    %mul3A_20 = arith.muli %arg1, %mul3A_19 : i32
    %add3A_21 = arith.addi %add3A_18, %mul3A_20 : i32
    %add3A_22 = arith.constant 0 : i32
    %add3A_23 = arith.addi %add3A_21, %add3A_22 : i32
    "tpu.region"() ({
      %run_scoped3A = tpu.sem_alloc : memref<!tpu.dma_semaphore, #tpu.memory_space<semaphore_mem>>
      %dma_start3A = tpu.memref_slice %arg4[%add3A_14] : memref<1638400xf32, #tpu.memory_space<hbm>> -> memref<6400xf32, #tpu.memory_space<hbm>>
      %dma_start3A_436 = tpu.memref_slice %arg4[%add3A_14] : memref<1638400xf32, #tpu.memory_space<hbm>> -> memref<6400xf32, #tpu.memory_space<hbm>>
      tpu.enqueue_dma source(%dma_start3A_436 : memref<6400xf32, #tpu.memory_space<hbm>>) target(%arg11 : memref<6400xf32, #tpu.memory_space<vmem>>) target_semaphore(%run_scoped3A : memref<!tpu.dma_semaphore, #tpu.memory_space<semaphore_mem>>)
      %dma_wait3A = tpu.memref_slice %arg4[%add3A_14] : memref<1638400xf32, #tpu.memory_space<hbm>> -> memref<6400xf32, #tpu.memory_space<hbm>>
      %dma_wait3A_437 = tpu.memref_slice %arg4[%add3A_14] : memref<1638400xf32, #tpu.memory_space<hbm>> -> memref<6400xf32, #tpu.memory_space<hbm>>
      tpu.wait_dma2 semaphore(%run_scoped3A : memref<!tpu.dma_semaphore, #tpu.memory_space<semaphore_mem>>) src(%dma_wait3A_437 : memref<6400xf32, #tpu.memory_space<hbm>>) dst(%arg11 : memref<6400xf32, #tpu.memory_space<vmem>>)
      tpu.yield
    }) : () -> ()
    "tpu.region"() ({
      %run_scoped3A = tpu.sem_alloc : memref<!tpu.dma_semaphore, #tpu.memory_space<semaphore_mem>>
      %dma_start3A = tpu.memref_slice %arg3[%add3A_23] : memref<8192000xf32, #tpu.memory_space<hbm>> -> memref<6400xf32, #tpu.memory_space<hbm>>
      %dma_start3A_436 = tpu.memref_slice %arg3[%add3A_23] : memref<8192000xf32, #tpu.memory_space<hbm>> -> memref<6400xf32, #tpu.memory_space<hbm>>
      tpu.enqueue_dma source(%dma_start3A_436 : memref<6400xf32, #tpu.memory_space<hbm>>) target(%arg10 : memref<6400xf32, #tpu.memory_space<vmem>>) target_semaphore(%run_scoped3A : memref<!tpu.dma_semaphore, #tpu.memory_space<semaphore_mem>>)
      %dma_wait3A = tpu.memref_slice %arg3[%add3A_23] : memref<8192000xf32, #tpu.memory_space<hbm>> -> memref<6400xf32, #tpu.memory_space<hbm>>
      %dma_wait3A_437 = tpu.memref_slice %arg3[%add3A_23] : memref<8192000xf32, #tpu.memory_space<hbm>> -> memref<6400xf32, #tpu.memory_space<hbm>>
      tpu.wait_dma2 semaphore(%run_scoped3A : memref<!tpu.dma_semaphore, #tpu.memory_space<semaphore_mem>>) src(%dma_wait3A_437 : memref<6400xf32, #tpu.memory_space<hbm>>) dst(%arg10 : memref<6400xf32, #tpu.memory_space<vmem>>)
      tpu.yield
    }) : () -> ()
    %scan3A_24 = arith.constant 0 : i32
    %scan3A_25 = arith.constant 0 : i32
    %scan3A_26 = arith.constant 400 : i32
    %scan3A_27 = arith.addi %scan3A_25, %scan3A_26 : i32
    %scan3A_28 = arith.constant 1 : i32
    %scan3A_29 = scf.for %scan3A_436 = %scan3A_25 to %scan3A_27 step %scan3A_28 iter_args(%scan3A_437 = %scan3A_24) -> (i32)  : i32 {
      %mul3A_438 = arith.constant 16 : i32
      %mul3A_439 = arith.muli %scan3A_436, %mul3A_438 : i32
      %get3A = arith.index_cast %mul3A_439 : i32 to index
      %get3A_440 = tpu.vector_load %arg10[%get3A] {strides = array<i32>} : memref<6400xf32, #tpu.memory_space<vmem>>, vector<16xf32>,
      %get3A_441 = vector.shape_cast %get3A_440 : vector<16xf32> to vector<16xf32>
      %mul3A_442 = arith.constant 16 : i32
      %mul3A_443 = arith.muli %scan3A_436, %mul3A_442 : i32
      %get3A_444 = arith.index_cast %mul3A_443 : i32 to index
      %get3A_445 = tpu.vector_load %arg11[%get3A_444] {strides = array<i32>} : memref<6400xf32, #tpu.memory_space<vmem>>, vector<16xf32>,
      %get3A_446 = vector.shape_cast %get3A_445 : vector<16xf32> to vector<16xf32>
      %add3A_447 = arith.addf %get3A_441, %get3A_446 : vector<16xf32>
      %mul3A_448 = arith.constant 16 : i32
      %mul3A_449 = arith.muli %scan3A_436, %mul3A_448 : i32
      %swap3A = arith.index_cast %mul3A_449 : i32 to index
      %swap3A_450 = tpu.vector_load %arg10[%swap3A] {strides = array<i32>} : memref<6400xf32, #tpu.memory_space<vmem>>, vector<16xf32>,
      %swap3A_451 = vector.shape_cast %swap3A_450 : vector<16xf32> to vector<16xf32>
      %swap3A_452 = vector.shape_cast %add3A_447 : vector<16xf32> to vector<16xf32>
      tpu.vector_store %arg10[%swap3A], %swap3A_452 {strides = array<i32>} : memref<6400xf32, #tpu.memory_space<vmem>>, vector<16xf32>,
      %scan3A_453 = arith.constant 0 : i32
      scf.yield %scan3A_453 : i32
    }
    %scan3A_30 = arith.constant 400 : i32
    "tpu.region"() ({
      %run_scoped3A = tpu.sem_alloc : memref<!tpu.dma_semaphore, #tpu.memory_space<semaphore_mem>>
      %dma_start3A = tpu.memref_slice %arg3[%add3A_23] : memref<8192000xf32, #tpu.memory_space<hbm>> -> memref<6400xf32, #tpu.memory_space<hbm>>
      %dma_start3A_436 = tpu.memref_slice %arg3[%add3A_23] : memref<8192000xf32, #tpu.memory_space<hbm>> -> memref<6400xf32, #tpu.memory_space<hbm>>
      tpu.enqueue_dma source(%arg10 : memref<6400xf32, #tpu.memory_space<vmem>>) target(%dma_start3A_436 : memref<6400xf32, #tpu.memory_space<hbm>>) target_semaphore(%run_scoped3A : memref<!tpu.dma_semaphore, #tpu.memory_space<semaphore_mem>>)
      %dma_wait3A = tpu.memref_slice %arg3[%add3A_23] : memref<8192000xf32, #tpu.memory_space<hbm>> -> memref<6400xf32, #tpu.memory_space<hbm>>
      %dma_wait3A_437 = tpu.memref_slice %arg3[%add3A_23] : memref<8192000xf32, #tpu.memory_space<hbm>> -> memref<6400xf32, #tpu.memory_space<hbm>>
      tpu.wait_dma2 semaphore(%run_scoped3A : memref<!tpu.dma_semaphore, #tpu.memory_space<semaphore_mem>>) src(%arg10 : memref<6400xf32, #tpu.memory_space<vmem>>) dst(%dma_wait3A_437 : memref<6400xf32, #tpu.memory_space<hbm>>)
      tpu.yield
    }) : () -> ()
    %mul3A_31 = arith.constant 4 : i32
    %mul3A_32 = arith.muli %arg0, %mul3A_31 : i32
    %add3A_33 = arith.constant 0 : i32
    %add3A_34 = arith.addi %mul3A_32, %add3A_33 : i32
    %mul3A_35 = arith.constant 204800 : i32
    %mul3A_36 = arith.muli %add3A_34, %mul3A_35 : i32
    %mul3A_37 = arith.constant 12800 : i32
    %mul3A_38 = arith.muli %arg1, %mul3A_37 : i32
    %add3A_39 = arith.addi %mul3A_36, %mul3A_38 : i32
    %add3A_40 = arith.constant 6400 : i32
    %add3A_41 = arith.addi %add3A_39, %add3A_40 : i32
    %mul3A_42 = arith.constant 4096000 : i32
    %mul3A_43 = arith.muli %arg0, %mul3A_42 : i32
    %add3A_44 = arith.constant 3891200 : i32
    %add3A_45 = arith.addi %mul3A_43, %add3A_44 : i32
    %mul3A_46 = arith.constant 12800 : i32
    %mul3A_47 = arith.muli %arg1, %mul3A_46 : i32
    %add3A_48 = arith.addi %add3A_45, %mul3A_47 : i32
    %add3A_49 = arith.constant 6400 : i32
    %add3A_50 = arith.addi %add3A_48, %add3A_49 : i32
    "tpu.region"() ({
      %run_scoped3A = tpu.sem_alloc : memref<!tpu.dma_semaphore, #tpu.memory_space<semaphore_mem>>
      %dma_start3A = tpu.memref_slice %arg4[%add3A_41] : memref<1638400xf32, #tpu.memory_space<hbm>> -> memref<6400xf32, #tpu.memory_space<hbm>>
      %dma_start3A_436 = tpu.memref_slice %arg4[%add3A_41] : memref<1638400xf32, #tpu.memory_space<hbm>> -> memref<6400xf32, #tpu.memory_space<hbm>>
      tpu.enqueue_dma source(%dma_start3A_436 : memref<6400xf32, #tpu.memory_space<hbm>>) target(%arg11 : memref<6400xf32, #tpu.memory_space<vmem>>) target_semaphore(%run_scoped3A : memref<!tpu.dma_semaphore, #tpu.memory_space<semaphore_mem>>)
      %dma_wait3A = tpu.memref_slice %arg4[%add3A_41] : memref<1638400xf32, #tpu.memory_space<hbm>> -> memref<6400xf32, #tpu.memory_space<hbm>>
      %dma_wait3A_437 = tpu.memref_slice %arg4[%add3A_41] : memref<1638400xf32, #tpu.memory_space<hbm>> -> memref<6400xf32, #tpu.memory_space<hbm>>
      tpu.wait_dma2 semaphore(%run_scoped3A : memref<!tpu.dma_semaphore, #tpu.memory_space<semaphore_mem>>) src(%dma_wait3A_437 : memref<6400xf32, #tpu.memory_space<hbm>>) dst(%arg11 : memref<6400xf32, #tpu.memory_space<vmem>>)
      tpu.yield
    }) : () -> ()
    "tpu.region"() ({
      %run_scoped3A = tpu.sem_alloc : memref<!tpu.dma_semaphore, #tpu.memory_space<semaphore_mem>>
      %dma_start3A = tpu.memref_slice %arg3[%add3A_50] : memref<8192000xf32, #tpu.memory_space<hbm>> -> memref<6400xf32, #tpu.memory_space<hbm>>
      %dma_start3A_436 = tpu.memref_slice %arg3[%add3A_50] : memref<8192000xf32, #tpu.memory_space<hbm>> -> memref<6400xf32, #tpu.memory_space<hbm>>
      tpu.enqueue_dma source(%dma_start3A_436 : memref<6400xf32, #tpu.memory_space<hbm>>) target(%arg10 : memref<6400xf32, #tpu.memory_space<vmem>>) target_semaphore(%run_scoped3A : memref<!tpu.dma_semaphore, #tpu.memory_space<semaphore_mem>>)
      %dma_wait3A = tpu.memref_slice %arg3[%add3A_50] : memref<8192000xf32, #tpu.memory_space<hbm>> -> memref<6400xf32, #tpu.memory_space<hbm>>
      %dma_wait3A_437 = tpu.memref_slice %arg3[%add3A_50] : memref<8192000xf32, #tpu.memory_space<hbm>> -> memref<6400xf32, #tpu.memory_space<hbm>>
      tpu.wait_dma2 semaphore(%run_scoped3A : memref<!tpu.dma_semaphore, #tpu.memory_space<semaphore_mem>>) src(%dma_wait3A_437 : memref<6400xf32, #tpu.memory_space<hbm>>) dst(%arg10 : memref<6400xf32, #tpu.memory_space<vmem>>)
      tpu.yield
    }) : () -> ()
    %scan3A_51 = arith.constant 0 : i32
    %scan3A_52 = arith.constant 0 : i32
    %scan3A_53 = arith.constant 400 : i32
    %scan3A_54 = arith.addi %scan3A_52, %scan3A_53 : i32
    %scan3A_55 = arith.constant 1 : i32
    %scan3A_56 = scf.for %scan3A_436 = %scan3A_52 to %scan3A_54 step %scan3A_55 iter_args(%scan3A_437 = %scan3A_51) -> (i32)  : i32 {
      %mul3A_438 = arith.constant 16 : i32
      %mul3A_439 = arith.muli %scan3A_436, %mul3A_438 : i32
      %get3A = arith.index_cast %mul3A_439 : i32 to index
      %get3A_440 = tpu.vector_load %arg10[%get3A] {strides = array<i32>} : memref<6400xf32, #tpu.memory_space<vmem>>, vector<16xf32>,
      %get3A_441 = vector.shape_cast %get3A_440 : vector<16xf32> to vector<16xf32>
      %mul3A_442 = arith.constant 16 : i32
      %mul3A_443 = arith.muli %scan3A_436, %mul3A_442 : i32
      %get3A_444 = arith.index_cast %mul3A_443 : i32 to index
      %get3A_445 = tpu.vector_load %arg11[%get3A_444] {strides = array<i32>} : memref<6400xf32, #tpu.memory_space<vmem>>, vector<16xf32>,
      %get3A_446 = vector.shape_cast %get3A_445 : vector<16xf32> to vector<16xf32>
      %add3A_447 = arith.addf %get3A_441, %get3A_446 : vector<16xf32>
      %mul3A_448 = arith.constant 16 : i32
      %mul3A_449 = arith.muli %scan3A_436, %mul3A_448 : i32
      %swap3A = arith.index_cast %mul3A_449 : i32 to index
      %swap3A_450 = tpu.vector_load %arg10[%swap3A] {strides = array<i32>} : memref<6400xf32, #tpu.memory_space<vmem>>, vector<16xf32>,
      %swap3A_451 = vector.shape_cast %swap3A_450 : vector<16xf32> to vector<16xf32>
      %swap3A_452 = vector.shape_cast %add3A_447 : vector<16xf32> to vector<16xf32>
      tpu.vector_store %arg10[%swap3A], %swap3A_452 {strides = array<i32>} : memref<6400xf32, #tpu.memory_space<vmem>>, vector<16xf32>,
      %scan3A_453 = arith.constant 0 : i32
      scf.yield %scan3A_453 : i32
    }
    %scan3A_57 = arith.constant 400 : i32
    "tpu.region"() ({
      %run_scoped3A = tpu.sem_alloc : memref<!tpu.dma_semaphore, #tpu.memory_space<semaphore_mem>>
      %dma_start3A = tpu.memref_slice %arg3[%add3A_50] : memref<8192000xf32, #tpu.memory_space<hbm>> -> memref<6400xf32, #tpu.memory_space<hbm>>
      %dma_start3A_436 = tpu.memref_slice %arg3[%add3A_50] : memref<8192000xf32, #tpu.memory_space<hbm>> -> memref<6400xf32, #tpu.memory_space<hbm>>
      tpu.enqueue_dma source(%arg10 : memref<6400xf32, #tpu.memory_space<vmem>>) target(%dma_start3A_436 : memref<6400xf32, #tpu.memory_space<hbm>>) target_semaphore(%run_scoped3A : memref<!tpu.dma_semaphore, #tpu.memory_space<semaphore_mem>>)
      %dma_wait3A = tpu.memref_slice %arg3[%add3A_50] : memref<8192000xf32, #tpu.memory_space<hbm>> -> memref<6400xf32, #tpu.memory_space<hbm>>
      %dma_wait3A_437 = tpu.memref_slice %arg3[%add3A_50] : memref<8192000xf32, #tpu.memory_space<hbm>> -> memref<6400xf32, #tpu.memory_space<hbm>>
      tpu.wait_dma2 semaphore(%run_scoped3A : memref<!tpu.dma_semaphore, #tpu.memory_space<semaphore_mem>>) src(%arg10 : memref<6400xf32, #tpu.memory_space<vmem>>) dst(%dma_wait3A_437 : memref<6400xf32, #tpu.memory_space<hbm>>)
      tpu.yield
    }) : () -> ()
    %mul3A_58 = arith.constant 4 : i32
    %mul3A_59 = arith.muli %arg0, %mul3A_58 : i32
    %add3A_60 = arith.constant 0 : i32
    %add3A_61 = arith.addi %mul3A_59, %add3A_60 : i32
    %mul3A_62 = arith.constant 204800 : i32
    %mul3A_63 = arith.muli %add3A_61, %mul3A_62 : i32
    %mul3A_64 = arith.constant 12800 : i32
    %mul3A_65 = arith.muli %arg1, %mul3A_64 : i32
    %add3A_66 = arith.addi %mul3A_63, %mul3A_65 : i32
    %add3A_67 = arith.constant 0 : i32
    %add3A_68 = arith.addi %add3A_66, %add3A_67 : i32
    %mul3A_69 = arith.constant 4096000 : i32
    %mul3A_70 = arith.muli %arg0, %mul3A_69 : i32
    %add3A_71 = arith.constant 1024000 : i32
    %add3A_72 = arith.addi %mul3A_70, %add3A_71 : i32
    %mul3A_73 = arith.constant 12800 : i32
    %mul3A_74 = arith.muli %arg1, %mul3A_73 : i32
    %add3A_75 = arith.addi %add3A_72, %mul3A_74 : i32
    %add3A_76 = arith.constant 0 : i32
    %add3A_77 = arith.addi %add3A_75, %add3A_76 : i32
    "tpu.region"() ({
      %run_scoped3A = tpu.sem_alloc : memref<!tpu.dma_semaphore, #tpu.memory_space<semaphore_mem>>
      %dma_start3A = tpu.memref_slice %arg5[%add3A_68] : memref<1638400xf32, #tpu.memory_space<hbm>> -> memref<6400xf32, #tpu.memory_space<hbm>>
      %dma_start3A_436 = tpu.memref_slice %arg5[%add3A_68] : memref<1638400xf32, #tpu.memory_space<hbm>> -> memref<6400xf32, #tpu.memory_space<hbm>>
      tpu.enqueue_dma source(%dma_start3A_436 : memref<6400xf32, #tpu.memory_space<hbm>>) target(%arg11 : memref<6400xf32, #tpu.memory_space<vmem>>) target_semaphore(%run_scoped3A : memref<!tpu.dma_semaphore, #tpu.memory_space<semaphore_mem>>)
      %dma_wait3A = tpu.memref_slice %arg5[%add3A_68] : memref<1638400xf32, #tpu.memory_space<hbm>> -> memref<6400xf32, #tpu.memory_space<hbm>>
      %dma_wait3A_437 = tpu.memref_slice %arg5[%add3A_68] : memref<1638400xf32, #tpu.memory_space<hbm>> -> memref<6400xf32, #tpu.memory_space<hbm>>
      tpu.wait_dma2 semaphore(%run_scoped3A : memref<!tpu.dma_semaphore, #tpu.memory_space<semaphore_mem>>) src(%dma_wait3A_437 : memref<6400xf32, #tpu.memory_space<hbm>>) dst(%arg11 : memref<6400xf32, #tpu.memory_space<vmem>>)
      tpu.yield
    }) : () -> ()
    "tpu.region"() ({
      %run_scoped3A = tpu.sem_alloc : memref<!tpu.dma_semaphore, #tpu.memory_space<semaphore_mem>>
      %dma_start3A = tpu.memref_slice %arg3[%add3A_77] : memref<8192000xf32, #tpu.memory_space<hbm>> -> memref<6400xf32, #tpu.memory_space<hbm>>
      %dma_start3A_436 = tpu.memref_slice %arg3[%add3A_77] : memref<8192000xf32, #tpu.memory_space<hbm>> -> memref<6400xf32, #tpu.memory_space<hbm>>
      tpu.enqueue_dma source(%dma_start3A_436 : memref<6400xf32, #tpu.memory_space<hbm>>) target(%arg10 : memref<6400xf32, #tpu.memory_space<vmem>>) target_semaphore(%run_scoped3A : memref<!tpu.dma_semaphore, #tpu.memory_space<semaphore_mem>>)
      %dma_wait3A = tpu.memref_slice %arg3[%add3A_77] : memref<8192000xf32, #tpu.memory_space<hbm>> -> memref<6400xf32, #tpu.memory_space<hbm>>
      %dma_wait3A_437 = tpu.memref_slice %arg3[%add3A_77] : memref<8192000xf32, #tpu.memory_space<hbm>> -> memref<6400xf32, #tpu.memory_space<hbm>>
      tpu.wait_dma2 semaphore(%run_scoped3A : memref<!tpu.dma_semaphore, #tpu.memory_space<semaphore_mem>>) src(%dma_wait3A_437 : memref<6400xf32, #tpu.memory_space<hbm>>) dst(%arg10 : memref<6400xf32, #tpu.memory_space<vmem>>)
      tpu.yield
    }) : () -> ()
    %scan3A_78 = arith.constant 0 : i32
    %scan3A_79 = arith.constant 0 : i32
    %scan3A_80 = arith.constant 400 : i32
    %scan3A_81 = arith.addi %scan3A_79, %scan3A_80 : i32
    %scan3A_82 = arith.constant 1 : i32
    %scan3A_83 = scf.for %scan3A_436 = %scan3A_79 to %scan3A_81 step %scan3A_82 iter_args(%scan3A_437 = %scan3A_78) -> (i32)  : i32 {
      %mul3A_438 = arith.constant 16 : i32
      %mul3A_439 = arith.muli %scan3A_436, %mul3A_438 : i32
      %get3A = arith.index_cast %mul3A_439 : i32 to index
      %get3A_440 = tpu.vector_load %arg10[%get3A] {strides = array<i32>} : memref<6400xf32, #tpu.memory_space<vmem>>, vector<16xf32>,
      %get3A_441 = vector.shape_cast %get3A_440 : vector<16xf32> to vector<16xf32>
      %mul3A_442 = arith.constant 16 : i32
      %mul3A_443 = arith.muli %scan3A_436, %mul3A_442 : i32
      %get3A_444 = arith.index_cast %mul3A_443 : i32 to index
      %get3A_445 = tpu.vector_load %arg11[%get3A_444] {strides = array<i32>} : memref<6400xf32, #tpu.memory_space<vmem>>, vector<16xf32>,
      %get3A_446 = vector.shape_cast %get3A_445 : vector<16xf32> to vector<16xf32>
      %add3A_447 = arith.addf %get3A_441, %get3A_446 : vector<16xf32>
      %mul3A_448 = arith.constant 16 : i32
      %mul3A_449 = arith.muli %scan3A_436, %mul3A_448 : i32
      %swap3A = arith.index_cast %mul3A_449 : i32 to index
      %swap3A_450 = tpu.vector_load %arg10[%swap3A] {strides = array<i32>} : memref<6400xf32, #tpu.memory_space<vmem>>, vector<16xf32>,
      %swap3A_451 = vector.shape_cast %swap3A_450 : vector<16xf32> to vector<16xf32>
      %swap3A_452 = vector.shape_cast %add3A_447 : vector<16xf32> to vector<16xf32>
      tpu.vector_store %arg10[%swap3A], %swap3A_452 {strides = array<i32>} : memref<6400xf32, #tpu.memory_space<vmem>>, vector<16xf32>,
      %scan3A_453 = arith.constant 0 : i32
      scf.yield %scan3A_453 : i32
    }
    %scan3A_84 = arith.constant 400 : i32
    "tpu.region"() ({
      %run_scoped3A = tpu.sem_alloc : memref<!tpu.dma_semaphore, #tpu.memory_space<semaphore_mem>>
      %dma_start3A = tpu.memref_slice %arg3[%add3A_77] : memref<8192000xf32, #tpu.memory_space<hbm>> -> memref<6400xf32, #tpu.memory_space<hbm>>
      %dma_start3A_436 = tpu.memref_slice %arg3[%add3A_77] : memref<8192000xf32, #tpu.memory_space<hbm>> -> memref<6400xf32, #tpu.memory_space<hbm>>
      tpu.enqueue_dma source(%arg10 : memref<6400xf32, #tpu.memory_space<vmem>>) target(%dma_start3A_436 : memref<6400xf32, #tpu.memory_space<hbm>>) target_semaphore(%run_scoped3A : memref<!tpu.dma_semaphore, #tpu.memory_space<semaphore_mem>>)
      %dma_wait3A = tpu.memref_slice %arg3[%add3A_77] : memref<8192000xf32, #tpu.memory_space<hbm>> -> memref<6400xf32, #tpu.memory_space<hbm>>
      %dma_wait3A_437 = tpu.memref_slice %arg3[%add3A_77] : memref<8192000xf32, #tpu.memory_space<hbm>> -> memref<6400xf32, #tpu.memory_space<hbm>>
      tpu.wait_dma2 semaphore(%run_scoped3A : memref<!tpu.dma_semaphore, #tpu.memory_space<semaphore_mem>>) src(%arg10 : memref<6400xf32, #tpu.memory_space<vmem>>) dst(%dma_wait3A_437 : memref<6400xf32, #tpu.memory_space<hbm>>)
      tpu.yield
    }) : () -> ()
    %mul3A_85 = arith.constant 4 : i32
    %mul3A_86 = arith.muli %arg0, %mul3A_85 : i32
    %add3A_87 = arith.constant 0 : i32
    %add3A_88 = arith.addi %mul3A_86, %add3A_87 : i32
    %mul3A_89 = arith.constant 204800 : i32
    %mul3A_90 = arith.muli %add3A_88, %mul3A_89 : i32
    %mul3A_91 = arith.constant 12800 : i32
    %mul3A_92 = arith.muli %arg1, %mul3A_91 : i32
    %add3A_93 = arith.addi %mul3A_90, %mul3A_92 : i32
    %add3A_94 = arith.constant 6400 : i32
    %add3A_95 = arith.addi %add3A_93, %add3A_94 : i32
    %mul3A_96 = arith.constant 4096000 : i32
    %mul3A_97 = arith.muli %arg0, %mul3A_96 : i32
    %add3A_98 = arith.constant 1024000 : i32
    %add3A_99 = arith.addi %mul3A_97, %add3A_98 : i32
    %mul3A_100 = arith.constant 12800 : i32
    %mul3A_101 = arith.muli %arg1, %mul3A_100 : i32
    %add3A_102 = arith.addi %add3A_99, %mul3A_101 : i32
    %add3A_103 = arith.constant 6400 : i32
    %add3A_104 = arith.addi %add3A_102, %add3A_103 : i32
    "tpu.region"() ({
      %run_scoped3A = tpu.sem_alloc : memref<!tpu.dma_semaphore, #tpu.memory_space<semaphore_mem>>
      %dma_start3A = tpu.memref_slice %arg5[%add3A_95] : memref<1638400xf32, #tpu.memory_space<hbm>> -> memref<6400xf32, #tpu.memory_space<hbm>>
      %dma_start3A_436 = tpu.memref_slice %arg5[%add3A_95] : memref<1638400xf32, #tpu.memory_space<hbm>> -> memref<6400xf32, #tpu.memory_space<hbm>>
      tpu.enqueue_dma source(%dma_start3A_436 : memref<6400xf32, #tpu.memory_space<hbm>>) target(%arg11 : memref<6400xf32, #tpu.memory_space<vmem>>) target_semaphore(%run_scoped3A : memref<!tpu.dma_semaphore, #tpu.memory_space<semaphore_mem>>)
      %dma_wait3A = tpu.memref_slice %arg5[%add3A_95] : memref<1638400xf32, #tpu.memory_space<hbm>> -> memref<6400xf32, #tpu.memory_space<hbm>>
      %dma_wait3A_437 = tpu.memref_slice %arg5[%add3A_95] : memref<1638400xf32, #tpu.memory_space<hbm>> -> memref<6400xf32, #tpu.memory_space<hbm>>
      tpu.wait_dma2 semaphore(%run_scoped3A : memref<!tpu.dma_semaphore, #tpu.memory_space<semaphore_mem>>) src(%dma_wait3A_437 : memref<6400xf32, #tpu.memory_space<hbm>>) dst(%arg11 : memref<6400xf32, #tpu.memory_space<vmem>>)
      tpu.yield
    }) : () -> ()
    "tpu.region"() ({
      %run_scoped3A = tpu.sem_alloc : memref<!tpu.dma_semaphore, #tpu.memory_space<semaphore_mem>>
      %dma_start3A = tpu.memref_slice %arg3[%add3A_104] : memref<8192000xf32, #tpu.memory_space<hbm>> -> memref<6400xf32, #tpu.memory_space<hbm>>
      %dma_start3A_436 = tpu.memref_slice %arg3[%add3A_104] : memref<8192000xf32, #tpu.memory_space<hbm>> -> memref<6400xf32, #tpu.memory_space<hbm>>
      tpu.enqueue_dma source(%dma_start3A_436 : memref<6400xf32, #tpu.memory_space<hbm>>) target(%arg10 : memref<6400xf32, #tpu.memory_space<vmem>>) target_semaphore(%run_scoped3A : memref<!tpu.dma_semaphore, #tpu.memory_space<semaphore_mem>>)
      %dma_wait3A = tpu.memref_slice %arg3[%add3A_104] : memref<8192000xf32, #tpu.memory_space<hbm>> -> memref<6400xf32, #tpu.memory_space<hbm>>
      %dma_wait3A_437 = tpu.memref_slice %arg3[%add3A_104] : memref<8192000xf32, #tpu.memory_space<hbm>> -> memref<6400xf32, #tpu.memory_space<hbm>>
      tpu.wait_dma2 semaphore(%run_scoped3A : memref<!tpu.dma_semaphore, #tpu.memory_space<semaphore_mem>>) src(%dma_wait3A_437 : memref<6400xf32, #tpu.memory_space<hbm>>) dst(%arg10 : memref<6400xf32, #tpu.memory_space<vmem>>)
      tpu.yield
    }) : () -> ()
    %scan3A_105 = arith.constant 0 : i32
    %scan3A_106 = arith.constant 0 : i32
    %scan3A_107 = arith.constant 400 : i32
    %scan3A_108 = arith.addi %scan3A_106, %scan3A_107 : i32
    %scan3A_109 = arith.constant 1 : i32
    %scan3A_110 = scf.for %scan3A_436 = %scan3A_106 to %scan3A_108 step %scan3A_109 iter_args(%scan3A_437 = %scan3A_105) -> (i32)  : i32 {
      %mul3A_438 = arith.constant 16 : i32
      %mul3A_439 = arith.muli %scan3A_436, %mul3A_438 : i32
      %get3A = arith.index_cast %mul3A_439 : i32 to index
      %get3A_440 = tpu.vector_load %arg10[%get3A] {strides = array<i32>} : memref<6400xf32, #tpu.memory_space<vmem>>, vector<16xf32>,
      %get3A_441 = vector.shape_cast %get3A_440 : vector<16xf32> to vector<16xf32>
      %mul3A_442 = arith.constant 16 : i32
      %mul3A_443 = arith.muli %scan3A_436, %mul3A_442 : i32
      %get3A_444 = arith.index_cast %mul3A_443 : i32 to index
      %get3A_445 = tpu.vector_load %arg11[%get3A_444] {strides = array<i32>} : memref<6400xf32, #tpu.memory_space<vmem>>, vector<16xf32>,
      %get3A_446 = vector.shape_cast %get3A_445 : vector<16xf32> to vector<16xf32>
      %add3A_447 = arith.addf %get3A_441, %get3A_446 : vector<16xf32>
      %mul3A_448 = arith.constant 16 : i32
      %mul3A_449 = arith.muli %scan3A_436, %mul3A_448 : i32
      %swap3A = arith.index_cast %mul3A_449 : i32 to index
      %swap3A_450 = tpu.vector_load %arg10[%swap3A] {strides = array<i32>} : memref<6400xf32, #tpu.memory_space<vmem>>, vector<16xf32>,
      %swap3A_451 = vector.shape_cast %swap3A_450 : vector<16xf32> to vector<16xf32>
      %swap3A_452 = vector.shape_cast %add3A_447 : vector<16xf32> to vector<16xf32>
      tpu.vector_store %arg10[%swap3A], %swap3A_452 {strides = array<i32>} : memref<6400xf32, #tpu.memory_space<vmem>>, vector<16xf32>,
      %scan3A_453 = arith.constant 0 : i32
      scf.yield %scan3A_453 : i32
    }
    %scan3A_111 = arith.constant 400 : i32
    "tpu.region"() ({
      %run_scoped3A = tpu.sem_alloc : memref<!tpu.dma_semaphore, #tpu.memory_space<semaphore_mem>>
      %dma_start3A = tpu.memref_slice %arg3[%add3A_104] : memref<8192000xf32, #tpu.memory_space<hbm>> -> memref<6400xf32, #tpu.memory_space<hbm>>
      %dma_start3A_436 = tpu.memref_slice %arg3[%add3A_104] : memref<8192000xf32, #tpu.memory_space<hbm>> -> memref<6400xf32, #tpu.memory_space<hbm>>
      tpu.enqueue_dma source(%arg10 : memref<6400xf32, #tpu.memory_space<vmem>>) target(%dma_start3A_436 : memref<6400xf32, #tpu.memory_space<hbm>>) target_semaphore(%run_scoped3A : memref<!tpu.dma_semaphore, #tpu.memory_space<semaphore_mem>>)
      %dma_wait3A = tpu.memref_slice %arg3[%add3A_104] : memref<8192000xf32, #tpu.memory_space<hbm>> -> memref<6400xf32, #tpu.memory_space<hbm>>
      %dma_wait3A_437 = tpu.memref_slice %arg3[%add3A_104] : memref<8192000xf32, #tpu.memory_space<hbm>> -> memref<6400xf32, #tpu.memory_space<hbm>>
      tpu.wait_dma2 semaphore(%run_scoped3A : memref<!tpu.dma_semaphore, #tpu.memory_space<semaphore_mem>>) src(%arg10 : memref<6400xf32, #tpu.memory_space<vmem>>) dst(%dma_wait3A_437 : memref<6400xf32, #tpu.memory_space<hbm>>)
      tpu.yield
    }) : () -> ()
    %mul3A_112 = arith.constant 4 : i32
    %mul3A_113 = arith.muli %arg0, %mul3A_112 : i32
    %add3A_114 = arith.constant 1 : i32
    %add3A_115 = arith.addi %mul3A_113, %add3A_114 : i32
    %mul3A_116 = arith.constant 204800 : i32
    %mul3A_117 = arith.muli %add3A_115, %mul3A_116 : i32
    %mul3A_118 = arith.constant 12800 : i32
    %mul3A_119 = arith.muli %arg1, %mul3A_118 : i32
    %add3A_120 = arith.addi %mul3A_117, %mul3A_119 : i32
    %add3A_121 = arith.constant 0 : i32
    %add3A_122 = arith.addi %add3A_120, %add3A_121 : i32
    %mul3A_123 = arith.constant 4096000 : i32
    %mul3A_124 = arith.muli %arg0, %mul3A_123 : i32
    %add3A_125 = arith.constant 819200 : i32
    %add3A_126 = arith.addi %mul3A_124, %add3A_125 : i32
    %mul3A_127 = arith.constant 12800 : i32
    %mul3A_128 = arith.muli %arg1, %mul3A_127 : i32
    %add3A_129 = arith.addi %add3A_126, %mul3A_128 : i32
    %add3A_130 = arith.constant 0 : i32
    %add3A_131 = arith.addi %add3A_129, %add3A_130 : i32
    "tpu.region"() ({
      %run_scoped3A = tpu.sem_alloc : memref<!tpu.dma_semaphore, #tpu.memory_space<semaphore_mem>>
      %dma_start3A = tpu.memref_slice %arg4[%add3A_122] : memref<1638400xf32, #tpu.memory_space<hbm>> -> memref<6400xf32, #tpu.memory_space<hbm>>
      %dma_start3A_436 = tpu.memref_slice %arg4[%add3A_122] : memref<1638400xf32, #tpu.memory_space<hbm>> -> memref<6400xf32, #tpu.memory_space<hbm>>
      tpu.enqueue_dma source(%dma_start3A_436 : memref<6400xf32, #tpu.memory_space<hbm>>) target(%arg11 : memref<6400xf32, #tpu.memory_space<vmem>>) target_semaphore(%run_scoped3A : memref<!tpu.dma_semaphore, #tpu.memory_space<semaphore_mem>>)
      %dma_wait3A = tpu.memref_slice %arg4[%add3A_122] : memref<1638400xf32, #tpu.memory_space<hbm>> -> memref<6400xf32, #tpu.memory_space<hbm>>
      %dma_wait3A_437 = tpu.memref_slice %arg4[%add3A_122] : memref<1638400xf32, #tpu.memory_space<hbm>> -> memref<6400xf32, #tpu.memory_space<hbm>>
      tpu.wait_dma2 semaphore(%run_scoped3A : memref<!tpu.dma_semaphore, #tpu.memory_space<semaphore_mem>>) src(%dma_wait3A_437 : memref<6400xf32, #tpu.memory_space<hbm>>) dst(%arg11 : memref<6400xf32, #tpu.memory_space<vmem>>)
      tpu.yield
    }) : () -> ()
    "tpu.region"() ({
      %run_scoped3A = tpu.sem_alloc : memref<!tpu.dma_semaphore, #tpu.memory_space<semaphore_mem>>
      %dma_start3A = tpu.memref_slice %arg3[%add3A_131] : memref<8192000xf32, #tpu.memory_space<hbm>> -> memref<6400xf32, #tpu.memory_space<hbm>>
      %dma_start3A_436 = tpu.memref_slice %arg3[%add3A_131] : memref<8192000xf32, #tpu.memory_space<hbm>> -> memref<6400xf32, #tpu.memory_space<hbm>>
      tpu.enqueue_dma source(%dma_start3A_436 : memref<6400xf32, #tpu.memory_space<hbm>>) target(%arg10 : memref<6400xf32, #tpu.memory_space<vmem>>) target_semaphore(%run_scoped3A : memref<!tpu.dma_semaphore, #tpu.memory_space<semaphore_mem>>)
      %dma_wait3A = tpu.memref_slice %arg3[%add3A_131] : memref<8192000xf32, #tpu.memory_space<hbm>> -> memref<6400xf32, #tpu.memory_space<hbm>>
      %dma_wait3A_437 = tpu.memref_slice %arg3[%add3A_131] : memref<8192000xf32, #tpu.memory_space<hbm>> -> memref<6400xf32, #tpu.memory_space<hbm>>
      tpu.wait_dma2 semaphore(%run_scoped3A : memref<!tpu.dma_semaphore, #tpu.memory_space<semaphore_mem>>) src(%dma_wait3A_437 : memref<6400xf32, #tpu.memory_space<hbm>>) dst(%arg10 : memref<6400xf32, #tpu.memory_space<vmem>>)
      tpu.yield
    }) : () -> ()
    %scan3A_132 = arith.constant 0 : i32
    %scan3A_133 = arith.constant 0 : i32
    %scan3A_134 = arith.constant 400 : i32
    %scan3A_135 = arith.addi %scan3A_133, %scan3A_134 : i32
    %scan3A_136 = arith.constant 1 : i32
    %scan3A_137 = scf.for %scan3A_436 = %scan3A_133 to %scan3A_135 step %scan3A_136 iter_args(%scan3A_437 = %scan3A_132) -> (i32)  : i32 {
      %mul3A_438 = arith.constant 16 : i32
      %mul3A_439 = arith.muli %scan3A_436, %mul3A_438 : i32
      %get3A = arith.index_cast %mul3A_439 : i32 to index
      %get3A_440 = tpu.vector_load %arg10[%get3A] {strides = array<i32>} : memref<6400xf32, #tpu.memory_space<vmem>>, vector<16xf32>,
      %get3A_441 = vector.shape_cast %get3A_440 : vector<16xf32> to vector<16xf32>
      %mul3A_442 = arith.constant 16 : i32
      %mul3A_443 = arith.muli %scan3A_436, %mul3A_442 : i32
      %get3A_444 = arith.index_cast %mul3A_443 : i32 to index
      %get3A_445 = tpu.vector_load %arg11[%get3A_444] {strides = array<i32>} : memref<6400xf32, #tpu.memory_space<vmem>>, vector<16xf32>,
      %get3A_446 = vector.shape_cast %get3A_445 : vector<16xf32> to vector<16xf32>
      %add3A_447 = arith.addf %get3A_441, %get3A_446 : vector<16xf32>
      %mul3A_448 = arith.constant 16 : i32
      %mul3A_449 = arith.muli %scan3A_436, %mul3A_448 : i32
      %swap3A = arith.index_cast %mul3A_449 : i32 to index
      %swap3A_450 = tpu.vector_load %arg10[%swap3A] {strides = array<i32>} : memref<6400xf32, #tpu.memory_space<vmem>>, vector<16xf32>,
      %swap3A_451 = vector.shape_cast %swap3A_450 : vector<16xf32> to vector<16xf32>
      %swap3A_452 = vector.shape_cast %add3A_447 : vector<16xf32> to vector<16xf32>
      tpu.vector_store %arg10[%swap3A], %swap3A_452 {strides = array<i32>} : memref<6400xf32, #tpu.memory_space<vmem>>, vector<16xf32>,
      %scan3A_453 = arith.constant 0 : i32
      scf.yield %scan3A_453 : i32
    }
    %scan3A_138 = arith.constant 400 : i32
    "tpu.region"() ({
      %run_scoped3A = tpu.sem_alloc : memref<!tpu.dma_semaphore, #tpu.memory_space<semaphore_mem>>
      %dma_start3A = tpu.memref_slice %arg3[%add3A_131] : memref<8192000xf32, #tpu.memory_space<hbm>> -> memref<6400xf32, #tpu.memory_space<hbm>>
      %dma_start3A_436 = tpu.memref_slice %arg3[%add3A_131] : memref<8192000xf32, #tpu.memory_space<hbm>> -> memref<6400xf32, #tpu.memory_space<hbm>>
      tpu.enqueue_dma source(%arg10 : memref<6400xf32, #tpu.memory_space<vmem>>) target(%dma_start3A_436 : memref<6400xf32, #tpu.memory_space<hbm>>) target_semaphore(%run_scoped3A : memref<!tpu.dma_semaphore, #tpu.memory_space<semaphore_mem>>)
      %dma_wait3A = tpu.memref_slice %arg3[%add3A_131] : memref<8192000xf32, #tpu.memory_space<hbm>> -> memref<6400xf32, #tpu.memory_space<hbm>>
      %dma_wait3A_437 = tpu.memref_slice %arg3[%add3A_131] : memref<8192000xf32, #tpu.memory_space<hbm>> -> memref<6400xf32, #tpu.memory_space<hbm>>
      tpu.wait_dma2 semaphore(%run_scoped3A : memref<!tpu.dma_semaphore, #tpu.memory_space<semaphore_mem>>) src(%arg10 : memref<6400xf32, #tpu.memory_space<vmem>>) dst(%dma_wait3A_437 : memref<6400xf32, #tpu.memory_space<hbm>>)
      tpu.yield
    }) : () -> ()
    %mul3A_139 = arith.constant 4 : i32
    %mul3A_140 = arith.muli %arg0, %mul3A_139 : i32
    %add3A_141 = arith.constant 1 : i32
    %add3A_142 = arith.addi %mul3A_140, %add3A_141 : i32
    %mul3A_143 = arith.constant 204800 : i32
    %mul3A_144 = arith.muli %add3A_142, %mul3A_143 : i32
    %mul3A_145 = arith.constant 12800 : i32
    %mul3A_146 = arith.muli %arg1, %mul3A_145 : i32
    %add3A_147 = arith.addi %mul3A_144, %mul3A_146 : i32
    %add3A_148 = arith.constant 6400 : i32
    %add3A_149 = arith.addi %add3A_147, %add3A_148 : i32
    %mul3A_150 = arith.constant 4096000 : i32
    %mul3A_151 = arith.muli %arg0, %mul3A_150 : i32
    %add3A_152 = arith.constant 819200 : i32
    %add3A_153 = arith.addi %mul3A_151, %add3A_152 : i32
    %mul3A_154 = arith.constant 12800 : i32
    %mul3A_155 = arith.muli %arg1, %mul3A_154 : i32
    %add3A_156 = arith.addi %add3A_153, %mul3A_155 : i32
    %add3A_157 = arith.constant 6400 : i32
    %add3A_158 = arith.addi %add3A_156, %add3A_157 : i32
    "tpu.region"() ({
      %run_scoped3A = tpu.sem_alloc : memref<!tpu.dma_semaphore, #tpu.memory_space<semaphore_mem>>
      %dma_start3A = tpu.memref_slice %arg4[%add3A_149] : memref<1638400xf32, #tpu.memory_space<hbm>> -> memref<6400xf32, #tpu.memory_space<hbm>>
      %dma_start3A_436 = tpu.memref_slice %arg4[%add3A_149] : memref<1638400xf32, #tpu.memory_space<hbm>> -> memref<6400xf32, #tpu.memory_space<hbm>>
      tpu.enqueue_dma source(%dma_start3A_436 : memref<6400xf32, #tpu.memory_space<hbm>>) target(%arg11 : memref<6400xf32, #tpu.memory_space<vmem>>) target_semaphore(%run_scoped3A : memref<!tpu.dma_semaphore, #tpu.memory_space<semaphore_mem>>)
      %dma_wait3A = tpu.memref_slice %arg4[%add3A_149] : memref<1638400xf32, #tpu.memory_space<hbm>> -> memref<6400xf32, #tpu.memory_space<hbm>>
      %dma_wait3A_437 = tpu.memref_slice %arg4[%add3A_149] : memref<1638400xf32, #tpu.memory_space<hbm>> -> memref<6400xf32, #tpu.memory_space<hbm>>
      tpu.wait_dma2 semaphore(%run_scoped3A : memref<!tpu.dma_semaphore, #tpu.memory_space<semaphore_mem>>) src(%dma_wait3A_437 : memref<6400xf32, #tpu.memory_space<hbm>>) dst(%arg11 : memref<6400xf32, #tpu.memory_space<vmem>>)
      tpu.yield
    }) : () -> ()
    "tpu.region"() ({
      %run_scoped3A = tpu.sem_alloc : memref<!tpu.dma_semaphore, #tpu.memory_space<semaphore_mem>>
      %dma_start3A = tpu.memref_slice %arg3[%add3A_158] : memref<8192000xf32, #tpu.memory_space<hbm>> -> memref<6400xf32, #tpu.memory_space<hbm>>
      %dma_start3A_436 = tpu.memref_slice %arg3[%add3A_158] : memref<8192000xf32, #tpu.memory_space<hbm>> -> memref<6400xf32, #tpu.memory_space<hbm>>
      tpu.enqueue_dma source(%dma_start3A_436 : memref<6400xf32, #tpu.memory_space<hbm>>) target(%arg10 : memref<6400xf32, #tpu.memory_space<vmem>>) target_semaphore(%run_scoped3A : memref<!tpu.dma_semaphore, #tpu.memory_space<semaphore_mem>>)
      %dma_wait3A = tpu.memref_slice %arg3[%add3A_158] : memref<8192000xf32, #tpu.memory_space<hbm>> -> memref<6400xf32, #tpu.memory_space<hbm>>
      %dma_wait3A_437 = tpu.memref_slice %arg3[%add3A_158] : memref<8192000xf32, #tpu.memory_space<hbm>> -> memref<6400xf32, #tpu.memory_space<hbm>>
      tpu.wait_dma2 semaphore(%run_scoped3A : memref<!tpu.dma_semaphore, #tpu.memory_space<semaphore_mem>>) src(%dma_wait3A_437 : memref<6400xf32, #tpu.memory_space<hbm>>) dst(%arg10 : memref<6400xf32, #tpu.memory_space<vmem>>)
      tpu.yield
    }) : () -> ()
    %scan3A_159 = arith.constant 0 : i32
    %scan3A_160 = arith.constant 0 : i32
    %scan3A_161 = arith.constant 400 : i32
    %scan3A_162 = arith.addi %scan3A_160, %scan3A_161 : i32
    %scan3A_163 = arith.constant 1 : i32
    %scan3A_164 = scf.for %scan3A_436 = %scan3A_160 to %scan3A_162 step %scan3A_163 iter_args(%scan3A_437 = %scan3A_159) -> (i32)  : i32 {
      %mul3A_438 = arith.constant 16 : i32
      %mul3A_439 = arith.muli %scan3A_436, %mul3A_438 : i32
      %get3A = arith.index_cast %mul3A_439 : i32 to index
      %get3A_440 = tpu.vector_load %arg10[%get3A] {strides = array<i32>} : memref<6400xf32, #tpu.memory_space<vmem>>, vector<16xf32>,
      %get3A_441 = vector.shape_cast %get3A_440 : vector<16xf32> to vector<16xf32>
      %mul3A_442 = arith.constant 16 : i32
      %mul3A_443 = arith.muli %scan3A_436, %mul3A_442 : i32
      %get3A_444 = arith.index_cast %mul3A_443 : i32 to index
      %get3A_445 = tpu.vector_load %arg11[%get3A_444] {strides = array<i32>} : memref<6400xf32, #tpu.memory_space<vmem>>, vector<16xf32>,
      %get3A_446 = vector.shape_cast %get3A_445 : vector<16xf32> to vector<16xf32>
      %add3A_447 = arith.addf %get3A_441, %get3A_446 : vector<16xf32>
      %mul3A_448 = arith.constant 16 : i32
      %mul3A_449 = arith.muli %scan3A_436, %mul3A_448 : i32
      %swap3A = arith.index_cast %mul3A_449 : i32 to index
      %swap3A_450 = tpu.vector_load %arg10[%swap3A] {strides = array<i32>} : memref<6400xf32, #tpu.memory_space<vmem>>, vector<16xf32>,
      %swap3A_451 = vector.shape_cast %swap3A_450 : vector<16xf32> to vector<16xf32>
      %swap3A_452 = vector.shape_cast %add3A_447 : vector<16xf32> to vector<16xf32>
      tpu.vector_store %arg10[%swap3A], %swap3A_452 {strides = array<i32>} : memref<6400xf32, #tpu.memory_space<vmem>>, vector<16xf32>,
      %scan3A_453 = arith.constant 0 : i32
      scf.yield %scan3A_453 : i32
    }
    %scan3A_165 = arith.constant 400 : i32
    "tpu.region"() ({
      %run_scoped3A = tpu.sem_alloc : memref<!tpu.dma_semaphore, #tpu.memory_space<semaphore_mem>>
      %dma_start3A = tpu.memref_slice %arg3[%add3A_158] : memref<8192000xf32, #tpu.memory_space<hbm>> -> memref<6400xf32, #tpu.memory_space<hbm>>
      %dma_start3A_436 = tpu.memref_slice %arg3[%add3A_158] : memref<8192000xf32, #tpu.memory_space<hbm>> -> memref<6400xf32, #tpu.memory_space<hbm>>
      tpu.enqueue_dma source(%arg10 : memref<6400xf32, #tpu.memory_space<vmem>>) target(%dma_start3A_436 : memref<6400xf32, #tpu.memory_space<hbm>>) target_semaphore(%run_scoped3A : memref<!tpu.dma_semaphore, #tpu.memory_space<semaphore_mem>>)
      %dma_wait3A = tpu.memref_slice %arg3[%add3A_158] : memref<8192000xf32, #tpu.memory_space<hbm>> -> memref<6400xf32, #tpu.memory_space<hbm>>
      %dma_wait3A_437 = tpu.memref_slice %arg3[%add3A_158] : memref<8192000xf32, #tpu.memory_space<hbm>> -> memref<6400xf32, #tpu.memory_space<hbm>>
      tpu.wait_dma2 semaphore(%run_scoped3A : memref<!tpu.dma_semaphore, #tpu.memory_space<semaphore_mem>>) src(%arg10 : memref<6400xf32, #tpu.memory_space<vmem>>) dst(%dma_wait3A_437 : memref<6400xf32, #tpu.memory_space<hbm>>)
      tpu.yield
    }) : () -> ()
    %mul3A_166 = arith.constant 4 : i32
    %mul3A_167 = arith.muli %arg0, %mul3A_166 : i32
    %add3A_168 = arith.constant 1 : i32
    %add3A_169 = arith.addi %mul3A_167, %add3A_168 : i32
    %mul3A_170 = arith.constant 204800 : i32
    %mul3A_171 = arith.muli %add3A_169, %mul3A_170 : i32
    %mul3A_172 = arith.constant 12800 : i32
    %mul3A_173 = arith.muli %arg1, %mul3A_172 : i32
    %add3A_174 = arith.addi %mul3A_171, %mul3A_173 : i32
    %add3A_175 = arith.constant 0 : i32
    %add3A_176 = arith.addi %add3A_174, %add3A_175 : i32
    %mul3A_177 = arith.constant 4096000 : i32
    %mul3A_178 = arith.muli %arg0, %mul3A_177 : i32
    %add3A_179 = arith.constant 2048000 : i32
    %add3A_180 = arith.addi %mul3A_178, %add3A_179 : i32
    %mul3A_181 = arith.constant 12800 : i32
    %mul3A_182 = arith.muli %arg1, %mul3A_181 : i32
    %add3A_183 = arith.addi %add3A_180, %mul3A_182 : i32
    %add3A_184 = arith.constant 0 : i32
    %add3A_185 = arith.addi %add3A_183, %add3A_184 : i32
    "tpu.region"() ({
      %run_scoped3A = tpu.sem_alloc : memref<!tpu.dma_semaphore, #tpu.memory_space<semaphore_mem>>
      %dma_start3A = tpu.memref_slice %arg5[%add3A_176] : memref<1638400xf32, #tpu.memory_space<hbm>> -> memref<6400xf32, #tpu.memory_space<hbm>>
      %dma_start3A_436 = tpu.memref_slice %arg5[%add3A_176] : memref<1638400xf32, #tpu.memory_space<hbm>> -> memref<6400xf32, #tpu.memory_space<hbm>>
      tpu.enqueue_dma source(%dma_start3A_436 : memref<6400xf32, #tpu.memory_space<hbm>>) target(%arg11 : memref<6400xf32, #tpu.memory_space<vmem>>) target_semaphore(%run_scoped3A : memref<!tpu.dma_semaphore, #tpu.memory_space<semaphore_mem>>)
      %dma_wait3A = tpu.memref_slice %arg5[%add3A_176] : memref<1638400xf32, #tpu.memory_space<hbm>> -> memref<6400xf32, #tpu.memory_space<hbm>>
      %dma_wait3A_437 = tpu.memref_slice %arg5[%add3A_176] : memref<1638400xf32, #tpu.memory_space<hbm>> -> memref<6400xf32, #tpu.memory_space<hbm>>
      tpu.wait_dma2 semaphore(%run_scoped3A : memref<!tpu.dma_semaphore, #tpu.memory_space<semaphore_mem>>) src(%dma_wait3A_437 : memref<6400xf32, #tpu.memory_space<hbm>>) dst(%arg11 : memref<6400xf32, #tpu.memory_space<vmem>>)
      tpu.yield
    }) : () -> ()
    "tpu.region"() ({
      %run_scoped3A = tpu.sem_alloc : memref<!tpu.dma_semaphore, #tpu.memory_space<semaphore_mem>>
      %dma_start3A = tpu.memref_slice %arg3[%add3A_185] : memref<8192000xf32, #tpu.memory_space<hbm>> -> memref<6400xf32, #tpu.memory_space<hbm>>
      %dma_start3A_436 = tpu.memref_slice %arg3[%add3A_185] : memref<8192000xf32, #tpu.memory_space<hbm>> -> memref<6400xf32, #tpu.memory_space<hbm>>
      tpu.enqueue_dma source(%dma_start3A_436 : memref<6400xf32, #tpu.memory_space<hbm>>) target(%arg10 : memref<6400xf32, #tpu.memory_space<vmem>>) target_semaphore(%run_scoped3A : memref<!tpu.dma_semaphore, #tpu.memory_space<semaphore_mem>>)
      %dma_wait3A = tpu.memref_slice %arg3[%add3A_185] : memref<8192000xf32, #tpu.memory_space<hbm>> -> memref<6400xf32, #tpu.memory_space<hbm>>
      %dma_wait3A_437 = tpu.memref_slice %arg3[%add3A_185] : memref<8192000xf32, #tpu.memory_space<hbm>> -> memref<6400xf32, #tpu.memory_space<hbm>>
      tpu.wait_dma2 semaphore(%run_scoped3A : memref<!tpu.dma_semaphore, #tpu.memory_space<semaphore_mem>>) src(%dma_wait3A_437 : memref<6400xf32, #tpu.memory_space<hbm>>) dst(%arg10 : memref<6400xf32, #tpu.memory_space<vmem>>)
      tpu.yield
    }) : () -> ()
    %scan3A_186 = arith.constant 0 : i32
    %scan3A_187 = arith.constant 0 : i32
    %scan3A_188 = arith.constant 400 : i32
    %scan3A_189 = arith.addi %scan3A_187, %scan3A_188 : i32
    %scan3A_190 = arith.constant 1 : i32
    %scan3A_191 = scf.for %scan3A_436 = %scan3A_187 to %scan3A_189 step %scan3A_190 iter_args(%scan3A_437 = %scan3A_186) -> (i32)  : i32 {
      %mul3A_438 = arith.constant 16 : i32
      %mul3A_439 = arith.muli %scan3A_436, %mul3A_438 : i32
      %get3A = arith.index_cast %mul3A_439 : i32 to index
      %get3A_440 = tpu.vector_load %arg10[%get3A] {strides = array<i32>} : memref<6400xf32, #tpu.memory_space<vmem>>, vector<16xf32>,
      %get3A_441 = vector.shape_cast %get3A_440 : vector<16xf32> to vector<16xf32>
      %mul3A_442 = arith.constant 16 : i32
      %mul3A_443 = arith.muli %scan3A_436, %mul3A_442 : i32
      %get3A_444 = arith.index_cast %mul3A_443 : i32 to index
      %get3A_445 = tpu.vector_load %arg11[%get3A_444] {strides = array<i32>} : memref<6400xf32, #tpu.memory_space<vmem>>, vector<16xf32>,
      %get3A_446 = vector.shape_cast %get3A_445 : vector<16xf32> to vector<16xf32>
      %add3A_447 = arith.addf %get3A_441, %get3A_446 : vector<16xf32>
      %mul3A_448 = arith.constant 16 : i32
      %mul3A_449 = arith.muli %scan3A_436, %mul3A_448 : i32
      %swap3A = arith.index_cast %mul3A_449 : i32 to index
      %swap3A_450 = tpu.vector_load %arg10[%swap3A] {strides = array<i32>} : memref<6400xf32, #tpu.memory_space<vmem>>, vector<16xf32>,
      %swap3A_451 = vector.shape_cast %swap3A_450 : vector<16xf32> to vector<16xf32>
      %swap3A_452 = vector.shape_cast %add3A_447 : vector<16xf32> to vector<16xf32>
      tpu.vector_store %arg10[%swap3A], %swap3A_452 {strides = array<i32>} : memref<6400xf32, #tpu.memory_space<vmem>>, vector<16xf32>,
      %scan3A_453 = arith.constant 0 : i32
      scf.yield %scan3A_453 : i32
    }
    %scan3A_192 = arith.constant 400 : i32
    "tpu.region"() ({
      %run_scoped3A = tpu.sem_alloc : memref<!tpu.dma_semaphore, #tpu.memory_space<semaphore_mem>>
      %dma_start3A = tpu.memref_slice %arg3[%add3A_185] : memref<8192000xf32, #tpu.memory_space<hbm>> -> memref<6400xf32, #tpu.memory_space<hbm>>
      %dma_start3A_436 = tpu.memref_slice %arg3[%add3A_185] : memref<8192000xf32, #tpu.memory_space<hbm>> -> memref<6400xf32, #tpu.memory_space<hbm>>
      tpu.enqueue_dma source(%arg10 : memref<6400xf32, #tpu.memory_space<vmem>>) target(%dma_start3A_436 : memref<6400xf32, #tpu.memory_space<hbm>>) target_semaphore(%run_scoped3A : memref<!tpu.dma_semaphore, #tpu.memory_space<semaphore_mem>>)
      %dma_wait3A = tpu.memref_slice %arg3[%add3A_185] : memref<8192000xf32, #tpu.memory_space<hbm>> -> memref<6400xf32, #tpu.memory_space<hbm>>
      %dma_wait3A_437 = tpu.memref_slice %arg3[%add3A_185] : memref<8192000xf32, #tpu.memory_space<hbm>> -> memref<6400xf32, #tpu.memory_space<hbm>>
      tpu.wait_dma2 semaphore(%run_scoped3A : memref<!tpu.dma_semaphore, #tpu.memory_space<semaphore_mem>>) src(%arg10 : memref<6400xf32, #tpu.memory_space<vmem>>) dst(%dma_wait3A_437 : memref<6400xf32, #tpu.memory_space<hbm>>)
      tpu.yield
    }) : () -> ()
    %mul3A_193 = arith.constant 4 : i32
    %mul3A_194 = arith.muli %arg0, %mul3A_193 : i32
    %add3A_195 = arith.constant 1 : i32
    %add3A_196 = arith.addi %mul3A_194, %add3A_195 : i32
    %mul3A_197 = arith.constant 204800 : i32
    %mul3A_198 = arith.muli %add3A_196, %mul3A_197 : i32
    %mul3A_199 = arith.constant 12800 : i32
    %mul3A_200 = arith.muli %arg1, %mul3A_199 : i32
    %add3A_201 = arith.addi %mul3A_198, %mul3A_200 : i32
    %add3A_202 = arith.constant 6400 : i32
    %add3A_203 = arith.addi %add3A_201, %add3A_202 : i32
    %mul3A_204 = arith.constant 4096000 : i32
    %mul3A_205 = arith.muli %arg0, %mul3A_204 : i32
    %add3A_206 = arith.constant 2048000 : i32
    %add3A_207 = arith.addi %mul3A_205, %add3A_206 : i32
    %mul3A_208 = arith.constant 12800 : i32
    %mul3A_209 = arith.muli %arg1, %mul3A_208 : i32
    %add3A_210 = arith.addi %add3A_207, %mul3A_209 : i32
    %add3A_211 = arith.constant 6400 : i32
    %add3A_212 = arith.addi %add3A_210, %add3A_211 : i32
    "tpu.region"() ({
      %run_scoped3A = tpu.sem_alloc : memref<!tpu.dma_semaphore, #tpu.memory_space<semaphore_mem>>
      %dma_start3A = tpu.memref_slice %arg5[%add3A_203] : memref<1638400xf32, #tpu.memory_space<hbm>> -> memref<6400xf32, #tpu.memory_space<hbm>>
      %dma_start3A_436 = tpu.memref_slice %arg5[%add3A_203] : memref<1638400xf32, #tpu.memory_space<hbm>> -> memref<6400xf32, #tpu.memory_space<hbm>>
      tpu.enqueue_dma source(%dma_start3A_436 : memref<6400xf32, #tpu.memory_space<hbm>>) target(%arg11 : memref<6400xf32, #tpu.memory_space<vmem>>) target_semaphore(%run_scoped3A : memref<!tpu.dma_semaphore, #tpu.memory_space<semaphore_mem>>)
      %dma_wait3A = tpu.memref_slice %arg5[%add3A_203] : memref<1638400xf32, #tpu.memory_space<hbm>> -> memref<6400xf32, #tpu.memory_space<hbm>>
      %dma_wait3A_437 = tpu.memref_slice %arg5[%add3A_203] : memref<1638400xf32, #tpu.memory_space<hbm>> -> memref<6400xf32, #tpu.memory_space<hbm>>
      tpu.wait_dma2 semaphore(%run_scoped3A : memref<!tpu.dma_semaphore, #tpu.memory_space<semaphore_mem>>) src(%dma_wait3A_437 : memref<6400xf32, #tpu.memory_space<hbm>>) dst(%arg11 : memref<6400xf32, #tpu.memory_space<vmem>>)
      tpu.yield
    }) : () -> ()
    "tpu.region"() ({
      %run_scoped3A = tpu.sem_alloc : memref<!tpu.dma_semaphore, #tpu.memory_space<semaphore_mem>>
      %dma_start3A = tpu.memref_slice %arg3[%add3A_212] : memref<8192000xf32, #tpu.memory_space<hbm>> -> memref<6400xf32, #tpu.memory_space<hbm>>
      %dma_start3A_436 = tpu.memref_slice %arg3[%add3A_212] : memref<8192000xf32, #tpu.memory_space<hbm>> -> memref<6400xf32, #tpu.memory_space<hbm>>
      tpu.enqueue_dma source(%dma_start3A_436 : memref<6400xf32, #tpu.memory_space<hbm>>) target(%arg10 : memref<6400xf32, #tpu.memory_space<vmem>>) target_semaphore(%run_scoped3A : memref<!tpu.dma_semaphore, #tpu.memory_space<semaphore_mem>>)
      %dma_wait3A = tpu.memref_slice %arg3[%add3A_212] : memref<8192000xf32, #tpu.memory_space<hbm>> -> memref<6400xf32, #tpu.memory_space<hbm>>
      %dma_wait3A_437 = tpu.memref_slice %arg3[%add3A_212] : memref<8192000xf32, #tpu.memory_space<hbm>> -> memref<6400xf32, #tpu.memory_space<hbm>>
      tpu.wait_dma2 semaphore(%run_scoped3A : memref<!tpu.dma_semaphore, #tpu.memory_space<semaphore_mem>>) src(%dma_wait3A_437 : memref<6400xf32, #tpu.memory_space<hbm>>) dst(%arg10 : memref<6400xf32, #tpu.memory_space<vmem>>)
      tpu.yield
    }) : () -> ()
    %scan3A_213 = arith.constant 0 : i32
    %scan3A_214 = arith.constant 0 : i32
    %scan3A_215 = arith.constant 400 : i32
    %scan3A_216 = arith.addi %scan3A_214, %scan3A_215 : i32
    %scan3A_217 = arith.constant 1 : i32
    %scan3A_218 = scf.for %scan3A_436 = %scan3A_214 to %scan3A_216 step %scan3A_217 iter_args(%scan3A_437 = %scan3A_213) -> (i32)  : i32 {
      %mul3A_438 = arith.constant 16 : i32
      %mul3A_439 = arith.muli %scan3A_436, %mul3A_438 : i32
      %get3A = arith.index_cast %mul3A_439 : i32 to index
      %get3A_440 = tpu.vector_load %arg10[%get3A] {strides = array<i32>} : memref<6400xf32, #tpu.memory_space<vmem>>, vector<16xf32>,
      %get3A_441 = vector.shape_cast %get3A_440 : vector<16xf32> to vector<16xf32>
      %mul3A_442 = arith.constant 16 : i32
      %mul3A_443 = arith.muli %scan3A_436, %mul3A_442 : i32
      %get3A_444 = arith.index_cast %mul3A_443 : i32 to index
      %get3A_445 = tpu.vector_load %arg11[%get3A_444] {strides = array<i32>} : memref<6400xf32, #tpu.memory_space<vmem>>, vector<16xf32>,
      %get3A_446 = vector.shape_cast %get3A_445 : vector<16xf32> to vector<16xf32>
      %add3A_447 = arith.addf %get3A_441, %get3A_446 : vector<16xf32>
      %mul3A_448 = arith.constant 16 : i32
      %mul3A_449 = arith.muli %scan3A_436, %mul3A_448 : i32
      %swap3A = arith.index_cast %mul3A_449 : i32 to index
      %swap3A_450 = tpu.vector_load %arg10[%swap3A] {strides = array<i32>} : memref<6400xf32, #tpu.memory_space<vmem>>, vector<16xf32>,
      %swap3A_451 = vector.shape_cast %swap3A_450 : vector<16xf32> to vector<16xf32>
      %swap3A_452 = vector.shape_cast %add3A_447 : vector<16xf32> to vector<16xf32>
      tpu.vector_store %arg10[%swap3A], %swap3A_452 {strides = array<i32>} : memref<6400xf32, #tpu.memory_space<vmem>>, vector<16xf32>,
      %scan3A_453 = arith.constant 0 : i32
      scf.yield %scan3A_453 : i32
    }
    %scan3A_219 = arith.constant 400 : i32
    "tpu.region"() ({
      %run_scoped3A = tpu.sem_alloc : memref<!tpu.dma_semaphore, #tpu.memory_space<semaphore_mem>>
      %dma_start3A = tpu.memref_slice %arg3[%add3A_212] : memref<8192000xf32, #tpu.memory_space<hbm>> -> memref<6400xf32, #tpu.memory_space<hbm>>
      %dma_start3A_436 = tpu.memref_slice %arg3[%add3A_212] : memref<8192000xf32, #tpu.memory_space<hbm>> -> memref<6400xf32, #tpu.memory_space<hbm>>
      tpu.enqueue_dma source(%arg10 : memref<6400xf32, #tpu.memory_space<vmem>>) target(%dma_start3A_436 : memref<6400xf32, #tpu.memory_space<hbm>>) target_semaphore(%run_scoped3A : memref<!tpu.dma_semaphore, #tpu.memory_space<semaphore_mem>>)
      %dma_wait3A = tpu.memref_slice %arg3[%add3A_212] : memref<8192000xf32, #tpu.memory_space<hbm>> -> memref<6400xf32, #tpu.memory_space<hbm>>
      %dma_wait3A_437 = tpu.memref_slice %arg3[%add3A_212] : memref<8192000xf32, #tpu.memory_space<hbm>> -> memref<6400xf32, #tpu.memory_space<hbm>>
      tpu.wait_dma2 semaphore(%run_scoped3A : memref<!tpu.dma_semaphore, #tpu.memory_space<semaphore_mem>>) src(%arg10 : memref<6400xf32, #tpu.memory_space<vmem>>) dst(%dma_wait3A_437 : memref<6400xf32, #tpu.memory_space<hbm>>)
      tpu.yield
    }) : () -> ()
    %mul3A_220 = arith.constant 4 : i32
    %mul3A_221 = arith.muli %arg0, %mul3A_220 : i32
    %add3A_222 = arith.constant 2 : i32
    %add3A_223 = arith.addi %mul3A_221, %add3A_222 : i32
    %mul3A_224 = arith.constant 204800 : i32
    %mul3A_225 = arith.muli %add3A_223, %mul3A_224 : i32
    %mul3A_226 = arith.constant 12800 : i32
    %mul3A_227 = arith.muli %arg1, %mul3A_226 : i32
    %add3A_228 = arith.addi %mul3A_225, %mul3A_227 : i32
    %add3A_229 = arith.constant 0 : i32
    %add3A_230 = arith.addi %add3A_228, %add3A_229 : i32
    %mul3A_231 = arith.constant 4096000 : i32
    %mul3A_232 = arith.muli %arg0, %mul3A_231 : i32
    %add3A_233 = arith.constant 1843200 : i32
    %add3A_234 = arith.addi %mul3A_232, %add3A_233 : i32
    %mul3A_235 = arith.constant 12800 : i32
    %mul3A_236 = arith.muli %arg1, %mul3A_235 : i32
    %add3A_237 = arith.addi %add3A_234, %mul3A_236 : i32
    %add3A_238 = arith.constant 0 : i32
    %add3A_239 = arith.addi %add3A_237, %add3A_238 : i32
    "tpu.region"() ({
      %run_scoped3A = tpu.sem_alloc : memref<!tpu.dma_semaphore, #tpu.memory_space<semaphore_mem>>
      %dma_start3A = tpu.memref_slice %arg4[%add3A_230] : memref<1638400xf32, #tpu.memory_space<hbm>> -> memref<6400xf32, #tpu.memory_space<hbm>>
      %dma_start3A_436 = tpu.memref_slice %arg4[%add3A_230] : memref<1638400xf32, #tpu.memory_space<hbm>> -> memref<6400xf32, #tpu.memory_space<hbm>>
      tpu.enqueue_dma source(%dma_start3A_436 : memref<6400xf32, #tpu.memory_space<hbm>>) target(%arg11 : memref<6400xf32, #tpu.memory_space<vmem>>) target_semaphore(%run_scoped3A : memref<!tpu.dma_semaphore, #tpu.memory_space<semaphore_mem>>)
      %dma_wait3A = tpu.memref_slice %arg4[%add3A_230] : memref<1638400xf32, #tpu.memory_space<hbm>> -> memref<6400xf32, #tpu.memory_space<hbm>>
      %dma_wait3A_437 = tpu.memref_slice %arg4[%add3A_230] : memref<1638400xf32, #tpu.memory_space<hbm>> -> memref<6400xf32, #tpu.memory_space<hbm>>
      tpu.wait_dma2 semaphore(%run_scoped3A : memref<!tpu.dma_semaphore, #tpu.memory_space<semaphore_mem>>) src(%dma_wait3A_437 : memref<6400xf32, #tpu.memory_space<hbm>>) dst(%arg11 : memref<6400xf32, #tpu.memory_space<vmem>>)
      tpu.yield
    }) : () -> ()
    "tpu.region"() ({
      %run_scoped3A = tpu.sem_alloc : memref<!tpu.dma_semaphore, #tpu.memory_space<semaphore_mem>>
      %dma_start3A = tpu.memref_slice %arg3[%add3A_239] : memref<8192000xf32, #tpu.memory_space<hbm>> -> memref<6400xf32, #tpu.memory_space<hbm>>
      %dma_start3A_436 = tpu.memref_slice %arg3[%add3A_239] : memref<8192000xf32, #tpu.memory_space<hbm>> -> memref<6400xf32, #tpu.memory_space<hbm>>
      tpu.enqueue_dma source(%dma_start3A_436 : memref<6400xf32, #tpu.memory_space<hbm>>) target(%arg10 : memref<6400xf32, #tpu.memory_space<vmem>>) target_semaphore(%run_scoped3A : memref<!tpu.dma_semaphore, #tpu.memory_space<semaphore_mem>>)
      %dma_wait3A = tpu.memref_slice %arg3[%add3A_239] : memref<8192000xf32, #tpu.memory_space<hbm>> -> memref<6400xf32, #tpu.memory_space<hbm>>
      %dma_wait3A_437 = tpu.memref_slice %arg3[%add3A_239] : memref<8192000xf32, #tpu.memory_space<hbm>> -> memref<6400xf32, #tpu.memory_space<hbm>>
      tpu.wait_dma2 semaphore(%run_scoped3A : memref<!tpu.dma_semaphore, #tpu.memory_space<semaphore_mem>>) src(%dma_wait3A_437 : memref<6400xf32, #tpu.memory_space<hbm>>) dst(%arg10 : memref<6400xf32, #tpu.memory_space<vmem>>)
      tpu.yield
    }) : () -> ()
    %scan3A_240 = arith.constant 0 : i32
    %scan3A_241 = arith.constant 0 : i32
    %scan3A_242 = arith.constant 400 : i32
    %scan3A_243 = arith.addi %scan3A_241, %scan3A_242 : i32
    %scan3A_244 = arith.constant 1 : i32
    %scan3A_245 = scf.for %scan3A_436 = %scan3A_241 to %scan3A_243 step %scan3A_244 iter_args(%scan3A_437 = %scan3A_240) -> (i32)  : i32 {
      %mul3A_438 = arith.constant 16 : i32
      %mul3A_439 = arith.muli %scan3A_436, %mul3A_438 : i32
      %get3A = arith.index_cast %mul3A_439 : i32 to index
      %get3A_440 = tpu.vector_load %arg10[%get3A] {strides = array<i32>} : memref<6400xf32, #tpu.memory_space<vmem>>, vector<16xf32>,
      %get3A_441 = vector.shape_cast %get3A_440 : vector<16xf32> to vector<16xf32>
      %mul3A_442 = arith.constant 16 : i32
      %mul3A_443 = arith.muli %scan3A_436, %mul3A_442 : i32
      %get3A_444 = arith.index_cast %mul3A_443 : i32 to index
      %get3A_445 = tpu.vector_load %arg11[%get3A_444] {strides = array<i32>} : memref<6400xf32, #tpu.memory_space<vmem>>, vector<16xf32>,
      %get3A_446 = vector.shape_cast %get3A_445 : vector<16xf32> to vector<16xf32>
      %add3A_447 = arith.addf %get3A_441, %get3A_446 : vector<16xf32>
      %mul3A_448 = arith.constant 16 : i32
      %mul3A_449 = arith.muli %scan3A_436, %mul3A_448 : i32
      %swap3A = arith.index_cast %mul3A_449 : i32 to index
      %swap3A_450 = tpu.vector_load %arg10[%swap3A] {strides = array<i32>} : memref<6400xf32, #tpu.memory_space<vmem>>, vector<16xf32>,
      %swap3A_451 = vector.shape_cast %swap3A_450 : vector<16xf32> to vector<16xf32>
      %swap3A_452 = vector.shape_cast %add3A_447 : vector<16xf32> to vector<16xf32>
      tpu.vector_store %arg10[%swap3A], %swap3A_452 {strides = array<i32>} : memref<6400xf32, #tpu.memory_space<vmem>>, vector<16xf32>,
      %scan3A_453 = arith.constant 0 : i32
      scf.yield %scan3A_453 : i32
    }
    %scan3A_246 = arith.constant 400 : i32
    "tpu.region"() ({
      %run_scoped3A = tpu.sem_alloc : memref<!tpu.dma_semaphore, #tpu.memory_space<semaphore_mem>>
      %dma_start3A = tpu.memref_slice %arg3[%add3A_239] : memref<8192000xf32, #tpu.memory_space<hbm>> -> memref<6400xf32, #tpu.memory_space<hbm>>
      %dma_start3A_436 = tpu.memref_slice %arg3[%add3A_239] : memref<8192000xf32, #tpu.memory_space<hbm>> -> memref<6400xf32, #tpu.memory_space<hbm>>
      tpu.enqueue_dma source(%arg10 : memref<6400xf32, #tpu.memory_space<vmem>>) target(%dma_start3A_436 : memref<6400xf32, #tpu.memory_space<hbm>>) target_semaphore(%run_scoped3A : memref<!tpu.dma_semaphore, #tpu.memory_space<semaphore_mem>>)
      %dma_wait3A = tpu.memref_slice %arg3[%add3A_239] : memref<8192000xf32, #tpu.memory_space<hbm>> -> memref<6400xf32, #tpu.memory_space<hbm>>
      %dma_wait3A_437 = tpu.memref_slice %arg3[%add3A_239] : memref<8192000xf32, #tpu.memory_space<hbm>> -> memref<6400xf32, #tpu.memory_space<hbm>>
      tpu.wait_dma2 semaphore(%run_scoped3A : memref<!tpu.dma_semaphore, #tpu.memory_space<semaphore_mem>>) src(%arg10 : memref<6400xf32, #tpu.memory_space<vmem>>) dst(%dma_wait3A_437 : memref<6400xf32, #tpu.memory_space<hbm>>)
      tpu.yield
    }) : () -> ()
    %mul3A_247 = arith.constant 4 : i32
    %mul3A_248 = arith.muli %arg0, %mul3A_247 : i32
    %add3A_249 = arith.constant 2 : i32
    %add3A_250 = arith.addi %mul3A_248, %add3A_249 : i32
    %mul3A_251 = arith.constant 204800 : i32
    %mul3A_252 = arith.muli %add3A_250, %mul3A_251 : i32
    %mul3A_253 = arith.constant 12800 : i32
    %mul3A_254 = arith.muli %arg1, %mul3A_253 : i32
    %add3A_255 = arith.addi %mul3A_252, %mul3A_254 : i32
    %add3A_256 = arith.constant 6400 : i32
    %add3A_257 = arith.addi %add3A_255, %add3A_256 : i32
    %mul3A_258 = arith.constant 4096000 : i32
    %mul3A_259 = arith.muli %arg0, %mul3A_258 : i32
    %add3A_260 = arith.constant 1843200 : i32
    %add3A_261 = arith.addi %mul3A_259, %add3A_260 : i32
    %mul3A_262 = arith.constant 12800 : i32
    %mul3A_263 = arith.muli %arg1, %mul3A_262 : i32
    %add3A_264 = arith.addi %add3A_261, %mul3A_263 : i32
    %add3A_265 = arith.constant 6400 : i32
    %add3A_266 = arith.addi %add3A_264, %add3A_265 : i32
    "tpu.region"() ({
      %run_scoped3A = tpu.sem_alloc : memref<!tpu.dma_semaphore, #tpu.memory_space<semaphore_mem>>
      %dma_start3A = tpu.memref_slice %arg4[%add3A_257] : memref<1638400xf32, #tpu.memory_space<hbm>> -> memref<6400xf32, #tpu.memory_space<hbm>>
      %dma_start3A_436 = tpu.memref_slice %arg4[%add3A_257] : memref<1638400xf32, #tpu.memory_space<hbm>> -> memref<6400xf32, #tpu.memory_space<hbm>>
      tpu.enqueue_dma source(%dma_start3A_436 : memref<6400xf32, #tpu.memory_space<hbm>>) target(%arg11 : memref<6400xf32, #tpu.memory_space<vmem>>) target_semaphore(%run_scoped3A : memref<!tpu.dma_semaphore, #tpu.memory_space<semaphore_mem>>)
      %dma_wait3A = tpu.memref_slice %arg4[%add3A_257] : memref<1638400xf32, #tpu.memory_space<hbm>> -> memref<6400xf32, #tpu.memory_space<hbm>>
      %dma_wait3A_437 = tpu.memref_slice %arg4[%add3A_257] : memref<1638400xf32, #tpu.memory_space<hbm>> -> memref<6400xf32, #tpu.memory_space<hbm>>
      tpu.wait_dma2 semaphore(%run_scoped3A : memref<!tpu.dma_semaphore, #tpu.memory_space<semaphore_mem>>) src(%dma_wait3A_437 : memref<6400xf32, #tpu.memory_space<hbm>>) dst(%arg11 : memref<6400xf32, #tpu.memory_space<vmem>>)
      tpu.yield
    }) : () -> ()
    "tpu.region"() ({
      %run_scoped3A = tpu.sem_alloc : memref<!tpu.dma_semaphore, #tpu.memory_space<semaphore_mem>>
      %dma_start3A = tpu.memref_slice %arg3[%add3A_266] : memref<8192000xf32, #tpu.memory_space<hbm>> -> memref<6400xf32, #tpu.memory_space<hbm>>
      %dma_start3A_436 = tpu.memref_slice %arg3[%add3A_266] : memref<8192000xf32, #tpu.memory_space<hbm>> -> memref<6400xf32, #tpu.memory_space<hbm>>
      tpu.enqueue_dma source(%dma_start3A_436 : memref<6400xf32, #tpu.memory_space<hbm>>) target(%arg10 : memref<6400xf32, #tpu.memory_space<vmem>>) target_semaphore(%run_scoped3A : memref<!tpu.dma_semaphore, #tpu.memory_space<semaphore_mem>>)
      %dma_wait3A = tpu.memref_slice %arg3[%add3A_266] : memref<8192000xf32, #tpu.memory_space<hbm>> -> memref<6400xf32, #tpu.memory_space<hbm>>
      %dma_wait3A_437 = tpu.memref_slice %arg3[%add3A_266] : memref<8192000xf32, #tpu.memory_space<hbm>> -> memref<6400xf32, #tpu.memory_space<hbm>>
      tpu.wait_dma2 semaphore(%run_scoped3A : memref<!tpu.dma_semaphore, #tpu.memory_space<semaphore_mem>>) src(%dma_wait3A_437 : memref<6400xf32, #tpu.memory_space<hbm>>) dst(%arg10 : memref<6400xf32, #tpu.memory_space<vmem>>)
      tpu.yield
    }) : () -> ()
    %scan3A_267 = arith.constant 0 : i32
    %scan3A_268 = arith.constant 0 : i32
    %scan3A_269 = arith.constant 400 : i32
    %scan3A_270 = arith.addi %scan3A_268, %scan3A_269 : i32
    %scan3A_271 = arith.constant 1 : i32
    %scan3A_272 = scf.for %scan3A_436 = %scan3A_268 to %scan3A_270 step %scan3A_271 iter_args(%scan3A_437 = %scan3A_267) -> (i32)  : i32 {
      %mul3A_438 = arith.constant 16 : i32
      %mul3A_439 = arith.muli %scan3A_436, %mul3A_438 : i32
      %get3A = arith.index_cast %mul3A_439 : i32 to index
      %get3A_440 = tpu.vector_load %arg10[%get3A] {strides = array<i32>} : memref<6400xf32, #tpu.memory_space<vmem>>, vector<16xf32>,
      %get3A_441 = vector.shape_cast %get3A_440 : vector<16xf32> to vector<16xf32>
      %mul3A_442 = arith.constant 16 : i32
      %mul3A_443 = arith.muli %scan3A_436, %mul3A_442 : i32
      %get3A_444 = arith.index_cast %mul3A_443 : i32 to index
      %get3A_445 = tpu.vector_load %arg11[%get3A_444] {strides = array<i32>} : memref<6400xf32, #tpu.memory_space<vmem>>, vector<16xf32>,
      %get3A_446 = vector.shape_cast %get3A_445 : vector<16xf32> to vector<16xf32>
      %add3A_447 = arith.addf %get3A_441, %get3A_446 : vector<16xf32>
      %mul3A_448 = arith.constant 16 : i32
      %mul3A_449 = arith.muli %scan3A_436, %mul3A_448 : i32
      %swap3A = arith.index_cast %mul3A_449 : i32 to index
      %swap3A_450 = tpu.vector_load %arg10[%swap3A] {strides = array<i32>} : memref<6400xf32, #tpu.memory_space<vmem>>, vector<16xf32>,
      %swap3A_451 = vector.shape_cast %swap3A_450 : vector<16xf32> to vector<16xf32>
      %swap3A_452 = vector.shape_cast %add3A_447 : vector<16xf32> to vector<16xf32>
      tpu.vector_store %arg10[%swap3A], %swap3A_452 {strides = array<i32>} : memref<6400xf32, #tpu.memory_space<vmem>>, vector<16xf32>,
      %scan3A_453 = arith.constant 0 : i32
      scf.yield %scan3A_453 : i32
    }
    %scan3A_273 = arith.constant 400 : i32
    "tpu.region"() ({
      %run_scoped3A = tpu.sem_alloc : memref<!tpu.dma_semaphore, #tpu.memory_space<semaphore_mem>>
      %dma_start3A = tpu.memref_slice %arg3[%add3A_266] : memref<8192000xf32, #tpu.memory_space<hbm>> -> memref<6400xf32, #tpu.memory_space<hbm>>
      %dma_start3A_436 = tpu.memref_slice %arg3[%add3A_266] : memref<8192000xf32, #tpu.memory_space<hbm>> -> memref<6400xf32, #tpu.memory_space<hbm>>
      tpu.enqueue_dma source(%arg10 : memref<6400xf32, #tpu.memory_space<vmem>>) target(%dma_start3A_436 : memref<6400xf32, #tpu.memory_space<hbm>>) target_semaphore(%run_scoped3A : memref<!tpu.dma_semaphore, #tpu.memory_space<semaphore_mem>>)
      %dma_wait3A = tpu.memref_slice %arg3[%add3A_266] : memref<8192000xf32, #tpu.memory_space<hbm>> -> memref<6400xf32, #tpu.memory_space<hbm>>
      %dma_wait3A_437 = tpu.memref_slice %arg3[%add3A_266] : memref<8192000xf32, #tpu.memory_space<hbm>> -> memref<6400xf32, #tpu.memory_space<hbm>>
      tpu.wait_dma2 semaphore(%run_scoped3A : memref<!tpu.dma_semaphore, #tpu.memory_space<semaphore_mem>>) src(%arg10 : memref<6400xf32, #tpu.memory_space<vmem>>) dst(%dma_wait3A_437 : memref<6400xf32, #tpu.memory_space<hbm>>)
      tpu.yield
    }) : () -> ()
    %mul3A_274 = arith.constant 4 : i32
    %mul3A_275 = arith.muli %arg0, %mul3A_274 : i32
    %add3A_276 = arith.constant 2 : i32
    %add3A_277 = arith.addi %mul3A_275, %add3A_276 : i32
    %mul3A_278 = arith.constant 204800 : i32
    %mul3A_279 = arith.muli %add3A_277, %mul3A_278 : i32
    %mul3A_280 = arith.constant 12800 : i32
    %mul3A_281 = arith.muli %arg1, %mul3A_280 : i32
    %add3A_282 = arith.addi %mul3A_279, %mul3A_281 : i32
    %add3A_283 = arith.constant 0 : i32
    %add3A_284 = arith.addi %add3A_282, %add3A_283 : i32
    %mul3A_285 = arith.constant 4096000 : i32
    %mul3A_286 = arith.muli %arg0, %mul3A_285 : i32
    %add3A_287 = arith.constant 3072000 : i32
    %add3A_288 = arith.addi %mul3A_286, %add3A_287 : i32
    %mul3A_289 = arith.constant 12800 : i32
    %mul3A_290 = arith.muli %arg1, %mul3A_289 : i32
    %add3A_291 = arith.addi %add3A_288, %mul3A_290 : i32
    %add3A_292 = arith.constant 0 : i32
    %add3A_293 = arith.addi %add3A_291, %add3A_292 : i32
    "tpu.region"() ({
      %run_scoped3A = tpu.sem_alloc : memref<!tpu.dma_semaphore, #tpu.memory_space<semaphore_mem>>
      %dma_start3A = tpu.memref_slice %arg5[%add3A_284] : memref<1638400xf32, #tpu.memory_space<hbm>> -> memref<6400xf32, #tpu.memory_space<hbm>>
      %dma_start3A_436 = tpu.memref_slice %arg5[%add3A_284] : memref<1638400xf32, #tpu.memory_space<hbm>> -> memref<6400xf32, #tpu.memory_space<hbm>>
      tpu.enqueue_dma source(%dma_start3A_436 : memref<6400xf32, #tpu.memory_space<hbm>>) target(%arg11 : memref<6400xf32, #tpu.memory_space<vmem>>) target_semaphore(%run_scoped3A : memref<!tpu.dma_semaphore, #tpu.memory_space<semaphore_mem>>)
      %dma_wait3A = tpu.memref_slice %arg5[%add3A_284] : memref<1638400xf32, #tpu.memory_space<hbm>> -> memref<6400xf32, #tpu.memory_space<hbm>>
      %dma_wait3A_437 = tpu.memref_slice %arg5[%add3A_284] : memref<1638400xf32, #tpu.memory_space<hbm>> -> memref<6400xf32, #tpu.memory_space<hbm>>
      tpu.wait_dma2 semaphore(%run_scoped3A : memref<!tpu.dma_semaphore, #tpu.memory_space<semaphore_mem>>) src(%dma_wait3A_437 : memref<6400xf32, #tpu.memory_space<hbm>>) dst(%arg11 : memref<6400xf32, #tpu.memory_space<vmem>>)
      tpu.yield
    }) : () -> ()
    "tpu.region"() ({
      %run_scoped3A = tpu.sem_alloc : memref<!tpu.dma_semaphore, #tpu.memory_space<semaphore_mem>>
      %dma_start3A = tpu.memref_slice %arg3[%add3A_293] : memref<8192000xf32, #tpu.memory_space<hbm>> -> memref<6400xf32, #tpu.memory_space<hbm>>
      %dma_start3A_436 = tpu.memref_slice %arg3[%add3A_293] : memref<8192000xf32, #tpu.memory_space<hbm>> -> memref<6400xf32, #tpu.memory_space<hbm>>
      tpu.enqueue_dma source(%dma_start3A_436 : memref<6400xf32, #tpu.memory_space<hbm>>) target(%arg10 : memref<6400xf32, #tpu.memory_space<vmem>>) target_semaphore(%run_scoped3A : memref<!tpu.dma_semaphore, #tpu.memory_space<semaphore_mem>>)
      %dma_wait3A = tpu.memref_slice %arg3[%add3A_293] : memref<8192000xf32, #tpu.memory_space<hbm>> -> memref<6400xf32, #tpu.memory_space<hbm>>
      %dma_wait3A_437 = tpu.memref_slice %arg3[%add3A_293] : memref<8192000xf32, #tpu.memory_space<hbm>> -> memref<6400xf32, #tpu.memory_space<hbm>>
      tpu.wait_dma2 semaphore(%run_scoped3A : memref<!tpu.dma_semaphore, #tpu.memory_space<semaphore_mem>>) src(%dma_wait3A_437 : memref<6400xf32, #tpu.memory_space<hbm>>) dst(%arg10 : memref<6400xf32, #tpu.memory_space<vmem>>)
      tpu.yield
    }) : () -> ()
    %scan3A_294 = arith.constant 0 : i32
    %scan3A_295 = arith.constant 0 : i32
    %scan3A_296 = arith.constant 400 : i32
    %scan3A_297 = arith.addi %scan3A_295, %scan3A_296 : i32
    %scan3A_298 = arith.constant 1 : i32
    %scan3A_299 = scf.for %scan3A_436 = %scan3A_295 to %scan3A_297 step %scan3A_298 iter_args(%scan3A_437 = %scan3A_294) -> (i32)  : i32 {
      %mul3A_438 = arith.constant 16 : i32
      %mul3A_439 = arith.muli %scan3A_436, %mul3A_438 : i32
      %get3A = arith.index_cast %mul3A_439 : i32 to index
      %get3A_440 = tpu.vector_load %arg10[%get3A] {strides = array<i32>} : memref<6400xf32, #tpu.memory_space<vmem>>, vector<16xf32>,
      %get3A_441 = vector.shape_cast %get3A_440 : vector<16xf32> to vector<16xf32>
      %mul3A_442 = arith.constant 16 : i32
      %mul3A_443 = arith.muli %scan3A_436, %mul3A_442 : i32
      %get3A_444 = arith.index_cast %mul3A_443 : i32 to index
      %get3A_445 = tpu.vector_load %arg11[%get3A_444] {strides = array<i32>} : memref<6400xf32, #tpu.memory_space<vmem>>, vector<16xf32>,
      %get3A_446 = vector.shape_cast %get3A_445 : vector<16xf32> to vector<16xf32>
      %add3A_447 = arith.addf %get3A_441, %get3A_446 : vector<16xf32>
      %mul3A_448 = arith.constant 16 : i32
      %mul3A_449 = arith.muli %scan3A_436, %mul3A_448 : i32
      %swap3A = arith.index_cast %mul3A_449 : i32 to index
      %swap3A_450 = tpu.vector_load %arg10[%swap3A] {strides = array<i32>} : memref<6400xf32, #tpu.memory_space<vmem>>, vector<16xf32>,
      %swap3A_451 = vector.shape_cast %swap3A_450 : vector<16xf32> to vector<16xf32>
      %swap3A_452 = vector.shape_cast %add3A_447 : vector<16xf32> to vector<16xf32>
      tpu.vector_store %arg10[%swap3A], %swap3A_452 {strides = array<i32>} : memref<6400xf32, #tpu.memory_space<vmem>>, vector<16xf32>,
      %scan3A_453 = arith.constant 0 : i32
      scf.yield %scan3A_453 : i32
    }
    %scan3A_300 = arith.constant 400 : i32
    "tpu.region"() ({
      %run_scoped3A = tpu.sem_alloc : memref<!tpu.dma_semaphore, #tpu.memory_space<semaphore_mem>>
      %dma_start3A = tpu.memref_slice %arg3[%add3A_293] : memref<8192000xf32, #tpu.memory_space<hbm>> -> memref<6400xf32, #tpu.memory_space<hbm>>
      %dma_start3A_436 = tpu.memref_slice %arg3[%add3A_293] : memref<8192000xf32, #tpu.memory_space<hbm>> -> memref<6400xf32, #tpu.memory_space<hbm>>
      tpu.enqueue_dma source(%arg10 : memref<6400xf32, #tpu.memory_space<vmem>>) target(%dma_start3A_436 : memref<6400xf32, #tpu.memory_space<hbm>>) target_semaphore(%run_scoped3A : memref<!tpu.dma_semaphore, #tpu.memory_space<semaphore_mem>>)
      %dma_wait3A = tpu.memref_slice %arg3[%add3A_293] : memref<8192000xf32, #tpu.memory_space<hbm>> -> memref<6400xf32, #tpu.memory_space<hbm>>
      %dma_wait3A_437 = tpu.memref_slice %arg3[%add3A_293] : memref<8192000xf32, #tpu.memory_space<hbm>> -> memref<6400xf32, #tpu.memory_space<hbm>>
      tpu.wait_dma2 semaphore(%run_scoped3A : memref<!tpu.dma_semaphore, #tpu.memory_space<semaphore_mem>>) src(%arg10 : memref<6400xf32, #tpu.memory_space<vmem>>) dst(%dma_wait3A_437 : memref<6400xf32, #tpu.memory_space<hbm>>)
      tpu.yield
    }) : () -> ()
    %mul3A_301 = arith.constant 4 : i32
    %mul3A_302 = arith.muli %arg0, %mul3A_301 : i32
    %add3A_303 = arith.constant 2 : i32
    %add3A_304 = arith.addi %mul3A_302, %add3A_303 : i32
    %mul3A_305 = arith.constant 204800 : i32
    %mul3A_306 = arith.muli %add3A_304, %mul3A_305 : i32
    %mul3A_307 = arith.constant 12800 : i32
    %mul3A_308 = arith.muli %arg1, %mul3A_307 : i32
    %add3A_309 = arith.addi %mul3A_306, %mul3A_308 : i32
    %add3A_310 = arith.constant 6400 : i32
    %add3A_311 = arith.addi %add3A_309, %add3A_310 : i32
    %mul3A_312 = arith.constant 4096000 : i32
    %mul3A_313 = arith.muli %arg0, %mul3A_312 : i32
    %add3A_314 = arith.constant 3072000 : i32
    %add3A_315 = arith.addi %mul3A_313, %add3A_314 : i32
    %mul3A_316 = arith.constant 12800 : i32
    %mul3A_317 = arith.muli %arg1, %mul3A_316 : i32
    %add3A_318 = arith.addi %add3A_315, %mul3A_317 : i32
    %add3A_319 = arith.constant 6400 : i32
    %add3A_320 = arith.addi %add3A_318, %add3A_319 : i32
    "tpu.region"() ({
      %run_scoped3A = tpu.sem_alloc : memref<!tpu.dma_semaphore, #tpu.memory_space<semaphore_mem>>
      %dma_start3A = tpu.memref_slice %arg5[%add3A_311] : memref<1638400xf32, #tpu.memory_space<hbm>> -> memref<6400xf32, #tpu.memory_space<hbm>>
      %dma_start3A_436 = tpu.memref_slice %arg5[%add3A_311] : memref<1638400xf32, #tpu.memory_space<hbm>> -> memref<6400xf32, #tpu.memory_space<hbm>>
      tpu.enqueue_dma source(%dma_start3A_436 : memref<6400xf32, #tpu.memory_space<hbm>>) target(%arg11 : memref<6400xf32, #tpu.memory_space<vmem>>) target_semaphore(%run_scoped3A : memref<!tpu.dma_semaphore, #tpu.memory_space<semaphore_mem>>)
      %dma_wait3A = tpu.memref_slice %arg5[%add3A_311] : memref<1638400xf32, #tpu.memory_space<hbm>> -> memref<6400xf32, #tpu.memory_space<hbm>>
      %dma_wait3A_437 = tpu.memref_slice %arg5[%add3A_311] : memref<1638400xf32, #tpu.memory_space<hbm>> -> memref<6400xf32, #tpu.memory_space<hbm>>
      tpu.wait_dma2 semaphore(%run_scoped3A : memref<!tpu.dma_semaphore, #tpu.memory_space<semaphore_mem>>) src(%dma_wait3A_437 : memref<6400xf32, #tpu.memory_space<hbm>>) dst(%arg11 : memref<6400xf32, #tpu.memory_space<vmem>>)
      tpu.yield
    }) : () -> ()
    "tpu.region"() ({
      %run_scoped3A = tpu.sem_alloc : memref<!tpu.dma_semaphore, #tpu.memory_space<semaphore_mem>>
      %dma_start3A = tpu.memref_slice %arg3[%add3A_320] : memref<8192000xf32, #tpu.memory_space<hbm>> -> memref<6400xf32, #tpu.memory_space<hbm>>
      %dma_start3A_436 = tpu.memref_slice %arg3[%add3A_320] : memref<8192000xf32, #tpu.memory_space<hbm>> -> memref<6400xf32, #tpu.memory_space<hbm>>
      tpu.enqueue_dma source(%dma_start3A_436 : memref<6400xf32, #tpu.memory_space<hbm>>) target(%arg10 : memref<6400xf32, #tpu.memory_space<vmem>>) target_semaphore(%run_scoped3A : memref<!tpu.dma_semaphore, #tpu.memory_space<semaphore_mem>>)
      %dma_wait3A = tpu.memref_slice %arg3[%add3A_320] : memref<8192000xf32, #tpu.memory_space<hbm>> -> memref<6400xf32, #tpu.memory_space<hbm>>
      %dma_wait3A_437 = tpu.memref_slice %arg3[%add3A_320] : memref<8192000xf32, #tpu.memory_space<hbm>> -> memref<6400xf32, #tpu.memory_space<hbm>>
      tpu.wait_dma2 semaphore(%run_scoped3A : memref<!tpu.dma_semaphore, #tpu.memory_space<semaphore_mem>>) src(%dma_wait3A_437 : memref<6400xf32, #tpu.memory_space<hbm>>) dst(%arg10 : memref<6400xf32, #tpu.memory_space<vmem>>)
      tpu.yield
    }) : () -> ()
    %scan3A_321 = arith.constant 0 : i32
    %scan3A_322 = arith.constant 0 : i32
    %scan3A_323 = arith.constant 400 : i32
    %scan3A_324 = arith.addi %scan3A_322, %scan3A_323 : i32
    %scan3A_325 = arith.constant 1 : i32
    %scan3A_326 = scf.for %scan3A_436 = %scan3A_322 to %scan3A_324 step %scan3A_325 iter_args(%scan3A_437 = %scan3A_321) -> (i32)  : i32 {
      %mul3A_438 = arith.constant 16 : i32
      %mul3A_439 = arith.muli %scan3A_436, %mul3A_438 : i32
      %get3A = arith.index_cast %mul3A_439 : i32 to index
      %get3A_440 = tpu.vector_load %arg10[%get3A] {strides = array<i32>} : memref<6400xf32, #tpu.memory_space<vmem>>, vector<16xf32>,
      %get3A_441 = vector.shape_cast %get3A_440 : vector<16xf32> to vector<16xf32>
      %mul3A_442 = arith.constant 16 : i32
      %mul3A_443 = arith.muli %scan3A_436, %mul3A_442 : i32
      %get3A_444 = arith.index_cast %mul3A_443 : i32 to index
      %get3A_445 = tpu.vector_load %arg11[%get3A_444] {strides = array<i32>} : memref<6400xf32, #tpu.memory_space<vmem>>, vector<16xf32>,
      %get3A_446 = vector.shape_cast %get3A_445 : vector<16xf32> to vector<16xf32>
      %add3A_447 = arith.addf %get3A_441, %get3A_446 : vector<16xf32>
      %mul3A_448 = arith.constant 16 : i32
      %mul3A_449 = arith.muli %scan3A_436, %mul3A_448 : i32
      %swap3A = arith.index_cast %mul3A_449 : i32 to index
      %swap3A_450 = tpu.vector_load %arg10[%swap3A] {strides = array<i32>} : memref<6400xf32, #tpu.memory_space<vmem>>, vector<16xf32>,
      %swap3A_451 = vector.shape_cast %swap3A_450 : vector<16xf32> to vector<16xf32>
      %swap3A_452 = vector.shape_cast %add3A_447 : vector<16xf32> to vector<16xf32>
      tpu.vector_store %arg10[%swap3A], %swap3A_452 {strides = array<i32>} : memref<6400xf32, #tpu.memory_space<vmem>>, vector<16xf32>,
      %scan3A_453 = arith.constant 0 : i32
      scf.yield %scan3A_453 : i32
    }
    %scan3A_327 = arith.constant 400 : i32
    "tpu.region"() ({
      %run_scoped3A = tpu.sem_alloc : memref<!tpu.dma_semaphore, #tpu.memory_space<semaphore_mem>>
      %dma_start3A = tpu.memref_slice %arg3[%add3A_320] : memref<8192000xf32, #tpu.memory_space<hbm>> -> memref<6400xf32, #tpu.memory_space<hbm>>
      %dma_start3A_436 = tpu.memref_slice %arg3[%add3A_320] : memref<8192000xf32, #tpu.memory_space<hbm>> -> memref<6400xf32, #tpu.memory_space<hbm>>
      tpu.enqueue_dma source(%arg10 : memref<6400xf32, #tpu.memory_space<vmem>>) target(%dma_start3A_436 : memref<6400xf32, #tpu.memory_space<hbm>>) target_semaphore(%run_scoped3A : memref<!tpu.dma_semaphore, #tpu.memory_space<semaphore_mem>>)
      %dma_wait3A = tpu.memref_slice %arg3[%add3A_320] : memref<8192000xf32, #tpu.memory_space<hbm>> -> memref<6400xf32, #tpu.memory_space<hbm>>
      %dma_wait3A_437 = tpu.memref_slice %arg3[%add3A_320] : memref<8192000xf32, #tpu.memory_space<hbm>> -> memref<6400xf32, #tpu.memory_space<hbm>>
      tpu.wait_dma2 semaphore(%run_scoped3A : memref<!tpu.dma_semaphore, #tpu.memory_space<semaphore_mem>>) src(%arg10 : memref<6400xf32, #tpu.memory_space<vmem>>) dst(%dma_wait3A_437 : memref<6400xf32, #tpu.memory_space<hbm>>)
      tpu.yield
    }) : () -> ()
    %mul3A_328 = arith.constant 4 : i32
    %mul3A_329 = arith.muli %arg0, %mul3A_328 : i32
    %add3A_330 = arith.constant 3 : i32
    %add3A_331 = arith.addi %mul3A_329, %add3A_330 : i32
    %mul3A_332 = arith.constant 204800 : i32
    %mul3A_333 = arith.muli %add3A_331, %mul3A_332 : i32
    %mul3A_334 = arith.constant 12800 : i32
    %mul3A_335 = arith.muli %arg1, %mul3A_334 : i32
    %add3A_336 = arith.addi %mul3A_333, %mul3A_335 : i32
    %add3A_337 = arith.constant 0 : i32
    %add3A_338 = arith.addi %add3A_336, %add3A_337 : i32
    %mul3A_339 = arith.constant 4096000 : i32
    %mul3A_340 = arith.muli %arg0, %mul3A_339 : i32
    %add3A_341 = arith.constant 2867200 : i32
    %add3A_342 = arith.addi %mul3A_340, %add3A_341 : i32
    %mul3A_343 = arith.constant 12800 : i32
    %mul3A_344 = arith.muli %arg1, %mul3A_343 : i32
    %add3A_345 = arith.addi %add3A_342, %mul3A_344 : i32
    %add3A_346 = arith.constant 0 : i32
    %add3A_347 = arith.addi %add3A_345, %add3A_346 : i32
    "tpu.region"() ({
      %run_scoped3A = tpu.sem_alloc : memref<!tpu.dma_semaphore, #tpu.memory_space<semaphore_mem>>
      %dma_start3A = tpu.memref_slice %arg4[%add3A_338] : memref<1638400xf32, #tpu.memory_space<hbm>> -> memref<6400xf32, #tpu.memory_space<hbm>>
      %dma_start3A_436 = tpu.memref_slice %arg4[%add3A_338] : memref<1638400xf32, #tpu.memory_space<hbm>> -> memref<6400xf32, #tpu.memory_space<hbm>>
      tpu.enqueue_dma source(%dma_start3A_436 : memref<6400xf32, #tpu.memory_space<hbm>>) target(%arg11 : memref<6400xf32, #tpu.memory_space<vmem>>) target_semaphore(%run_scoped3A : memref<!tpu.dma_semaphore, #tpu.memory_space<semaphore_mem>>)
      %dma_wait3A = tpu.memref_slice %arg4[%add3A_338] : memref<1638400xf32, #tpu.memory_space<hbm>> -> memref<6400xf32, #tpu.memory_space<hbm>>
      %dma_wait3A_437 = tpu.memref_slice %arg4[%add3A_338] : memref<1638400xf32, #tpu.memory_space<hbm>> -> memref<6400xf32, #tpu.memory_space<hbm>>
      tpu.wait_dma2 semaphore(%run_scoped3A : memref<!tpu.dma_semaphore, #tpu.memory_space<semaphore_mem>>) src(%dma_wait3A_437 : memref<6400xf32, #tpu.memory_space<hbm>>) dst(%arg11 : memref<6400xf32, #tpu.memory_space<vmem>>)
      tpu.yield
    }) : () -> ()
    "tpu.region"() ({
      %run_scoped3A = tpu.sem_alloc : memref<!tpu.dma_semaphore, #tpu.memory_space<semaphore_mem>>
      %dma_start3A = tpu.memref_slice %arg3[%add3A_347] : memref<8192000xf32, #tpu.memory_space<hbm>> -> memref<6400xf32, #tpu.memory_space<hbm>>
      %dma_start3A_436 = tpu.memref_slice %arg3[%add3A_347] : memref<8192000xf32, #tpu.memory_space<hbm>> -> memref<6400xf32, #tpu.memory_space<hbm>>
      tpu.enqueue_dma source(%dma_start3A_436 : memref<6400xf32, #tpu.memory_space<hbm>>) target(%arg10 : memref<6400xf32, #tpu.memory_space<vmem>>) target_semaphore(%run_scoped3A : memref<!tpu.dma_semaphore, #tpu.memory_space<semaphore_mem>>)
      %dma_wait3A = tpu.memref_slice %arg3[%add3A_347] : memref<8192000xf32, #tpu.memory_space<hbm>> -> memref<6400xf32, #tpu.memory_space<hbm>>
      %dma_wait3A_437 = tpu.memref_slice %arg3[%add3A_347] : memref<8192000xf32, #tpu.memory_space<hbm>> -> memref<6400xf32, #tpu.memory_space<hbm>>
      tpu.wait_dma2 semaphore(%run_scoped3A : memref<!tpu.dma_semaphore, #tpu.memory_space<semaphore_mem>>) src(%dma_wait3A_437 : memref<6400xf32, #tpu.memory_space<hbm>>) dst(%arg10 : memref<6400xf32, #tpu.memory_space<vmem>>)
      tpu.yield
    }) : () -> ()
    %scan3A_348 = arith.constant 0 : i32
    %scan3A_349 = arith.constant 0 : i32
    %scan3A_350 = arith.constant 400 : i32
    %scan3A_351 = arith.addi %scan3A_349, %scan3A_350 : i32
    %scan3A_352 = arith.constant 1 : i32
    %scan3A_353 = scf.for %scan3A_436 = %scan3A_349 to %scan3A_351 step %scan3A_352 iter_args(%scan3A_437 = %scan3A_348) -> (i32)  : i32 {
      %mul3A_438 = arith.constant 16 : i32
      %mul3A_439 = arith.muli %scan3A_436, %mul3A_438 : i32
      %get3A = arith.index_cast %mul3A_439 : i32 to index
      %get3A_440 = tpu.vector_load %arg10[%get3A] {strides = array<i32>} : memref<6400xf32, #tpu.memory_space<vmem>>, vector<16xf32>,
      %get3A_441 = vector.shape_cast %get3A_440 : vector<16xf32> to vector<16xf32>
      %mul3A_442 = arith.constant 16 : i32
      %mul3A_443 = arith.muli %scan3A_436, %mul3A_442 : i32
      %get3A_444 = arith.index_cast %mul3A_443 : i32 to index
      %get3A_445 = tpu.vector_load %arg11[%get3A_444] {strides = array<i32>} : memref<6400xf32, #tpu.memory_space<vmem>>, vector<16xf32>,
      %get3A_446 = vector.shape_cast %get3A_445 : vector<16xf32> to vector<16xf32>
      %add3A_447 = arith.addf %get3A_441, %get3A_446 : vector<16xf32>
      %mul3A_448 = arith.constant 16 : i32
      %mul3A_449 = arith.muli %scan3A_436, %mul3A_448 : i32
      %swap3A = arith.index_cast %mul3A_449 : i32 to index
      %swap3A_450 = tpu.vector_load %arg10[%swap3A] {strides = array<i32>} : memref<6400xf32, #tpu.memory_space<vmem>>, vector<16xf32>,
      %swap3A_451 = vector.shape_cast %swap3A_450 : vector<16xf32> to vector<16xf32>
      %swap3A_452 = vector.shape_cast %add3A_447 : vector<16xf32> to vector<16xf32>
      tpu.vector_store %arg10[%swap3A], %swap3A_452 {strides = array<i32>} : memref<6400xf32, #tpu.memory_space<vmem>>, vector<16xf32>,
      %scan3A_453 = arith.constant 0 : i32
      scf.yield %scan3A_453 : i32
    }
    %scan3A_354 = arith.constant 400 : i32
    "tpu.region"() ({
      %run_scoped3A = tpu.sem_alloc : memref<!tpu.dma_semaphore, #tpu.memory_space<semaphore_mem>>
      %dma_start3A = tpu.memref_slice %arg3[%add3A_347] : memref<8192000xf32, #tpu.memory_space<hbm>> -> memref<6400xf32, #tpu.memory_space<hbm>>
      %dma_start3A_436 = tpu.memref_slice %arg3[%add3A_347] : memref<8192000xf32, #tpu.memory_space<hbm>> -> memref<6400xf32, #tpu.memory_space<hbm>>
      tpu.enqueue_dma source(%arg10 : memref<6400xf32, #tpu.memory_space<vmem>>) target(%dma_start3A_436 : memref<6400xf32, #tpu.memory_space<hbm>>) target_semaphore(%run_scoped3A : memref<!tpu.dma_semaphore, #tpu.memory_space<semaphore_mem>>)
      %dma_wait3A = tpu.memref_slice %arg3[%add3A_347] : memref<8192000xf32, #tpu.memory_space<hbm>> -> memref<6400xf32, #tpu.memory_space<hbm>>
      %dma_wait3A_437 = tpu.memref_slice %arg3[%add3A_347] : memref<8192000xf32, #tpu.memory_space<hbm>> -> memref<6400xf32, #tpu.memory_space<hbm>>
      tpu.wait_dma2 semaphore(%run_scoped3A : memref<!tpu.dma_semaphore, #tpu.memory_space<semaphore_mem>>) src(%arg10 : memref<6400xf32, #tpu.memory_space<vmem>>) dst(%dma_wait3A_437 : memref<6400xf32, #tpu.memory_space<hbm>>)
      tpu.yield
    }) : () -> ()
    %mul3A_355 = arith.constant 4 : i32
    %mul3A_356 = arith.muli %arg0, %mul3A_355 : i32
    %add3A_357 = arith.constant 3 : i32
    %add3A_358 = arith.addi %mul3A_356, %add3A_357 : i32
    %mul3A_359 = arith.constant 204800 : i32
    %mul3A_360 = arith.muli %add3A_358, %mul3A_359 : i32
    %mul3A_361 = arith.constant 12800 : i32
    %mul3A_362 = arith.muli %arg1, %mul3A_361 : i32
    %add3A_363 = arith.addi %mul3A_360, %mul3A_362 : i32
    %add3A_364 = arith.constant 6400 : i32
    %add3A_365 = arith.addi %add3A_363, %add3A_364 : i32
    %mul3A_366 = arith.constant 4096000 : i32
    %mul3A_367 = arith.muli %arg0, %mul3A_366 : i32
    %add3A_368 = arith.constant 2867200 : i32
    %add3A_369 = arith.addi %mul3A_367, %add3A_368 : i32
    %mul3A_370 = arith.constant 12800 : i32
    %mul3A_371 = arith.muli %arg1, %mul3A_370 : i32
    %add3A_372 = arith.addi %add3A_369, %mul3A_371 : i32
    %add3A_373 = arith.constant 6400 : i32
    %add3A_374 = arith.addi %add3A_372, %add3A_373 : i32
    "tpu.region"() ({
      %run_scoped3A = tpu.sem_alloc : memref<!tpu.dma_semaphore, #tpu.memory_space<semaphore_mem>>
      %dma_start3A = tpu.memref_slice %arg4[%add3A_365] : memref<1638400xf32, #tpu.memory_space<hbm>> -> memref<6400xf32, #tpu.memory_space<hbm>>
      %dma_start3A_436 = tpu.memref_slice %arg4[%add3A_365] : memref<1638400xf32, #tpu.memory_space<hbm>> -> memref<6400xf32, #tpu.memory_space<hbm>>
      tpu.enqueue_dma source(%dma_start3A_436 : memref<6400xf32, #tpu.memory_space<hbm>>) target(%arg11 : memref<6400xf32, #tpu.memory_space<vmem>>) target_semaphore(%run_scoped3A : memref<!tpu.dma_semaphore, #tpu.memory_space<semaphore_mem>>)
      %dma_wait3A = tpu.memref_slice %arg4[%add3A_365] : memref<1638400xf32, #tpu.memory_space<hbm>> -> memref<6400xf32, #tpu.memory_space<hbm>>
      %dma_wait3A_437 = tpu.memref_slice %arg4[%add3A_365] : memref<1638400xf32, #tpu.memory_space<hbm>> -> memref<6400xf32, #tpu.memory_space<hbm>>
      tpu.wait_dma2 semaphore(%run_scoped3A : memref<!tpu.dma_semaphore, #tpu.memory_space<semaphore_mem>>) src(%dma_wait3A_437 : memref<6400xf32, #tpu.memory_space<hbm>>) dst(%arg11 : memref<6400xf32, #tpu.memory_space<vmem>>)
      tpu.yield
    }) : () -> ()
    "tpu.region"() ({
      %run_scoped3A = tpu.sem_alloc : memref<!tpu.dma_semaphore, #tpu.memory_space<semaphore_mem>>
      %dma_start3A = tpu.memref_slice %arg3[%add3A_374] : memref<8192000xf32, #tpu.memory_space<hbm>> -> memref<6400xf32, #tpu.memory_space<hbm>>
      %dma_start3A_436 = tpu.memref_slice %arg3[%add3A_374] : memref<8192000xf32, #tpu.memory_space<hbm>> -> memref<6400xf32, #tpu.memory_space<hbm>>
      tpu.enqueue_dma source(%dma_start3A_436 : memref<6400xf32, #tpu.memory_space<hbm>>) target(%arg10 : memref<6400xf32, #tpu.memory_space<vmem>>) target_semaphore(%run_scoped3A : memref<!tpu.dma_semaphore, #tpu.memory_space<semaphore_mem>>)
      %dma_wait3A = tpu.memref_slice %arg3[%add3A_374] : memref<8192000xf32, #tpu.memory_space<hbm>> -> memref<6400xf32, #tpu.memory_space<hbm>>
      %dma_wait3A_437 = tpu.memref_slice %arg3[%add3A_374] : memref<8192000xf32, #tpu.memory_space<hbm>> -> memref<6400xf32, #tpu.memory_space<hbm>>
      tpu.wait_dma2 semaphore(%run_scoped3A : memref<!tpu.dma_semaphore, #tpu.memory_space<semaphore_mem>>) src(%dma_wait3A_437 : memref<6400xf32, #tpu.memory_space<hbm>>) dst(%arg10 : memref<6400xf32, #tpu.memory_space<vmem>>)
      tpu.yield
    }) : () -> ()
    %scan3A_375 = arith.constant 0 : i32
    %scan3A_376 = arith.constant 0 : i32
    %scan3A_377 = arith.constant 400 : i32
    %scan3A_378 = arith.addi %scan3A_376, %scan3A_377 : i32
    %scan3A_379 = arith.constant 1 : i32
    %scan3A_380 = scf.for %scan3A_436 = %scan3A_376 to %scan3A_378 step %scan3A_379 iter_args(%scan3A_437 = %scan3A_375) -> (i32)  : i32 {
      %mul3A_438 = arith.constant 16 : i32
      %mul3A_439 = arith.muli %scan3A_436, %mul3A_438 : i32
      %get3A = arith.index_cast %mul3A_439 : i32 to index
      %get3A_440 = tpu.vector_load %arg10[%get3A] {strides = array<i32>} : memref<6400xf32, #tpu.memory_space<vmem>>, vector<16xf32>,
      %get3A_441 = vector.shape_cast %get3A_440 : vector<16xf32> to vector<16xf32>
      %mul3A_442 = arith.constant 16 : i32
      %mul3A_443 = arith.muli %scan3A_436, %mul3A_442 : i32
      %get3A_444 = arith.index_cast %mul3A_443 : i32 to index
      %get3A_445 = tpu.vector_load %arg11[%get3A_444] {strides = array<i32>} : memref<6400xf32, #tpu.memory_space<vmem>>, vector<16xf32>,
      %get3A_446 = vector.shape_cast %get3A_445 : vector<16xf32> to vector<16xf32>
      %add3A_447 = arith.addf %get3A_441, %get3A_446 : vector<16xf32>
      %mul3A_448 = arith.constant 16 : i32
      %mul3A_449 = arith.muli %scan3A_436, %mul3A_448 : i32
      %swap3A = arith.index_cast %mul3A_449 : i32 to index
      %swap3A_450 = tpu.vector_load %arg10[%swap3A] {strides = array<i32>} : memref<6400xf32, #tpu.memory_space<vmem>>, vector<16xf32>,
      %swap3A_451 = vector.shape_cast %swap3A_450 : vector<16xf32> to vector<16xf32>
      %swap3A_452 = vector.shape_cast %add3A_447 : vector<16xf32> to vector<16xf32>
      tpu.vector_store %arg10[%swap3A], %swap3A_452 {strides = array<i32>} : memref<6400xf32, #tpu.memory_space<vmem>>, vector<16xf32>,
      %scan3A_453 = arith.constant 0 : i32
      scf.yield %scan3A_453 : i32
    }
    %scan3A_381 = arith.constant 400 : i32
    "tpu.region"() ({
      %run_scoped3A = tpu.sem_alloc : memref<!tpu.dma_semaphore, #tpu.memory_space<semaphore_mem>>
      %dma_start3A = tpu.memref_slice %arg3[%add3A_374] : memref<8192000xf32, #tpu.memory_space<hbm>> -> memref<6400xf32, #tpu.memory_space<hbm>>
      %dma_start3A_436 = tpu.memref_slice %arg3[%add3A_374] : memref<8192000xf32, #tpu.memory_space<hbm>> -> memref<6400xf32, #tpu.memory_space<hbm>>
      tpu.enqueue_dma source(%arg10 : memref<6400xf32, #tpu.memory_space<vmem>>) target(%dma_start3A_436 : memref<6400xf32, #tpu.memory_space<hbm>>) target_semaphore(%run_scoped3A : memref<!tpu.dma_semaphore, #tpu.memory_space<semaphore_mem>>)
      %dma_wait3A = tpu.memref_slice %arg3[%add3A_374] : memref<8192000xf32, #tpu.memory_space<hbm>> -> memref<6400xf32, #tpu.memory_space<hbm>>
      %dma_wait3A_437 = tpu.memref_slice %arg3[%add3A_374] : memref<8192000xf32, #tpu.memory_space<hbm>> -> memref<6400xf32, #tpu.memory_space<hbm>>
      tpu.wait_dma2 semaphore(%run_scoped3A : memref<!tpu.dma_semaphore, #tpu.memory_space<semaphore_mem>>) src(%arg10 : memref<6400xf32, #tpu.memory_space<vmem>>) dst(%dma_wait3A_437 : memref<6400xf32, #tpu.memory_space<hbm>>)
      tpu.yield
    }) : () -> ()
    %mul3A_382 = arith.constant 4 : i32
    %mul3A_383 = arith.muli %arg0, %mul3A_382 : i32
    %add3A_384 = arith.constant 3 : i32
    %add3A_385 = arith.addi %mul3A_383, %add3A_384 : i32
    %mul3A_386 = arith.constant 204800 : i32
    %mul3A_387 = arith.muli %add3A_385, %mul3A_386 : i32
    %mul3A_388 = arith.constant 12800 : i32
    %mul3A_389 = arith.muli %arg1, %mul3A_388 : i32
    %add3A_390 = arith.addi %mul3A_387, %mul3A_389 : i32
    %add3A_391 = arith.constant 0 : i32
    %add3A_392 = arith.addi %add3A_390, %add3A_391 : i32
    %mul3A_393 = arith.constant 4096000 : i32
    %mul3A_394 = arith.muli %arg0, %mul3A_393 : i32
    %add3A_395 = arith.constant 0 : i32
    %add3A_396 = arith.addi %mul3A_394, %add3A_395 : i32
    %mul3A_397 = arith.constant 12800 : i32
    %mul3A_398 = arith.muli %arg1, %mul3A_397 : i32
    %add3A_399 = arith.addi %add3A_396, %mul3A_398 : i32
    %add3A_400 = arith.constant 0 : i32
    %add3A_401 = arith.addi %add3A_399, %add3A_400 : i32
    "tpu.region"() ({
      %run_scoped3A = tpu.sem_alloc : memref<!tpu.dma_semaphore, #tpu.memory_space<semaphore_mem>>
      %dma_start3A = tpu.memref_slice %arg5[%add3A_392] : memref<1638400xf32, #tpu.memory_space<hbm>> -> memref<6400xf32, #tpu.memory_space<hbm>>
      %dma_start3A_436 = tpu.memref_slice %arg5[%add3A_392] : memref<1638400xf32, #tpu.memory_space<hbm>> -> memref<6400xf32, #tpu.memory_space<hbm>>
      tpu.enqueue_dma source(%dma_start3A_436 : memref<6400xf32, #tpu.memory_space<hbm>>) target(%arg11 : memref<6400xf32, #tpu.memory_space<vmem>>) target_semaphore(%run_scoped3A : memref<!tpu.dma_semaphore, #tpu.memory_space<semaphore_mem>>)
      %dma_wait3A = tpu.memref_slice %arg5[%add3A_392] : memref<1638400xf32, #tpu.memory_space<hbm>> -> memref<6400xf32, #tpu.memory_space<hbm>>
      %dma_wait3A_437 = tpu.memref_slice %arg5[%add3A_392] : memref<1638400xf32, #tpu.memory_space<hbm>> -> memref<6400xf32, #tpu.memory_space<hbm>>
      tpu.wait_dma2 semaphore(%run_scoped3A : memref<!tpu.dma_semaphore, #tpu.memory_space<semaphore_mem>>) src(%dma_wait3A_437 : memref<6400xf32, #tpu.memory_space<hbm>>) dst(%arg11 : memref<6400xf32, #tpu.memory_space<vmem>>)
      tpu.yield
    }) : () -> ()
    "tpu.region"() ({
      %run_scoped3A = tpu.sem_alloc : memref<!tpu.dma_semaphore, #tpu.memory_space<semaphore_mem>>
      %dma_start3A = tpu.memref_slice %arg3[%add3A_401] : memref<8192000xf32, #tpu.memory_space<hbm>> -> memref<6400xf32, #tpu.memory_space<hbm>>
      %dma_start3A_436 = tpu.memref_slice %arg3[%add3A_401] : memref<8192000xf32, #tpu.memory_space<hbm>> -> memref<6400xf32, #tpu.memory_space<hbm>>
      tpu.enqueue_dma source(%dma_start3A_436 : memref<6400xf32, #tpu.memory_space<hbm>>) target(%arg10 : memref<6400xf32, #tpu.memory_space<vmem>>) target_semaphore(%run_scoped3A : memref<!tpu.dma_semaphore, #tpu.memory_space<semaphore_mem>>)
      %dma_wait3A = tpu.memref_slice %arg3[%add3A_401] : memref<8192000xf32, #tpu.memory_space<hbm>> -> memref<6400xf32, #tpu.memory_space<hbm>>
      %dma_wait3A_437 = tpu.memref_slice %arg3[%add3A_401] : memref<8192000xf32, #tpu.memory_space<hbm>> -> memref<6400xf32, #tpu.memory_space<hbm>>
      tpu.wait_dma2 semaphore(%run_scoped3A : memref<!tpu.dma_semaphore, #tpu.memory_space<semaphore_mem>>) src(%dma_wait3A_437 : memref<6400xf32, #tpu.memory_space<hbm>>) dst(%arg10 : memref<6400xf32, #tpu.memory_space<vmem>>)
      tpu.yield
    }) : () -> ()
    %scan3A_402 = arith.constant 0 : i32
    %scan3A_403 = arith.constant 0 : i32
    %scan3A_404 = arith.constant 400 : i32
    %scan3A_405 = arith.addi %scan3A_403, %scan3A_404 : i32
    %scan3A_406 = arith.constant 1 : i32
    %scan3A_407 = scf.for %scan3A_436 = %scan3A_403 to %scan3A_405 step %scan3A_406 iter_args(%scan3A_437 = %scan3A_402) -> (i32)  : i32 {
      %mul3A_438 = arith.constant 16 : i32
      %mul3A_439 = arith.muli %scan3A_436, %mul3A_438 : i32
      %get3A = arith.index_cast %mul3A_439 : i32 to index
      %get3A_440 = tpu.vector_load %arg10[%get3A] {strides = array<i32>} : memref<6400xf32, #tpu.memory_space<vmem>>, vector<16xf32>,
      %get3A_441 = vector.shape_cast %get3A_440 : vector<16xf32> to vector<16xf32>
      %mul3A_442 = arith.constant 16 : i32
      %mul3A_443 = arith.muli %scan3A_436, %mul3A_442 : i32
      %get3A_444 = arith.index_cast %mul3A_443 : i32 to index
      %get3A_445 = tpu.vector_load %arg11[%get3A_444] {strides = array<i32>} : memref<6400xf32, #tpu.memory_space<vmem>>, vector<16xf32>,
      %get3A_446 = vector.shape_cast %get3A_445 : vector<16xf32> to vector<16xf32>
      %add3A_447 = arith.addf %get3A_441, %get3A_446 : vector<16xf32>
      %mul3A_448 = arith.constant 16 : i32
      %mul3A_449 = arith.muli %scan3A_436, %mul3A_448 : i32
      %swap3A = arith.index_cast %mul3A_449 : i32 to index
      %swap3A_450 = tpu.vector_load %arg10[%swap3A] {strides = array<i32>} : memref<6400xf32, #tpu.memory_space<vmem>>, vector<16xf32>,
      %swap3A_451 = vector.shape_cast %swap3A_450 : vector<16xf32> to vector<16xf32>
      %swap3A_452 = vector.shape_cast %add3A_447 : vector<16xf32> to vector<16xf32>
      tpu.vector_store %arg10[%swap3A], %swap3A_452 {strides = array<i32>} : memref<6400xf32, #tpu.memory_space<vmem>>, vector<16xf32>,
      %scan3A_453 = arith.constant 0 : i32
      scf.yield %scan3A_453 : i32
    }
    %scan3A_408 = arith.constant 400 : i32
    "tpu.region"() ({
      %run_scoped3A = tpu.sem_alloc : memref<!tpu.dma_semaphore, #tpu.memory_space<semaphore_mem>>
      %dma_start3A = tpu.memref_slice %arg3[%add3A_401] : memref<8192000xf32, #tpu.memory_space<hbm>> -> memref<6400xf32, #tpu.memory_space<hbm>>
      %dma_start3A_436 = tpu.memref_slice %arg3[%add3A_401] : memref<8192000xf32, #tpu.memory_space<hbm>> -> memref<6400xf32, #tpu.memory_space<hbm>>
      tpu.enqueue_dma source(%arg10 : memref<6400xf32, #tpu.memory_space<vmem>>) target(%dma_start3A_436 : memref<6400xf32, #tpu.memory_space<hbm>>) target_semaphore(%run_scoped3A : memref<!tpu.dma_semaphore, #tpu.memory_space<semaphore_mem>>)
      %dma_wait3A = tpu.memref_slice %arg3[%add3A_401] : memref<8192000xf32, #tpu.memory_space<hbm>> -> memref<6400xf32, #tpu.memory_space<hbm>>
      %dma_wait3A_437 = tpu.memref_slice %arg3[%add3A_401] : memref<8192000xf32, #tpu.memory_space<hbm>> -> memref<6400xf32, #tpu.memory_space<hbm>>
      tpu.wait_dma2 semaphore(%run_scoped3A : memref<!tpu.dma_semaphore, #tpu.memory_space<semaphore_mem>>) src(%arg10 : memref<6400xf32, #tpu.memory_space<vmem>>) dst(%dma_wait3A_437 : memref<6400xf32, #tpu.memory_space<hbm>>)
      tpu.yield
    }) : () -> ()
    %mul3A_409 = arith.constant 4 : i32
    %mul3A_410 = arith.muli %arg0, %mul3A_409 : i32
    %add3A_411 = arith.constant 3 : i32
    %add3A_412 = arith.addi %mul3A_410, %add3A_411 : i32
    %mul3A_413 = arith.constant 204800 : i32
    %mul3A_414 = arith.muli %add3A_412, %mul3A_413 : i32
    %mul3A_415 = arith.constant 12800 : i32
    %mul3A_416 = arith.muli %arg1, %mul3A_415 : i32
    %add3A_417 = arith.addi %mul3A_414, %mul3A_416 : i32
    %add3A_418 = arith.constant 6400 : i32
    %add3A_419 = arith.addi %add3A_417, %add3A_418 : i32
    %mul3A_420 = arith.constant 4096000 : i32
    %mul3A_421 = arith.muli %arg0, %mul3A_420 : i32
    %add3A_422 = arith.constant 0 : i32
    %add3A_423 = arith.addi %mul3A_421, %add3A_422 : i32
    %mul3A_424 = arith.constant 12800 : i32
    %mul3A_425 = arith.muli %arg1, %mul3A_424 : i32
    %add3A_426 = arith.addi %add3A_423, %mul3A_425 : i32
    %add3A_427 = arith.constant 6400 : i32
    %add3A_428 = arith.addi %add3A_426, %add3A_427 : i32
    "tpu.region"() ({
      %run_scoped3A = tpu.sem_alloc : memref<!tpu.dma_semaphore, #tpu.memory_space<semaphore_mem>>
      %dma_start3A = tpu.memref_slice %arg5[%add3A_419] : memref<1638400xf32, #tpu.memory_space<hbm>> -> memref<6400xf32, #tpu.memory_space<hbm>>
      %dma_start3A_436 = tpu.memref_slice %arg5[%add3A_419] : memref<1638400xf32, #tpu.memory_space<hbm>> -> memref<6400xf32, #tpu.memory_space<hbm>>
      tpu.enqueue_dma source(%dma_start3A_436 : memref<6400xf32, #tpu.memory_space<hbm>>) target(%arg11 : memref<6400xf32, #tpu.memory_space<vmem>>) target_semaphore(%run_scoped3A : memref<!tpu.dma_semaphore, #tpu.memory_space<semaphore_mem>>)
      %dma_wait3A = tpu.memref_slice %arg5[%add3A_419] : memref<1638400xf32, #tpu.memory_space<hbm>> -> memref<6400xf32, #tpu.memory_space<hbm>>
      %dma_wait3A_437 = tpu.memref_slice %arg5[%add3A_419] : memref<1638400xf32, #tpu.memory_space<hbm>> -> memref<6400xf32, #tpu.memory_space<hbm>>
      tpu.wait_dma2 semaphore(%run_scoped3A : memref<!tpu.dma_semaphore, #tpu.memory_space<semaphore_mem>>) src(%dma_wait3A_437 : memref<6400xf32, #tpu.memory_space<hbm>>) dst(%arg11 : memref<6400xf32, #tpu.memory_space<vmem>>)
      tpu.yield
    }) : () -> ()
    "tpu.region"() ({
      %run_scoped3A = tpu.sem_alloc : memref<!tpu.dma_semaphore, #tpu.memory_space<semaphore_mem>>
      %dma_start3A = tpu.memref_slice %arg3[%add3A_428] : memref<8192000xf32, #tpu.memory_space<hbm>> -> memref<6400xf32, #tpu.memory_space<hbm>>
      %dma_start3A_436 = tpu.memref_slice %arg3[%add3A_428] : memref<8192000xf32, #tpu.memory_space<hbm>> -> memref<6400xf32, #tpu.memory_space<hbm>>
      tpu.enqueue_dma source(%dma_start3A_436 : memref<6400xf32, #tpu.memory_space<hbm>>) target(%arg10 : memref<6400xf32, #tpu.memory_space<vmem>>) target_semaphore(%run_scoped3A : memref<!tpu.dma_semaphore, #tpu.memory_space<semaphore_mem>>)
      %dma_wait3A = tpu.memref_slice %arg3[%add3A_428] : memref<8192000xf32, #tpu.memory_space<hbm>> -> memref<6400xf32, #tpu.memory_space<hbm>>
      %dma_wait3A_437 = tpu.memref_slice %arg3[%add3A_428] : memref<8192000xf32, #tpu.memory_space<hbm>> -> memref<6400xf32, #tpu.memory_space<hbm>>
      tpu.wait_dma2 semaphore(%run_scoped3A : memref<!tpu.dma_semaphore, #tpu.memory_space<semaphore_mem>>) src(%dma_wait3A_437 : memref<6400xf32, #tpu.memory_space<hbm>>) dst(%arg10 : memref<6400xf32, #tpu.memory_space<vmem>>)
      tpu.yield
    }) : () -> ()
    %scan3A_429 = arith.constant 0 : i32
    %scan3A_430 = arith.constant 0 : i32
    %scan3A_431 = arith.constant 400 : i32
    %scan3A_432 = arith.addi %scan3A_430, %scan3A_431 : i32
    %scan3A_433 = arith.constant 1 : i32
    %scan3A_434 = scf.for %scan3A_436 = %scan3A_430 to %scan3A_432 step %scan3A_433 iter_args(%scan3A_437 = %scan3A_429) -> (i32)  : i32 {
      %mul3A_438 = arith.constant 16 : i32
      %mul3A_439 = arith.muli %scan3A_436, %mul3A_438 : i32
      %get3A = arith.index_cast %mul3A_439 : i32 to index
      %get3A_440 = tpu.vector_load %arg10[%get3A] {strides = array<i32>} : memref<6400xf32, #tpu.memory_space<vmem>>, vector<16xf32>,
      %get3A_441 = vector.shape_cast %get3A_440 : vector<16xf32> to vector<16xf32>
      %mul3A_442 = arith.constant 16 : i32
      %mul3A_443 = arith.muli %scan3A_436, %mul3A_442 : i32
      %get3A_444 = arith.index_cast %mul3A_443 : i32 to index
      %get3A_445 = tpu.vector_load %arg11[%get3A_444] {strides = array<i32>} : memref<6400xf32, #tpu.memory_space<vmem>>, vector<16xf32>,
      %get3A_446 = vector.shape_cast %get3A_445 : vector<16xf32> to vector<16xf32>
      %add3A_447 = arith.addf %get3A_441, %get3A_446 : vector<16xf32>
      %mul3A_448 = arith.constant 16 : i32
      %mul3A_449 = arith.muli %scan3A_436, %mul3A_448 : i32
      %swap3A = arith.index_cast %mul3A_449 : i32 to index
      %swap3A_450 = tpu.vector_load %arg10[%swap3A] {strides = array<i32>} : memref<6400xf32, #tpu.memory_space<vmem>>, vector<16xf32>,
      %swap3A_451 = vector.shape_cast %swap3A_450 : vector<16xf32> to vector<16xf32>
      %swap3A_452 = vector.shape_cast %add3A_447 : vector<16xf32> to vector<16xf32>
      tpu.vector_store %arg10[%swap3A], %swap3A_452 {strides = array<i32>} : memref<6400xf32, #tpu.memory_space<vmem>>, vector<16xf32>,
      %scan3A_453 = arith.constant 0 : i32
      scf.yield %scan3A_453 : i32
    }
    %scan3A_435 = arith.constant 400 : i32
    "tpu.region"() ({
      %run_scoped3A = tpu.sem_alloc : memref<!tpu.dma_semaphore, #tpu.memory_space<semaphore_mem>>
      %dma_start3A = tpu.memref_slice %arg3[%add3A_428] : memref<8192000xf32, #tpu.memory_space<hbm>> -> memref<6400xf32, #tpu.memory_space<hbm>>
      %dma_start3A_436 = tpu.memref_slice %arg3[%add3A_428] : memref<8192000xf32, #tpu.memory_space<hbm>> -> memref<6400xf32, #tpu.memory_space<hbm>>
      tpu.enqueue_dma source(%arg10 : memref<6400xf32, #tpu.memory_space<vmem>>) target(%dma_start3A_436 : memref<6400xf32, #tpu.memory_space<hbm>>) target_semaphore(%run_scoped3A : memref<!tpu.dma_semaphore, #tpu.memory_space<semaphore_mem>>)
      %dma_wait3A = tpu.memref_slice %arg3[%add3A_428] : memref<8192000xf32, #tpu.memory_space<hbm>> -> memref<6400xf32, #tpu.memory_space<hbm>>
      %dma_wait3A_437 = tpu.memref_slice %arg3[%add3A_428] : memref<8192000xf32, #tpu.memory_space<hbm>> -> memref<6400xf32, #tpu.memory_space<hbm>>
      tpu.wait_dma2 semaphore(%run_scoped3A : memref<!tpu.dma_semaphore, #tpu.memory_space<semaphore_mem>>) src(%arg10 : memref<6400xf32, #tpu.memory_space<vmem>>) dst(%dma_wait3A_437 : memref<6400xf32, #tpu.memory_space<hbm>>)
      tpu.yield
    }) : () -> ()
    return
  }
}

</mosaic_0001>

<sc_bundles>
// kernel: kernel.3.cloned.1.call-start
scs
__scs_entry_jumppad:
0x0: {  	(pc) =	sbr.rel $0x88, $3  }
0x1: {  	(tag) =	ssettag $0x0;
	lr =	simm.s32 $0x1  }
0x2: {  	[smem:$0x3FA0] =	sst lr;
	_ =	strace $0xD0000000  }
0x3: {  	_ = 	snop  }
0x4: {  	_ = 	snop  }
0x5: {  	_ = 	snop  }
0x6: {  	_ = 	snop  }
0x7: {  	_ = 	snop  }
__scs_overlays_trampoline_lowered:
0x8: {  	[smem:$0x3FAF] =	sst s0  }
0x9: {  	[smem:$0x3FB0] =	sst s1  }
0xa: {  	[smem:$0x3FB1] =	sst s2  }
0xb: {  	[smem:$0x3FB2] =	sst s3  }
0xc: {  	[smem:$0x3FB3] =	sst s4  }
0xd: {  	[smem:$0x3FB4] =	sst s5  }
0xe: {  	[smem:$0x3FB5] =	sst s6  }
0xf: {  	[smem:$0x3FB6] =	sst s7  }
0x10: {  	[smem:$0x3FB7] =	sst s8  }
0x11: {  	[smem:$0x3FB8] =	sst s9;
	s0 =	simm.s32 @!p0 $0x0  }
0x12: {  	s1 =	sld [smem:$0x3F9E];
	s0 =	simm.s32 @p0 $0x1  }
0x13: {  	[smem:$0x3FB9] =	sst s0;
	s0 =	simm.s32 @!p1 $0x0  }
0x14: {  	s2 =	sld [smem:$0x3F9D];
	s0 =	simm.s32 @p1 $0x1  }
0x15: {  	[smem:$0x3FBA] =	sst s0;
	s0 =	simm.s32 @!p2 $0x0  }
0x16: {  	s3 =	sld [smem:$0x3FDB];
	s0 =	simm.s32 @p2 $0x1  }
0x17: {  	s4 =	simm.s32 $0x1BF5;
	[smem:$0x3FBC] =	sst s0  }
0x18: {  	s0 =	sld [smem:$0x3F9F];
	_ =	swait.ge [sflag:s4], $0x0  }
0x19: {  	s7 =	sld [smem:$0x3FA0]  }
0x1a: {  	s8 =	sadd.s32 $0xFFFFE003, lr  }
0x1b: {  	s9 =	sadd.s32 $0xFFFFFEF7, lr;
	s5 =	simm.s32 $0xFFFFFFFF;
	p2 =	slt.u32 s8, $0xFFFFF086  }
0x1c: {  	p1 =	slt.u32 s9, $0xF7A;
	s5 =	simm.s32 @!p2 $0x0  }
0x1d: {  	s5 =	simm.s32 @p1 $0x1;
	p0 =	seq.s32 s7, s2  }
0x1e: {  	s7 =	smul.u32 @!p0 $0xF7A, s2;
	p2 =	seq.s32 @!p0 s5, $0x0  }
0x1f: {  	s9 =	smul.u32 $0xF7A, s1;
	s8 =	simm.s32 @!p0 $0x1BF5;
	p2 =	por !p2, p0  }
0x20: {  	[sflag:s8] =	ssyncset.s32 @!p0 $0xFFFFF086;
	s6 =	sadd.s32 @!p0 s3, s7;
	s7 =	simm.s32 @!p0 $0x108  }
0x21: {  	s3 =	sadd.s32 s3, s9;
	s6 =	sadd.s32 @!p0 $0x88, s6;
	s7 =	simm.s32 @p2 $0x1082  }
0x22: {  	[simem:s7], [sflag:s8] =	dma.local @!p0 [hbm:s6], $0xF7A  }
0x23: {  	s9 =	sor.u32 $0xD0000000, s2;
	s6 =	simm.s32 $0x108;
	_ =	swait.ge @!p0 [sflag:s8], $0x0  }
0x24: {  	s3 =	sadd.s32 $0x88, s3;
	s6 =	simm.s32 @!p1 $0x1082;
	[sflag:s4] =	ssyncset.s32 $0xFFFFF086  }
0x25: {  	[simem:s6], [sflag:s4] =	dma.local [hbm:s3], $0xF7A  }
0x26: {  	[smem:$0x3FA0] =	sst s1;
	(tag) =	ssettag s2;
	_ =	strace s9  }
0x27: {  	s1 =	sld [smem:$0x3FB0]  }
0x28: {  	s2 =	sld [smem:$0x3FB1]  }
0x29: {  	s4 =	sld [smem:$0x3FB3]  }
0x2a: {  	p0 =	seq.s32 s5, $0x0;
	s5 =	sld [smem:$0x3FB4]  }
0x2b: {  	s6 =	sld [smem:$0x3FB5]  }
0x2c: {  	s7 =	sld [smem:$0x3FB6]  }
0x2d: {  	s3 =	simm.s32 $0x108;
	s8 =	sld [smem:$0x3FB7]  }
0x2e: {  	s3 =	simm.s32 @!p0 $0x1082;
	s9 =	sld [smem:$0x3FB8]  }
0x2f: {  	lr =	sadd.s32 s0, s3;
	s0 =	sld [smem:$0x3FAF]  }
0x30: {  	s3 =	sld [smem:$0x3FB2]  }
0x31: {  	[smem:$0x3FBB] =	sst s10  }
0x32: {  	s10 =	sld [smem:$0x3FB9];
	_ =	sdelay $0x3  }
0x33: {  	p0 =	seq.s32 s10, $0x1;
	s10 =	sld [smem:$0x3FBB];
	_ =	sdelay $0x3  }
0x34: {  	[smem:$0x3FBB] =	sst s10  }
0x35: {  	s10 =	sld [smem:$0x3FBA];
	_ =	sdelay $0x3  }
0x36: {  	p1 =	seq.s32 s10, $0x1;
	s10 =	sld [smem:$0x3FBB];
	_ =	sdelay $0x3  }
0x37: {  	[smem:$0x3FBB] =	sst s10  }
0x38: {  	s10 =	sld [smem:$0x3FBC]  }
0x39: {  	_ = 	snop;
	(pc) =	sbr.ind lr, $3  }
0x3a: {  	_ = 	snop  }
0x3b: {  	_ = 	snop  }
0x3c: {  	p2 =	seq.s32 s10, $0x1;
	s10 =	sld [smem:$0x3FBB]  }
0x3d: {  	_ =	shalt  }
0x3e: {  	_ =	shalt  }
0x3f: {  	_ =	shalt  }
0x40: {  	_ =	shalt  }
0x41: {  	_ =	shalt  }
0x42: {  	_ =	shalt  }
0x43: {  	_ =	shalt  }
0x44: {  	_ =	shalt  }
0x45: {  	_ =	shalt  }
0x46: {  	_ =	shalt  }
0x47: {  	_ =	shalt  }
0x48: {  	_ =	shalt  }
0x49: {  	_ =	shalt  }
0x4a: {  	_ =	shalt  }
0x4b: {  	_ =	shalt  }
0x4c: {  	_ =	shalt  }
0x4d: {  	_ =	shalt  }
0x4e: {  	_ =	shalt  }
0x4f: {  	_ =	shalt  }
0x50: {  	_ =	shalt  }
0x51: {  	_ =	shalt  }
0x52: {  	_ =	shalt  }
0x53: {  	_ =	shalt  }
0x54: {  	_ =	shalt  }
0x55: {  	_ =	shalt  }
0x56: {  	_ =	shalt  }
0x57: {  	_ =	shalt  }
0x58: {  	_ =	shalt  }
0x59: {  	_ =	shalt  }
0x5a: {  	_ =	shalt  }
0x5b: {  	_ =	shalt  }
0x5c: {  	_ =	shalt  }
0x5d: {  	_ =	shalt  }
0x5e: {  	_ =	shalt  }
0x5f: {  	_ =	shalt  }
0x60: {  	_ =	shalt  }
0x61: {  	_ =	shalt  }
0x62: {  	_ =	shalt  }
0x63: {  	_ =	shalt  }
0x64: {  	_ =	shalt  }
0x65: {  	_ =	shalt  }
0x66: {  	_ =	shalt  }
0x67: {  	_ =	shalt  }
0x68: {  	_ =	shalt  }
0x69: {  	_ =	shalt  }
0x6a: {  	_ =	shalt  }
0x6b: {  	_ =	shalt  }
0x6c: {  	_ =	shalt  }
0x6d: {  	_ =	shalt  }
0x6e: {  	_ =	shalt  }
0x6f: {  	_ =	shalt  }
0x70: {  	_ =	shalt  }
0x71: {  	_ =	shalt  }
0x72: {  	_ =	shalt  }
0x73: {  	_ =	shalt  }
0x74: {  	_ =	shalt  }
0x75: {  	_ =	shalt  }
0x76: {  	_ =	shalt  }
0x77: {  	_ =	shalt  }
0x78: {  	_ =	shalt  }
0x79: {  	_ =	shalt  }
0x7a: {  	_ =	shalt  }
0x7b: {  	_ =	shalt  }
0x7c: {  	_ =	shalt  }
0x7d: {  	_ =	shalt  }
0x7e: {  	_ =	shalt  }
0x7f: {  	_ =	shalt  }
0x80: {  	_ =	shalt  }
0x81: {  	_ =	shalt  }
0x82: {  	_ =	shalt  }
0x83: {  	_ =	shalt  }
0x84: {  	_ =	shalt  }
0x85: {  	_ =	shalt  }
0x86: {  	_ =	shalt  }
0x87: {  	_ =	shalt  }
.Lfunc_end0:
.L_simem_size_0:
called_computation_lowered:
.L_overlay_start_0:
0x88: {  	s2 =	sld [smem:$0x3FD9]  }
0x89: {  	s3 =	sld [smem:$0x3FFE];
	_ =	sdelay $0x1  }
0x8a: {  	s1 =	srdreg.scid  }
0x8b: {  	s0 =	sand.u32 $0x1, s1  }
0x8c: {  	s17 =	sshll.u32 s0, $0xA;
	s2 =	sadd.s32 s3, s2  }
0x8d: {  	s2 =	sadd.s32 s2, s17  }
0x8e: {  	[smem:$0x3FC7] =	sst s2  }
0x8f: {  	_ = 	snop  }
0x90: {  	s2 =	sld [smem:$0x3FD0];
	(tm) =	ssettm $0x1  }
0x91: {  	s18 =	sld [smem:$0x3FFB];
	_ =	sdelay $0x3  }
0x92: {  	_ =	strace s18  }
0x93: {  	s3 =	sld [smem:$0x3FFC];
	_ =	sdelay $0x3  }
0x94: {  	_ =	strace s3  }
0x95: {  	s3 =	sld [smem:$0x3FFD];
	_ =	sdelay $0x3  }
0x96: {  	_ =	strace s3  }
0x97: {  	_ =	strace $0x8FFFFFFF  }
0x98: {  	s19 =	sld [smem:$0x3FDB];
	_ =	sdelay $0x1  }
0x99: {  	s4 =	simm.s32 $_scs_section_size  }
0x9a: {  	s5 =	simm.s32 $_size__tile_overlayer_lowered;
	s6 =	simm.s32 $_tile_overlayer_lowered  }
0x9b: {  	s22 =	simm.s32 $0x1BFF;
	s21 =	sshll.u32 s6, $0x1;
	s3 =	sadd.s32 s4, s19  }
0x9c: {  	s7 =	simm.s32 $0x0;
	s20 =	sshll.u32 s5, $0x1;
	s5 =	sadd.s32 s21, s3  }
0x9d: {  	[timem:s7], [sflag:s22] =	dma.local [hbm:s5], s20  }
0x9e: {  	_ =	swait.ge [sflag:s22], s20  }
0x9f: {  	s4 =	ssub.s32 $0x0, s20;
	[sflag:s22] =	ssyncset.done $0x0  }
0xa0: {  	[sflag:s22] =	ssyncadd.s32 s4;
	_ =	sdelay $0x1  }
0xa1: {  	s23 =	simm.s32 $0x1B8B  }
0xa2: {  	_ =	swait.ge [sflag:s23], $0x1  }
0xa3: {  	[sflag:s23] =	ssyncset.done $0x0  }
0xa4: {  	s25 =	simm.s32 $0x1B8E;
	s24 =	sld [smem:$0x3FFE];
	[sflag:s23] =	ssyncadd.s32 $0xFFFFFFFF  }
0xa5: {  	s26 =	simm.s32 $execute0_lowered;
	[smem:$0x3FD2] =	sst s25  }
0xa6: {  	s5 =	sshll.u32 s26, $0x1;
	_ =	strace $0x80000046;
	[dreg:$0x1] =	wrdreg $0xFFFFFFFF  }
0xa7: {  	s28 =	simm.s32 $_size_execute0_lowered;
	s3 =	sadd.s32 s3, s5;
	[dreg:$0x0] =	wrdreg $0x0  }
0xa8: {  	s5 =	sshll.u32 s28, $0x1;
	[dreg:$0x2] =	wrdreg s3  }
0xa9: {  	[dreg:$0x3] =	wrdreg s5  }
0xaa: {  	[dreg:$0x4] =	wrdreg $0xC0  }
0xab: {  	_ =	task [dreg:s7], $0x5FFFF  }
0xac: {  	[dreg:$0x1] =	wrdreg $0xFFFFFFFF  }
0xad: {  	[dreg:$0x0] =	wrdreg $0x60  }
0xae: {  	[dreg:$0x2] =	wrdreg s24  }
0xaf: {  	[dreg:$0x3] =	wrdreg s2  }
0xb0: {  	[dreg:$0x4] =	wrdreg $0x77000  }
0xb1: {  	[dreg:$0x5] =	wrdreg $0x9  }
0xb2: {  	_ =	task.clear_ibuf [dreg:s7], $0x6FFFF;
	_ =	strace $0x90000046  }
0xb3: {  	s29 =	simm.s32 $0x9;
	_ =	strace $0x80000048  }
0xb4: {  	_ =	swait.ge [sflag:s29], $0x1  }
0xb5: {  	[sflag:s29] =	ssyncadd.s32 $0xFFFFFFFF  }
0xb6: {  	_ =	strace $0x90000048  }
0xb7: {  	_ =	sfence  }
0xb8: {  	s30 =	sld [smem:$0x0];
	_ =	sdelay $0x2  }
0xb9: {  	s31 =	sshll.u32 s1, $0xD;
	s1 =	sshrl.u32 s1, $0x2  }
0xba: {  	s3 =	sand.u32 $0x4000, s31;
	s1 =	sadd.s32 s1, s30  }
0xbb: {  	s0 =	sor.u32 s3, s0;
	s1 =	sshll.u32 s1, $0x11  }
0xbc: {  	s0 =	sor.u32 s1, s0  }
0xbd: {  	s0 =	sadd.s32 $0x8F2B, s0  }
0xbe: {  	[sflag:s0] =	ssyncadd.remote.s32 $0x1  }
0xbf: {  	_ =	sfence.sel $0xFFFF  }
0xc0: {  	[dreg:$0x0] =	wrdreg $0xFFFFFFFF;
	(pc) =	sbr.abs _section_cstart, $3  }
0xc1: {  	[dreg:$0x1] =	wrdreg $0xFFFFFFFF  }
0xc2: {  	_ =	task.clear_ibuf [dreg:s7], $0x2FFFF;
	_ =	strace $0x9FFFFFFF  }
0xc3: {  	(tm) =	ssettm $0x7FFFFFFF  }
tec
execute0_lowered:
.L_overlay_start_1:
0x0: {  	(tag) =	ssettag $0x1  }
0x1: {  	s0 =	rddreg [dreg:$0x0]  }
0x2: {  	s10 =	rddreg [dreg:$0x1];
	s11 =	stileid.u32  }
0x3: {  	s4 =	simm.s32 $0x0;
	s1 =	srdreg.scid;
	s2 =	smul.u32 $0x57800, s11  }
0x4: {  	[smem:$0x7FF] =	sst s4;
	s12 =	sadd.s32 $0x320800, s0;
	s7 =	smul.u32 $0xFA00, s11  }
0x5: {  	s1 =	sand.u32 $0x1, s1;
	s13 =	sadd.s32 $0x2EE800, s0;
	s14 =	smul.u32 $0x3200, s11  }
0x6: {  	s3 =	rddreg [dreg:$0x2];
	_ =	strace $0x80000047;
	s6 =	smul.u32 $0x3E8000, s1  }
0x7: {  	s22 =	ssub.s32 $0x2, s1;
	s9 =	smul.u32 $0xC8000, s1;
	[dreg:$0x4] =	wrdreg s12  }
0x8: {  	s15 =	smul.u32 $0xBB8000, s1;
	s1 =	sshll.u32 s1, $0x2;
	[dreg:$0x5] =	wrdreg s13  }
0x9: {  	s11 =	smul.u32 $0x50, s11;
	[dreg:$0xa] =	wrdreg s1  }
0xa: {  	s5 =	sadd.s32 $0x800, s0;
	[dreg:$0x6] =	wrdreg s14  }
0xb: {  	s8 =	sshrl.u32 s22, $0x1;
	s2 =	sshrl.u32 s2, $0x2;
	[smem:$0x7E0] =	sst s11  }
0xc: {  	s24 =	sadd.s32 s7, s3;
	s23 =	sadd.s32 s6, s7;
	[dreg:$0x8] =	wrdreg s15  }
0xd: {  	s0 =	ssub.s32 s22, s8;
	s8 =	sadd.s32 s2, s3;
	[dreg:$0x9] =	wrdreg s23  }
0xe: {  	s2 =	sadd.s32 $0x32000, s24;
	s0 =	smax.u32 s0, $0x1;
	[dreg:$0x7] =	wrdreg s8  }
0xf: {  	s25 =	sadd.s32 s14, s9;
	s9 =	sshrl.u32 s2, $0x3;
	[dreg:$0x1d] =	wrdreg s0  }
0x10: {  	s7 =	sshrl.u32 s25, $0x3;
	s2 =	sadd.s32 $0x4B00, s8;
	[dreg:$0x1e] =	wrdreg s9  }
0x11: {  	s24 =	sadd.s32 s10, s7;
	[smem:$0x7E8] =	sst s2  }
0x12: {  	s6 =	sadd.s32 s6, s14;
	s25 =	sadd.s32 s13, s7;
	[dreg:$0x16] =	wrdreg s24  }
0x13: {  	s26 =	sshrl.u32 s6, $0x3;
	s9 =	sadd.s32 $0x9600, s8;
	[dreg:$0x17] =	wrdreg s25  }
0x14: {  	s28 =	sadd.s32 $0x320, s7;
	s12 =	sadd.s32 s12, s26;
	[smem:$0x7EB] =	sst s9  }
0x15: {  	s29 =	sadd.s32 s10, s28;
	[dreg:$0xb] =	wrdreg s12  }
0x16: {  	s30 =	sadd.s32 $0x6400, s7;
	s6 =	sadd.s32 s13, s28;
	[dreg:$0xc] =	wrdreg s29  }
0x17: {  	s17 =	sadd.s32 $0x6720, s7;
	s16 =	sadd.s32 s10, s30;
	[dreg:$0xd] =	wrdreg s6  }
0x18: {  	s18 =	sadd.s32 s10, s17;
	[dreg:$0xe] =	wrdreg s16  }
0x19: {  	s19 =	sadd.s32 $0xC800, s7;
	s1 =	sadd.s32 s13, s30;
	[dreg:$0xf] =	wrdreg s18  }
0x1a: {  	s21 =	sadd.s32 $0xCB20, s7;
	s20 =	sadd.s32 s10, s19;
	[dreg:$0x10] =	wrdreg s1  }
0x1b: {  	s22 =	sadd.s32 s10, s21;
	[dreg:$0x12] =	wrdreg s20  }
0x1c: {  	s26 =	sadd.s32 $0x12C00, s7;
	s23 =	sadd.s32 s13, s21;
	[dreg:$0x14] =	wrdreg s22  }
0x1d: {  	s28 =	sadd.s32 $0x12F20, s7;
	s7 =	sadd.s32 s14, s3;
	[dreg:$0x15] =	wrdreg s23  }
0x1e: {  	s14 =	sadd.s32 $0x5DF20, s12;
	[dreg:$0x1c] =	wrdreg s7  }
0x1f: {  	s11 =	sadd.s32 $0x76C00, s12;
	[smem:$0x7E2] =	sst s14  }
0x20: {  	s21 =	sadd.s32 $0x3E800, s12;
	[smem:$0x7F3] =	sst s11  }
0x21: {  	s24 =	sadd.s32 $0x38720, s12;
	[smem:$0x7F9] =	sst s21  }
0x22: {  	s25 =	sadd.s32 $0x5DC00, s12;
	[smem:$0x7FC] =	sst s24  }
0x23: {  	s6 =	sadd.s32 s13, s17;
	[smem:$0x7FD] =	sst s25  }
0x24: {  	s1 =	sadd.s32 s13, s19;
	[dreg:$0x11] =	wrdreg s6  }
0x25: {  	s29 =	sadd.s32 s10, s26;
	[dreg:$0x13] =	wrdreg s1  }
0x26: {  	s30 =	sadd.s32 s10, s28;
	[dreg:$0x18] =	wrdreg s29  }
0x27: {  	s10 =	sadd.s32 $0x12C000, s7;
	s7 =	sadd.s32 $0x7D00, s8;
	[dreg:$0x1a] =	wrdreg s30  }
0x28: {  	s14 =	sadd.s32 $0xE100, s8;
	[smem:$0x7EA] =	sst s7  }
0x29: {  	s16 =	sadd.s32 $0x1F400, s12;
	[smem:$0x7EE] =	sst s14  }
0x2a: {  	s17 =	sadd.s32 $0x1F720, s12;
	[smem:$0x7F5] =	sst s16  }
0x2b: {  	s19 =	sadd.s32 $0x19000, s12;
	[smem:$0x7F6] =	sst s17  }
0x2c: {  	s20 =	sadd.s32 $0x19320, s12;
	[smem:$0x7F7] =	sst s19  }
0x2d: {  	s22 =	sadd.s32 $0x3EB20, s12;
	[smem:$0x7F8] =	sst s20  }
0x2e: {  	s23 =	sadd.s32 $0x38400, s12;
	[smem:$0x7FA] =	sst s22  }
0x2f: {  	s1 =	sadd.s32 s13, s26;
	[smem:$0x7FB] =	sst s23  }
0x30: {  	s6 =	sadd.s32 s13, s28;
	[dreg:$0x19] =	wrdreg s1  }
0x31: {  	s0 =	sshrl.u32 s10, $0x3;
	[dreg:$0x1b] =	wrdreg s6  }
0x32: {  	s13 =	sor.u32 $0x320, s15;
	[dreg:$0x1f] =	wrdreg s0  }
0x33: {  	s26 =	sadd.s32 $0x57800, s12;
	[smem:$0x7E1] =	sst s13  }
0x34: {  	s28 =	sadd.s32 $0x57B20, s12;
	[smem:$0x7E3] =	sst s26  }
0x35: {  	s29 =	sadd.s32 $0x320, s12;
	[smem:$0x7E4] =	sst s28  }
0x36: {  	s30 =	sadd.s32 $0x1900, s8;
	[smem:$0x7E5] =	sst s29  }
0x37: {  	s10 =	sadd.s32 $0xAF00, s8;
	[smem:$0x7E6] =	sst s30  }
0x38: {  	s18 =	sor.u32 $0x640, s15;
	s15 =	sadd.s32 $0x76F20, s12;
	[smem:$0x7EC] =	sst s10  }
0x39: {  	s1 =	sadd.s32 $0x3200, s8;
	[smem:$0x7F4] =	sst s15  }
0x3a: {  	s31 =	simm.s32 $0x2C00;
	s6 =	sadd.s32 $0x6400, s8;
	[smem:$0x7E7] =	sst s1  }
0x3b: {  	s2 =	simm.s32 $0x4500;
	s13 =	sadd.s32 $0xC800, s8;
	[smem:$0x7E9] =	sst s6  }
0x3c: {  	s9 =	simm.s32 $0x2;
	s26 =	sadd.s32 $0xFA00, s8;
	[smem:$0x7ED] =	sst s13  }
0x3d: {  	s7 =	simm.s32 $0x1900;
	s28 =	sadd.s32 $0x11300, s8;
	[smem:$0x7EF] =	sst s26  }
0x3e: {  	s14 =	simm.s32 $0x5E00;
	s29 =	sadd.s32 $0x12C00, s8;
	[smem:$0x7F0] =	sst s28  }
0x3f: {  	s30 =	sadd.s32 $0x14500, s8;
	s10 =	simm.s32 $0x1;
	[smem:$0x7F1] =	sst s29  }
0x40: {  	v0 =	vimm.f32 $0.0e+00;
	v1 =	vlaneseq.u32;
	[smem:$0x7F2] =	sst s30;
	s1 =	simm.s32 $0x5;
	s6 =	simm.s32 $0x0  }
.LBB2_1:
.Ltmp0:
0x41: {  	(pc) =	sbr.rel .LBB2_2-.Ltmp0, $2  }
0x42: {  	_ =	sdelay $0x2  }
0x43: {  	[smem:$0x7DF] =	sst s6;
	s17 =	simm.s32 $0x0  }
.LBB2_11:
0x44: {  	[spmem:s3] =	stream.indirect.scatter.add.f32 [tilespmem:s14], [sflag:$0x4], $0x1, s31, s7, $0xb8;
	[tilespmem:$0x1D500] =	vst v63  }
0x45: {  	s0 =	simm.s32 $0x3  }
0x46: {  	_ =	swait.ge [sflag:s0], $0x1900  }
0x47: {  	[sflag:s0] =	ssyncset.done $0x0  }
0x48: {  	s6 =	simm.s32 $0x4;
	[sflag:s0] =	ssyncadd.s32 $0xFFFFE700  }
0x49: {  	_ =	swait.ge [sflag:s6], $0x1900  }
0x4a: {  	[sflag:s6] =	ssyncset.done $0x0  }
0x4b: {  	[sflag:s6] =	ssyncadd.s32 $0xFFFFE700  }
0x4c: {  	s21 =	smul.u32 $0xFA000, s17;
	[bflag:$0x0] =	sbarrier.arrive $0xFFFF  }
0x4d: {  	s23 =	stileid.u32;
	s22 =	rddreg [dreg:$0x9]  }
0x4e: {  	s6 =	sshll.u32 s23, $0x6;
	s8 =	rddreg [dreg:$0xa];
	s0 =	sadd.s32 s21, s22  }
0x4f: {  	s6 =	sor.u32 $0x1C05, s6;
	s11 =	rddreg [dreg:$0x4];
	s0 =	sshrl.u32 s0, $0x3  }
0x50: {  	s24 =	rddreg [dreg:$0x1e];
	s8 =	sadd.s32 s8, s17;
	s0 =	sadd.s32 s11, s0  }
0x51: {  	[hbm:s0], [sflag:s6] =	dma.local [spmem:s24], $0x1F40  }
0x52: {  	s8 =	smul.u32 $0x32000, s8;
	_ =	swait.ge [sflag:s1], $0x1F40  }
0x53: {  	s25 =	rddreg [dreg:$0x6];
	[sflag:s1] =	ssyncset.done $0x0  }
0x54: {  	s28 =	rddreg [dreg:$0x1c];
	s0 =	sadd.s32 s25, s8;
	[sflag:s1] =	ssyncadd.s32 $0xFFFFE0C0  }
0x55: {  	s0 =	sshrl.u32 s0, $0x3;
	s26 =	rddreg [dreg:$0x1]  }
0x56: {  	s11 =	sshrl.u32 s28, $0x3;
	s8 =	sadd.s32 s26, s0  }
0x57: {  	[hbm:s8], [sflag:s6] =	dma.local [spmem:s11], $0x640  }
0x58: {  	s17 =	sadd.s32 $0x1, s17;
	_ =	swait.ge [sflag:s1], $0x640  }
0x59: {  	p0 =	sne.s32 s17, $0x4;
	[sflag:s1] =	ssyncset.done $0x0;
	s29 =	rddreg [dreg:$0x5]  }
0x5a: {  	s30 =	rddreg [dreg:$0x1f];
	[sflag:s1] =	ssyncadd.s32 $0xFFFFF9C0;
	s0 =	sadd.s32 s29, s0  }
0x5b: {  	[hbm:s0], [sflag:s6] =	dma.local [spmem:s30], $0x640  }
.Ltmp1:
0x5c: {  	_ =	swait.ge [sflag:s1], $0x640;
	(pc) =	sbr.rel @!p0 .LBB2_12-.Ltmp1, $3  }
0x5d: {  	[sflag:s1] =	ssyncset.done $0x0  }
0x5e: {  	[sflag:s1] =	ssyncadd.s32 $0xFFFFF9C0  }
0x5f: {  	[bflag:$0x0] =	sbarrier.arrive $0xFFFF;
	_ =	sdelay $0x1  }
.LBB2_2:
0x60: {  	s0 =	simm.s32 $0x40;
	s13 =	simm.s32 $0x0  }
.LBB2_3:
0x61: {  	p0 =	sne.s32 s0, $0x63C0;
	[tilespmem:s13+$0x4500] =	vst v0;
	s13 =	smov.u32 s0;
	s0 =	sadd.s32 $0x40, s0  }
.Ltmp2:
0x62: {  	(pc) =	sbr.rel @p0 .LBB2_3-.Ltmp2, $2  }
0x63: {  	_ =	sdelay $0x2  }
0x64: {  	s13 =	sshra.s32 s13, $0x2  }
0x65: {  	[tilespmem:s13+$0x4500] =	vst v0;
	s0 =	rddreg [dreg:$0x7]  }
0x66: {  	[spmem:s0] =	stream.linear.scatter [tilespmem:s2], [sflag:$0x5], $0x1900, $0x38;
	[tilespmem:$0x1D500] =	vst v63  }
0x67: {  	_ =	swait.ge [sflag:s1], $0x1900  }
0x68: {  	s21 =	sld [smem:$0x7E6]  }
0x69: {  	[sflag:s1] =	ssyncset.done $0x0  }
0x6a: {  	[sflag:s1] =	ssyncadd.s32 $0xFFFFE700  }
0x6b: {  	[spmem:s21] =	stream.linear.scatter [tilespmem:s2], [sflag:$0x5], $0x1900, $0x38;
	[tilespmem:$0x1D500] =	vst v63  }
0x6c: {  	_ =	swait.ge [sflag:s1], $0x1900  }
0x6d: {  	s22 =	sld [smem:$0x7E7]  }
0x6e: {  	[sflag:s1] =	ssyncset.done $0x0  }
0x6f: {  	[sflag:s1] =	ssyncadd.s32 $0xFFFFE700  }
0x70: {  	[spmem:s22] =	stream.linear.scatter [tilespmem:s2], [sflag:$0x5], $0x1900, $0x38;
	[tilespmem:$0x1D500] =	vst v63  }
0x71: {  	_ =	swait.ge [sflag:s1], $0x1900  }
0x72: {  	s23 =	sld [smem:$0x7E8]  }
0x73: {  	[sflag:s1] =	ssyncset.done $0x0  }
0x74: {  	[sflag:s1] =	ssyncadd.s32 $0xFFFFE700  }
0x75: {  	[spmem:s23] =	stream.linear.scatter [tilespmem:s2], [sflag:$0x5], $0x1900, $0x38;
	[tilespmem:$0x1D500] =	vst v63  }
0x76: {  	_ =	swait.ge [sflag:s1], $0x1900  }
0x77: {  	s24 =	sld [smem:$0x7E9]  }
0x78: {  	[sflag:s1] =	ssyncset.done $0x0  }
0x79: {  	[sflag:s1] =	ssyncadd.s32 $0xFFFFE700  }
0x7a: {  	[spmem:s24] =	stream.linear.scatter [tilespmem:s2], [sflag:$0x5], $0x1900, $0x38;
	[tilespmem:$0x1D500] =	vst v63  }
0x7b: {  	_ =	swait.ge [sflag:s1], $0x1900  }
0x7c: {  	s25 =	sld [smem:$0x7EA]  }
0x7d: {  	[sflag:s1] =	ssyncset.done $0x0  }
0x7e: {  	[sflag:s1] =	ssyncadd.s32 $0xFFFFE700  }
0x7f: {  	[spmem:s25] =	stream.linear.scatter [tilespmem:s2], [sflag:$0x5], $0x1900, $0x38;
	[tilespmem:$0x1D500] =	vst v63  }
0x80: {  	_ =	swait.ge [sflag:s1], $0x1900  }
0x81: {  	s26 =	sld [smem:$0x7EB]  }
0x82: {  	[sflag:s1] =	ssyncset.done $0x0  }
0x83: {  	[sflag:s1] =	ssyncadd.s32 $0xFFFFE700  }
0x84: {  	[spmem:s26] =	stream.linear.scatter [tilespmem:s2], [sflag:$0x5], $0x1900, $0x38;
	[tilespmem:$0x1D500] =	vst v63  }
0x85: {  	_ =	swait.ge [sflag:s1], $0x1900  }
0x86: {  	s28 =	sld [smem:$0x7EC]  }
0x87: {  	[sflag:s1] =	ssyncset.done $0x0  }
0x88: {  	[sflag:s1] =	ssyncadd.s32 $0xFFFFE700  }
0x89: {  	[spmem:s28] =	stream.linear.scatter [tilespmem:s2], [sflag:$0x5], $0x1900, $0x38;
	[tilespmem:$0x1D500] =	vst v63  }
0x8a: {  	_ =	swait.ge [sflag:s1], $0x1900  }
0x8b: {  	s29 =	sld [smem:$0x7ED]  }
0x8c: {  	[sflag:s1] =	ssyncset.done $0x0  }
0x8d: {  	[sflag:s1] =	ssyncadd.s32 $0xFFFFE700  }
0x8e: {  	[spmem:s29] =	stream.linear.scatter [tilespmem:s2], [sflag:$0x5], $0x1900, $0x38;
	[tilespmem:$0x1D500] =	vst v63  }
0x8f: {  	_ =	swait.ge [sflag:s1], $0x1900  }
0x90: {  	s30 =	sld [smem:$0x7EE]  }
0x91: {  	[sflag:s1] =	ssyncset.done $0x0  }
0x92: {  	[sflag:s1] =	ssyncadd.s32 $0xFFFFE700  }
0x93: {  	[spmem:s30] =	stream.linear.scatter [tilespmem:s2], [sflag:$0x5], $0x1900, $0x38;
	[tilespmem:$0x1D500] =	vst v63  }
0x94: {  	_ =	swait.ge [sflag:s1], $0x1900  }
0x95: {  	s6 =	sld [smem:$0x7EF]  }
0x96: {  	[sflag:s1] =	ssyncset.done $0x0  }
0x97: {  	[sflag:s1] =	ssyncadd.s32 $0xFFFFE700  }
0x98: {  	[spmem:s6] =	stream.linear.scatter [tilespmem:s2], [sflag:$0x5], $0x1900, $0x38;
	[tilespmem:$0x1D500] =	vst v63  }
0x99: {  	_ =	swait.ge [sflag:s1], $0x1900  }
0x9a: {  	s8 =	sld [smem:$0x7F0]  }
0x9b: {  	[sflag:s1] =	ssyncset.done $0x0  }
0x9c: {  	[sflag:s1] =	ssyncadd.s32 $0xFFFFE700  }
0x9d: {  	[spmem:s8] =	stream.linear.scatter [tilespmem:s2], [sflag:$0x5], $0x1900, $0x38;
	[tilespmem:$0x1D500] =	vst v63  }
0x9e: {  	_ =	swait.ge [sflag:s1], $0x1900  }
0x9f: {  	s11 =	sld [smem:$0x7F1]  }
0xa0: {  	[sflag:s1] =	ssyncset.done $0x0  }
0xa1: {  	[sflag:s1] =	ssyncadd.s32 $0xFFFFE700  }
0xa2: {  	[spmem:s11] =	stream.linear.scatter [tilespmem:s2], [sflag:$0x5], $0x1900, $0x38;
	[tilespmem:$0x1D500] =	vst v63  }
0xa3: {  	_ =	swait.ge [sflag:s1], $0x1900  }
0xa4: {  	s6 =	sld [smem:$0x7F2]  }
0xa5: {  	[sflag:s1] =	ssyncset.done $0x0;
	s13 =	sld [smem:$0x7E0]  }
0xa6: {  	s12 =	smul.u32 $0x500, s17;
	[sflag:s1] =	ssyncadd.s32 $0xFFFFE700  }
0xa7: {  	[spmem:s6] =	stream.linear.scatter [tilespmem:s2], [sflag:$0x5], $0x1900, $0x38;
	[tilespmem:$0x1D500] =	vst v63  }
0xa8: {  	s22 =	sadd.s32 s13, s12  }
0xa9: {  	s0 =	smul.u32 $0x320, s22;
	_ =	swait.ge [sflag:s1], $0x1900  }
0xaa: {  	[sflag:s1] =	ssyncset.done $0x0;
	s15 =	rddreg [dreg:$0x8]  }
0xab: {  	s16 =	sadd.s32 s15, s0;
	[sflag:s1] =	ssyncadd.s32 $0xFFFFE700  }
0xac: {  	s13 =	sshrl.u32 s16, $0x3;
	[bflag:$0x0] =	sbarrier.arrive $0xFFFF  }
0xad: {  	s23 =	simm.s32 $0x0;
	s13 =	sadd.s32 s5, s13;
	s21 =	sld [smem:$0x7E1]  }
0xae: {  	[tilespmem:s23], [sflag:$0x1] =	stream.linear.gather [hbm4b:s13+s23], $0x320, $0x38;
	[tilespmem:$0x1D500] =	vst v63  }
0xaf: {  	s19 =	simm.s32 $0x320;
	s15 =	sadd.s32 $0x7D000, s13  }
0xb0: {  	[tilespmem:s19], [sflag:$0x1] =	stream.linear.gather [hbm4b:s15+s23], $0x320, $0x38;
	[tilespmem:$0x1D500] =	vst v63  }
0xb1: {  	s0 =	sadd.s32 s21, s0  }
0xb2: {  	s20 =	simm.s32 $0x640;
	s13 =	sadd.s32 $0xFA000, s13;
	s0 =	sshrl.u32 s0, $0x3  }
0xb3: {  	[tilespmem:s20], [sflag:$0x1] =	stream.linear.gather [hbm4b:s13+s23], $0x320, $0x38;
	[tilespmem:$0x1D500] =	vst v63  }
0xb4: {  	s24 =	simm.s32 $0x980;
	s26 =	simm.s32 $0xCA0;
	s0 =	sadd.s32 s5, s0  }
0xb5: {  	[tilespmem:s24], [sflag:$0x2] =	stream.linear.gather [hbm4b:s0+s23], $0x320, $0x38;
	[tilespmem:$0x1D500] =	vst v63  }
0xb6: {  	s28 =	smul.u32 $0x28, s17;
	s29 =	simm.s32 $0xFC0;
	s25 =	sadd.s32 $0x7D000, s0  }
0xb7: {  	[tilespmem:s26], [sflag:$0x2] =	stream.linear.gather [hbm4b:s25+s23], $0x320, $0x38;
	[tilespmem:$0x1D500] =	vst v63  }
0xb8: {  	s30 =	sadd.s32 $0x98, s28;
	s0 =	sadd.s32 $0xFA000, s0;
	s24 =	simm.s32 $0x0  }
0xb9: {  	v2 =	vmov s30;
	[tilespmem:s29], [sflag:$0x2] =	stream.linear.gather [hbm4b:s0+s23], $0x320, $0x38;
	[tilespmem:$0x1D500] =	vst v63  }
.LBB2_5:
0xba: {  	_ =	swait.ge [sflag:s10], $0x320  }
0xbb: {  	[sflag:s10] =	ssyncset.done $0x0  }
0xbc: {  	[sflag:s10] =	ssyncadd.s32 $0xFFFFFCE0  }
0xbd: {  	_ =	swait.ge [sflag:s10], $0x320  }
0xbe: {  	[sflag:s10] =	ssyncset.done $0x0  }
0xbf: {  	[sflag:s10] =	ssyncadd.s32 $0xFFFFFCE0  }
0xc0: {  	_ =	swait.ge [sflag:s10], $0x320  }
0xc1: {  	p1 =	seq.s32 s24, $0x0;
	[sflag:s10] =	ssyncset.done $0x0  }
0xc2: {  	s0 =	simm.s32 @!p1 $0x3;
	[sflag:s10] =	ssyncadd.s32 $0xFFFFFCE0  }
0xc3: {  	s25 =	sshll.u32 s24, $0x1;
	_ =	swait.ge @!p1 [sflag:s0], $0x1900  }
0xc4: {  	s13 =	simm.s32 $0x330;
	s26 =	sadd.s32 s22, s25;
	[sflag:s0] =	ssyncset.done @!p1 $0x0  }
0xc5: {  	s11 =	simm.s32 $0x0;
	s15 =	sshrl.u32 s26, $0x5;
	[sflag:s0] =	ssyncadd.s32 @!p1 $0xFFFFE700  }
0xc6: {  	s6 =	sand.u32 $0x1E, s26;
	s8 =	scvt.s32.f32 s15;
	s15 =	smul.u32 $0xA0, s11;
	v4 =	vld [tilespmem:s13+$0x0]  }
0xc7: {  	s28 =	smul.u32 $0x5, s6;
	v6 =	vld [tilespmem:s13+$0xFFFFFFF0]  }
0xc8: {  	s15 =	ssub.s32 $0x0, s15;
	v8 =	vld [tilespmem:s13+$0x320]  }
0xc9: {  	s20 =	sadd.s32 $0x0, s28;
	s16 =	sadd.s32 $0x10, s15;
	v5 =	vld [tilespmem:s13+$0xFFFFFCE0]  }
0xca: {  	s21 =	sadd.s32 $0x0, s28;
	s20 =	scvt.s32.f32 s20;
	v11 =	vor.u32 s16, v1  }
0xcb: {  	s19 =	simm.s32 $0x0;
	s12 =	scvt.s32.f32 s21;
	v11 =	vcvt.s32.f32 v11  }
0xcc: {  	s19 =	smul.u32 $0xFFFFFF60, s19;
	v7 =	vld [tilespmem:s13+$0xFFFFFCD0];
	v4 =	vadd.f32 s20, v4  }
0xcd: {  	v3 =	vmov s8;
	v9 =	vld [tilespmem:s13+$0x310];
	v6 =	vadd.f32 s12, v6;
	v8 =	vadd.f32 v11, v8  }
0xce: {  	s19 =	sadd.s32 $0x0, s19;
	v5 =	vadd.f32 v5, v3;
	v4 =	vadd.f32 $1.600000000e+02, v4  }
0xcf: {  	v10 =	vor.u32 s19, v1;
	v6 =	vadd.f32 $1.600000000e+02, v6;
	v8 =	vadd.f32 $1.600000000e+02, v8  }
0xd0: {  	v10 =	vcvt.s32.f32 v10;
	v5 =	vadd.f32 $1.600000000e+02, v5;
	v11 =	vtrunc.f32 v4  }
0xd1: {  	v7 =	vadd.f32 v7, v3;
	v12 =	vtrunc.f32 v6;
	v14 =	vtrunc.f32 v8  }
0xd2: {  	v9 =	vadd.f32 v10, v9;
	v10 =	vcvt.f32.s32 v11;
	v11 =	vtrunc.f32 v5  }
0xd3: {  	v7 =	vadd.f32 $1.600000000e+02, v7;
	v14 =	vcvt.f32.s32 v14;
	v12 =	vcvt.f32.s32 v12  }
0xd4: {  	v9 =	vadd.f32 $1.600000000e+02, v9;
	v11 =	vcvt.f32.s32 v11;
	v13 =	vcvt.s32.f32 v10  }
0xd5: {  	vm0 =	vgt.s32 v10, $0x13F;
	v16 =	vadd.s32 $0xFFFFFEC0, v10;
	vm7 =	vgt.s32 v14, $0x13F  }
0xd6: {  	v17 =	vadd.s32 $0xFFFFFEC0, v14;
	vm11 =	vgt.s32 v12, $0x13F;
	v58 =	vadd.s32 $0xFFFFFEC0, v12  }
0xd7: {  	v15 =	vcvt.s32.f32 v11;
	v11 =	vsub.s32 v11, v2;
	v10 =	vsel vm0, v16, v10  }
0xd8: {  	vm1 =	vgt.s32 v11, $0x0;
	v4 =	vsub.f32 v4, v13;
	vm0 =	vgt.s32 v10, $0x9F  }
0xd9: {  	v13 =	vcvt.s32.f32 v14;
	v14 =	vsel vm7, v17, v14;
	v11 =	vnsel vm1, $0x0, v11  }
0xda: {  	v5 =	vsub.f32 v5, v15;
	v15 =	vadd.s32 $0xFFFFFF60, v10;
	vm8 =	vgt.s32 v14, $0x9F  }
0xdb: {  	v16 =	vmin.u32 v11, $0x37;
	v10 =	vsel vm0, v15, v10;
	v17 =	vsub.f32 $1.000000000e+00, v4  }
0xdc: {  	v8 =	vsub.f32 v8, v13;
	v13 =	vadd.s32 $0xFFFFFF60, v14;
	v11 =	vmin.u32 v11, $0x36  }
0xdd: {  	v15 =	vadd.s32 $0xFFFFFF61, v10;
	v16 =	vmul.u32 $0x6400, v16;
	v18 =	vmul.u32 $0xA0, v10  }
0xde: {  	v19 =	vsub.f32 $1.000000000e+00, v5;
	v10 =	vadd.s32 $0x1, v10;
	v13 =	vsel vm8, v13, v14  }
0xdf: {  	v11 =	vmul.u32 $0x6400, v11;
	vm9 =	vgt.s32 v10, $0x9F;
	v14 =	vsub.f32 $1.000000000e+00, v8  }
0xe0: {  	v22 =	vadd.s32 $0x1, v13;
	v23 =	vadd.s32 $0xFFFFFF61, v13;
	v20 =	vadd.s32 v16, v18  }
0xe1: {  	v21 =	vmul.f32 v17, v19;
	v10 =	vsel vm9, v15, v10;
	v19 =	vmul.f32 v4, v19  }
0xe2: {  	vm10 =	vgt.s32 v22, $0x9F;
	v17 =	vmul.f32 v17, v5;
	v4 =	vmul.f32 v4, v5  }
0xe3: {  	v5 =	vtrunc.f32 v7;
	v11 =	vadd.s32 $0x6400, v11;
	v15 =	vadd.s32 v13, v20  }
0xe4: {  	v22 =	vsel vm10, v23, v22;
	v10 =	vmul.u32 $0xA0, v10;
	v23 =	vsel vm11, v58, v12  }
0xe5: {  	v5 =	vcvt.f32.s32 v5;
	v12 =	vcvt.s32.f32 v12;
	v18 =	vadd.s32 v11, v18  }
0xe6: {  	v24 =	vmul.f32 v14, v21;
	v20 =	vadd.s32 v20, v22;
	v21 =	vmul.f32 v21, v8  }
0xe7: {  	s29 =	simm.s32 $0x22A0;
	vm0 =	vgt.s32 v23, $0x9F;
	v25 =	vadd.s32 $0xFFFFFF60, v23;
	v26 =	vmul.f32 v14, v19  }
0xe8: {  	v19 =	vmul.f32 v8, v19;
	[tilespmem:s29+$0xFFFFF070] =	vst v15;
	v15 =	vadd.s32 v13, v18;
	v18 =	vadd.s32 v18, v22  }
0xe9: {  	v60 =	vmul.f32 v14, v4;
	v61 =	vmul.f32 v8, v4;
	v16 =	vadd.s32 v16, v10  }
0xea: {  	v23 =	vsel vm0, v25, v23;
	v10 =	vadd.s32 v11, v10;
	v11 =	vcvt.s32.f32 v5  }
0xeb: {  	s30 =	simm.s32 $0x54A0;
	v12 =	vsub.f32 v6, v12;
	v6 =	vtrunc.f32 v9;
	v5 =	vsub.s32 v5, v2  }
0xec: {  	v59 =	vadd.s32 v13, v16;
	v16 =	vadd.s32 v22, v16;
	[tilespmem:s30+$0xFFFFF070] =	vst v24;
	v6 =	vcvt.f32.s32 v6  }
0xed: {  	v13 =	vadd.s32 v13, v10;
	v10 =	vadd.s32 v22, v10;
	vm13 =	vgt.s32 v5, $0x0;
	[tilespmem:s29+$0xFFFFF390] =	vst v20  }
0xee: {  	v7 =	vsub.f32 v7, v11;
	v11 =	vmul.f32 v14, v17;
	v17 =	vmul.f32 v17, v8;
	[tilespmem:s30+$0xFFFFF390] =	vst v21  }
0xef: {  	v14 =	vcvt.s32.f32 v6;
	vm12 =	vgt.s32 v6, $0x13F;
	v4 =	vadd.s32 $0xFFFFFEC0, v6;
	[tilespmem:s29+$0xFFFFF6B0] =	vst v59  }
0xf0: {  	v8 =	vadd.s32 $0x1, v23;
	v62 =	vnsel vm13, $0x0, v5;
	v6 =	vsel vm12, v4, v6;
	[tilespmem:s30+$0xFFFFF6B0] =	vst v26  }
0xf1: {  	s21 =	simm.s32 $0x10;
	vm14 =	vgt.s32 v8, $0x9F;
	v4 =	vsub.f32 v9, v14;
	vm0 =	vgt.s32 v6, $0x9F;
	[tilespmem:s29+$0xFFFFF9D0] =	vst v16  }
0xf2: {  	s0 =	sand.u32 $0x3F0, s21;
	v5 =	vadd.s32 $0xFFFFFF60, v6;
	v9 =	vadd.s32 $0xFFFFFF61, v23;
	v14 =	vsub.f32 $1.000000000e+00, v7;
	[tilespmem:s30+$0xFFFFF9D0] =	vst v19  }
0xf3: {  	v16 =	vsub.f32 $1.000000000e+00, v12;
	v8 =	vsel vm14, v9, v8;
	v9 =	vmin.u32 v62, $0x36;
	[tilespmem:s0+$0x1F80] =	vst v15  }
0xf4: {  	v5 =	vsel vm0, v5, v6;
	v9 =	vmul.u32 $0x6400, v9;
	v19 =	vmul.u32 $0xA0, v8;
	[tilespmem:s0+$0x5180] =	vst v11  }
0xf5: {  	v6 =	vsub.f32 $1.000000000e+00, v4;
	v8 =	vmul.f32 v12, v7;
	v11 =	vmin.u32 v62, $0x37;
	[tilespmem:s29+$0x10] =	vst v18  }
0xf6: {  	v63 =	vmul.f32 v16, v14;
	v14 =	vmul.f32 v12, v14;
	v18 =	vadd.s32 $0x1, v5;
	[tilespmem:s30+$0x10] =	vst v17  }
0xf7: {  	v15 =	vmul.u32 $0x6400, v11;
	v11 =	vmul.f32 v16, v7;
	v7 =	vadd.s32 $0xFFFFFF61, v5;
	[tilespmem:s29+$0x330] =	vst v13  }
0xf8: {  	v12 =	vadd.s32 $0x6400, v9;
	v17 =	vmul.u32 $0xA0, v23;
	vm15 =	vgt.s32 v18, $0x9F;
	[tilespmem:s30+$0x330] =	vst v60  }
0xf9: {  	s19 =	simm.s32 $0x199A;
	s15 =	simm.s32 $0x0;
	s21 =	simm.s32 $0x3334;
	v9 =	vadd.s32 v12, v19;
	v7 =	vsel vm15, v7, v18;
	v16 =	vadd.s32 v15, v19;
	[tilespmem:s29+$0x650] =	vst v10  }
0xfa: {  	s13 =	simm.s32 $0x350;
	s20 =	simm.s32 $0x0;
	s0 =	sand.u32 $0x3E0, s23;
	v13 =	vmul.f32 v6, v63;
	v12 =	vadd.s32 v12, v17;
	v10 =	vmul.f32 v63, v4;
	[tilespmem:s30+$0x650] =	vst v61  }
.LBB2_6:
0xfb: {  	s16 =	sshrl.u32 s21, $0x10;
	s6 =	sadd.s32 $0x199A, s21;
	v18 =	vld [tilespmem:s13+$0x0];
	v15 =	vadd.s32 v15, v17;
	v17 =	vmul.f32 v6, v14;
	v14 =	vmul.f32 v4, v14;
	s19 =	sadd.s32 $0x3334, s19  }
0xfc: {  	v20 =	vadd.s32 v5, v16;
	v21 =	vmul.f32 v6, v11;
	v11 =	vmul.f32 v11, v4;
	s8 =	smul.u32 $0xFFFFFF60, s16;
	s11 =	sshrl.u32 s19, $0x10;
	s6 =	sshrl.u32 s6, $0x10;
	v19 =	vld [tilespmem:s13+$0xFFFFFCE0]  }
0xfd: {  	v16 =	vadd.s32 v7, v16;
	v23 =	vmul.f32 v6, v8;
	v8 =	vmul.f32 v4, v8;
	s16 =	sadd.s32 s28, s16;
	s11 =	smul.u32 $0xA0, s11;
	v22 =	vld [tilespmem:s13+$0xFFFFFFF0];
	s6 =	sadd.s32 s28, s6  }
0xfe: {  	v24 =	vadd.s32 v5, v9;
	v9 =	vadd.s32 v7, v9;
	s15 =	sadd.s32 $0x20, s15;
	v6 =	vadd.s32 v15, v7;
	s16 =	scvt.s32.f32 s16;
	v4 =	vld [tilespmem:s13+$0xFFFFFCD0];
	s6 =	scvt.s32.f32 s6  }
0xff: {  	v26 =	vadd.s32 v5, v12;
	s12 =	sand.u32 $0x3E0, s15;
	v15 =	vadd.s32 v5, v15;
	v7 =	vadd.s32 v12, v7;
	s8 =	sadd.s32 s8, s15;
	v25 =	vld [tilespmem:s13+$0x320];
	s11 =	ssub.s32 s15, s11  }
0x100: {  	v5 =	vor.u32 s8, v1;
	v12 =	vld [tilespmem:s13+$0x310];
	s8 =	sadd.s32 $0x10, s11;
	v18 =	vadd.f32 s6, v18;
	[tilespmem:s29+$0xFFFFF060] =	vst v15  }
0x101: {  	v15 =	vcvt.s32.f32 v5;
	v5 =	vor.u32 s8, v1;
	v19 =	vadd.f32 v19, v3;
	[tilespmem:s30+$0xFFFFF060] =	vst v13  }
0x102: {  	v13 =	vadd.f32 s16, v22;
	v22 =	vcvt.s32.f32 v5;
	v18 =	vadd.f32 $1.600000000e+02, v18;
	[tilespmem:s29+$0xFFFFF380] =	vst v6  }
0x103: {  	v4 =	vadd.f32 v4, v3;
	v19 =	vadd.f32 $1.600000000e+02, v19;
	[tilespmem:s30+$0xFFFFF380] =	vst v10  }
0x104: {  	v5 =	vadd.f32 $1.600000000e+02, v13;
	v10 =	vadd.f32 v22, v25;
	v6 =	vtrunc.f32 v18;
	[tilespmem:s29+$0xFFFFF6A0] =	vst v20  }
0x105: {  	v12 =	vadd.f32 v15, v12;
	v13 =	vcvt.f32.s32 v6;
	v15 =	vtrunc.f32 v19;
	[tilespmem:s30+$0xFFFFF6A0] =	vst v17  }
0x106: {  	v6 =	vadd.f32 $1.600000000e+02, v4;
	v10 =	vadd.f32 $1.600000000e+02, v10;
	v15 =	vcvt.f32.s32 v15;
	[tilespmem:s29+$0xFFFFF9C0] =	vst v16  }
0x107: {  	v4 =	vadd.f32 $1.600000000e+02, v12;
	v12 =	vtrunc.f32 v5;
	v16 =	vcvt.s32.f32 v13;
	[tilespmem:s30+$0xFFFFF9C0] =	vst v14  }
0x108: {  	v14 =	vtrunc.f32 v10;
	v17 =	vcvt.s32.f32 v15;
	v15 =	vsub.s32 v15, v2;
	[tilespmem:s0+$0x1F80] =	vst v26  }
0x109: {  	vm0 =	vgt.s32 v13, $0x13F;
	v20 =	vadd.s32 $0xFFFFFEC0, v13;
	vm1 =	vgt.s32 v15, $0x0;
	[tilespmem:s0+$0x5180] =	vst v21;
	s0 =	smov.u32 s12  }
0x10a: {  	v13 =	vsel vm0, v20, v13;
	v14 =	vcvt.f32.s32 v14;
	v15 =	vnsel vm1, $0x0, v15;
	[tilespmem:s29+$0x0] =	vst v7  }
0x10b: {  	vm0 =	vgt.s32 v13, $0x9F;
	v7 =	vsub.f32 v18, v16;
	v16 =	vsub.f32 v19, v17;
	[tilespmem:s30+$0x0] =	vst v11  }
0x10c: {  	v17 =	vadd.s32 $0xFFFFFF60, v13;
	v11 =	vcvt.s32.f32 v14;
	v18 =	vmin.u32 v15, $0x37;
	[tilespmem:s29+$0x320] =	vst v24  }
0x10d: {  	s20 =	sadd.s32 $0x2, s20;
	vm1 =	vgt.s32 v14, $0x13F;
	v19 =	vadd.s32 $0xFFFFFEC0, v14;
	v13 =	vsel vm0, v17, v13;
	[tilespmem:s30+$0x320] =	vst v23  }
0x10e: {  	p0 =	slt.u32 s20, $0x30;
	v17 =	vadd.s32 $0xFFFFFF61, v13;
	v18 =	vmul.u32 $0x6400, v18;
	v20 =	vmul.u32 $0xA0, v13;
	[tilespmem:s29+$0x640] =	vst v9  }
0x10f: {  	v9 =	vsel vm1, v19, v14;
	v14 =	vsub.f32 $1.000000000e+00, v7;
	v19 =	vsub.f32 $1.000000000e+00, v16;
	[tilespmem:s30+$0x640] =	vst v8  }
0x110: {  	v8 =	vsub.f32 v10, v11;
	vm0 =	vgt.s32 v9, $0x9F;
	v10 =	vadd.s32 $0x1, v13  }
0x111: {  	v11 =	vadd.s32 $0xFFFFFF60, v9;
	v13 =	vadd.s32 v18, v20;
	vm1 =	vgt.s32 v10, $0x9F  }
0x112: {  	v9 =	vsel vm0, v11, v9;
	v21 =	vmul.f32 v14, v19;
	v11 =	vsub.f32 $1.000000000e+00, v8  }
0x113: {  	v22 =	vadd.s32 $0x1, v9;
	v10 =	vsel vm1, v17, v10;
	v17 =	vadd.s32 v9, v13  }
0x114: {  	s29 =	sadd.s32 $0x20, s29;
	v23 =	vadd.s32 $0xFFFFFF61, v9;
	vm0 =	vgt.s32 v22, $0x9F;
	v24 =	vmul.f32 v11, v21  }
0x115: {  	v15 =	vmin.u32 v15, $0x36;
	s30 =	sadd.s32 $0x20, s30;
	v10 =	vmul.u32 $0xA0, v10;
	v22 =	vsel vm0, v23, v22;
	[tilespmem:s29+$0xFFFFF070] =	vst v17  }
0x116: {  	v13 =	vadd.s32 v13, v22;
	v17 =	vmul.f32 v7, v19;
	v19 =	vmul.f32 v21, v8;
	[tilespmem:s30+$0xFFFFF070] =	vst v24  }
0x117: {  	v12 =	vcvt.f32.s32 v12;
	v15 =	vmul.u32 $0x6400, v15;
	v18 =	vadd.s32 v18, v10;
	[tilespmem:s29+$0xFFFFF390] =	vst v13  }
0x118: {  	v13 =	vtrunc.f32 v6;
	v21 =	vmul.f32 v11, v17;
	[tilespmem:s30+$0xFFFFF390] =	vst v19;
	v19 =	vadd.s32 v9, v18  }
0x119: {  	v15 =	vadd.s32 $0x6400, v15;
	vm0 =	vgt.s32 v12, $0x13F;
	v13 =	vcvt.f32.s32 v13;
	[tilespmem:s29+$0xFFFFF6B0] =	vst v19  }
0x11a: {  	v14 =	vmul.f32 v14, v16;
	v17 =	vmul.f32 v8, v17;
	v18 =	vadd.s32 v22, v18;
	[tilespmem:s30+$0xFFFFF6B0] =	vst v21  }
0x11b: {  	s6 =	sadd.s32 $0x10, s15;
	v20 =	vadd.s32 v15, v20;
	v19 =	vtrunc.f32 v4;
	v21 =	vadd.s32 $0xFFFFFEC0, v12;
	[tilespmem:s29+$0xFFFFF9D0] =	vst v18  }
0x11c: {  	s6 =	sand.u32 $0x3F0, s6;
	v18 =	vsel vm0, v21, v12;
	v21 =	vmul.f32 v11, v14;
	[tilespmem:s30+$0xFFFFF9D0] =	vst v17;
	v17 =	vadd.s32 v9, v20  }
0x11d: {  	v19 =	vcvt.f32.s32 v19;
	v12 =	vcvt.s32.f32 v12;
	vm0 =	vgt.s32 v18, $0x9F;
	[tilespmem:s6+$0x1F80] =	vst v17  }
0x11e: {  	v7 =	vmul.f32 v7, v16;
	v16 =	vadd.s32 v20, v22;
	v14 =	vmul.f32 v14, v8;
	[tilespmem:s6+$0x5180] =	vst v21  }
0x11f: {  	v10 =	vadd.s32 v15, v10;
	v20 =	vadd.s32 $0xFFFFFF60, v18;
	v17 =	vcvt.s32.f32 v13;
	[tilespmem:s29+$0x10] =	vst v16  }
0x120: {  	v11 =	vmul.f32 v11, v7;
	v9 =	vadd.s32 v9, v10;
	v13 =	vsub.s32 v13, v2;
	[tilespmem:s30+$0x10] =	vst v14  }
0x121: {  	v12 =	vsub.f32 v5, v12;
	v16 =	vsel vm0, v20, v18;
	v14 =	vcvt.s32.f32 v19;
	[tilespmem:s29+$0x330] =	vst v9  }
0x122: {  	v5 =	vadd.s32 v22, v10;
	v9 =	vsub.f32 v6, v17;
	v6 =	vmul.f32 v8, v7;
	[tilespmem:s30+$0x330] =	vst v11  }
0x123: {  	vm1 =	vgt.s32 v13, $0x0;
	vm0 =	vgt.s32 v19, $0x13F;
	v7 =	vadd.s32 $0xFFFFFEC0, v19;
	[tilespmem:s29+$0x650] =	vst v5  }
0x124: {  	v8 =	vnsel vm1, $0x0, v13;
	v5 =	vsel vm0, v7, v19;
	v7 =	vadd.s32 $0x1, v16;
	[tilespmem:s30+$0x650] =	vst v6  }
0x125: {  	v4 =	vsub.f32 v4, v14;
	vm0 =	vgt.s32 v5, $0x9F;
	vm1 =	vgt.s32 v7, $0x9F  }
0x126: {  	v10 =	vadd.s32 $0xFFFFFF61, v16;
	v11 =	vsub.f32 $1.000000000e+00, v12;
	v6 =	vadd.s32 $0xFFFFFF60, v5  }
0x127: {  	v13 =	vsub.f32 $1.000000000e+00, v9;
	v7 =	vsel vm1, v10, v7;
	v10 =	vmin.u32 v8, $0x36  }
0x128: {  	v5 =	vsel vm0, v6, v5;
	v8 =	vmin.u32 v8, $0x37;
	v10 =	vmul.u32 $0x6400, v10  }
0x129: {  	v6 =	vsub.f32 $1.000000000e+00, v4;
	v18 =	vadd.s32 $0x1, v5;
	v19 =	vmul.u32 $0xA0, v7  }
.Ltmp3:
0x12a: {  	v20 =	vmul.f32 v11, v13;
	v14 =	vmul.f32 v12, v13;
	v15 =	vmul.u32 $0x6400, v8;
	(pc) =	sbr.rel @p0 .LBB2_6-.Ltmp3, $4  }
0x12b: {  	v17 =	vmul.u32 $0xA0, v16;
	v11 =	vmul.f32 v11, v9;
	v8 =	vmul.f32 v12, v9  }
0x12c: {  	v7 =	vadd.s32 $0xFFFFFF61, v5;
	vm0 =	vgt.s32 v18, $0x9F;
	v10 =	vadd.s32 $0x6400, v10  }
0x12d: {  	v7 =	vsel vm0, v7, v18;
	v16 =	vadd.s32 v15, v19;
	v9 =	vadd.s32 v10, v19  }
0x12e: {  	s21 =	sadd.s32 $0x3334, s21;
	s13 =	sadd.s32 $0x20, s13;
	v13 =	vmul.f32 v6, v20;
	v12 =	vadd.s32 v10, v17;
	v10 =	vmul.f32 v20, v4  }
0x12f: {  	v3 =	vadd.s32 v15, v17  }
0x130: {  	v15 =	vadd.s32 v5, v3  }
0x131: {  	[tilespmem:s29+$0xFFFFF060] =	vst v15  }
0x132: {  	v3 =	vadd.s32 v3, v7;
	[tilespmem:s30+$0xFFFFF060] =	vst v13  }
0x133: {  	[tilespmem:s29+$0xFFFFF380] =	vst v3  }
0x134: {  	v13 =	vadd.s32 v5, v16;
	v3 =	vmul.f32 v6, v14;
	[tilespmem:s30+$0xFFFFF380] =	vst v10  }
0x135: {  	[tilespmem:s29+$0xFFFFF6A0] =	vst v13  }
0x136: {  	v10 =	vmul.f32 v4, v14;
	v13 =	vadd.s32 v7, v16;
	[tilespmem:s30+$0xFFFFF6A0] =	vst v3  }
0x137: {  	[tilespmem:s29+$0xFFFFF9C0] =	vst v13  }
0x138: {  	v3 =	vmul.f32 v6, v11;
	v13 =	vadd.s32 v5, v12;
	[tilespmem:s30+$0xFFFFF9C0] =	vst v10  }
0x139: {  	[tilespmem:s0+$0x1F80] =	vst v13  }
0x13a: {  	v10 =	vmul.f32 v11, v4;
	v11 =	vadd.s32 v12, v7;
	[tilespmem:s0+$0x5180] =	vst v3  }
0x13b: {  	p0 =	seq.s32 s24, $0x27;
	[tilespmem:s29+$0x0] =	vst v11  }
0x13c: {  	v5 =	vadd.s32 v5, v9;
	v3 =	vmul.f32 v6, v8;
	s0 =	smul.u32 @!p0 $0x320, s26;
	[tilespmem:s30+$0x0] =	vst v10  }
0x13d: {  	[tilespmem:s29+$0x320] =	vst v5  }
0x13e: {  	v4 =	vmul.f32 v4, v8;
	s0 =	sadd.s32 @!p0 s0, s18;
	v5 =	vadd.s32 v7, v9;
	[tilespmem:s30+$0x320] =	vst v3  }
0x13f: {  	s0 =	sshrl.u32 @!p0 s0, $0x3;
	[tilespmem:s29+$0x640] =	vst v5  }
0x140: {  	s6 =	simm.s32 @!p0 $0x0;
	s0 =	sadd.s32 @!p0 s5, s0;
	[tilespmem:s30+$0x640] =	vst v4  }
0x141: {  	[tilespmem:s6], [sflag:$0x1] =	stream.linear.gather @!p0 [hbm4b:s0+s6], $0x320, $0x38;
	[tilespmem:$0x1D500] =	vst v63  }
0x142: {  	s11 =	simm.s32 @!p0 $0x320;
	s8 =	sadd.s32 @!p0 $0x7D000, s0  }
0x143: {  	[tilespmem:s11], [sflag:$0x1] =	stream.linear.gather @!p0 [hbm4b:s8+s6], $0x320, $0x38;
	[tilespmem:$0x1D500] =	vst v63  }
0x144: {  	s0 =	sadd.s32 @!p0 $0xFA000, s0;
	s8 =	simm.s32 @!p0 $0x640  }
0x145: {  	[tilespmem:s8], [sflag:$0x1] =	stream.linear.gather @!p0 [hbm4b:s0+s6], $0x320, $0x38;
	[tilespmem:$0x1D500] =	vst v63  }
0x146: {  	s15 =	simm.s32 $0x1300  }
0x147: {  	[spmem:s3] =	stream.indirect.scatter.add.f32 [tilespmem:s2], [sflag:$0x3], $0x1, s15, s7, $0xb8;
	[tilespmem:$0x1D500] =	vst v63  }
0x148: {  	_ =	swait.ge [sflag:s9], $0x320  }
0x149: {  	[sflag:s9] =	ssyncset.done $0x0  }
0x14a: {  	[sflag:s9] =	ssyncadd.s32 $0xFFFFFCE0  }
0x14b: {  	_ =	swait.ge [sflag:s9], $0x320  }
0x14c: {  	[sflag:s9] =	ssyncset.done $0x0  }
0x14d: {  	[sflag:s9] =	ssyncadd.s32 $0xFFFFFCE0  }
0x14e: {  	_ =	swait.ge [sflag:s9], $0x320  }
0x14f: {  	[sflag:s9] =	ssyncset.done $0x0  }
0x150: {  	s0 =	simm.s32 @!p1 $0x4;
	[sflag:s9] =	ssyncadd.s32 $0xFFFFFCE0  }
0x151: {  	s16 =	sor.u32 $0x1, s25;
	_ =	swait.ge @!p1 [sflag:s0], $0x1900  }
0x152: {  	s25 =	sadd.s32 s22, s16;
	[sflag:s0] =	ssyncset.done @!p1 $0x0  }
0x153: {  	s6 =	simm.s32 $0xCB0;
	s15 =	simm.s32 $0x0;
	[sflag:s0] =	ssyncadd.s32 @!p1 $0xFFFFE700  }
0x154: {  	s19 =	sand.u32 $0x1F, s25;
	s8 =	smul.u32 $0xA0, s15;
	v4 =	vld [tilespmem:s6+$0x0]  }
0x155: {  	s26 =	smul.u32 $0x5, s19;
	v6 =	vld [tilespmem:s6+$0xFFFFFFF0]  }
0x156: {  	s20 =	sshrl.u32 s25, $0x5;
	s8 =	ssub.s32 $0x0, s8;
	v8 =	vld [tilespmem:s6+$0x320]  }
0x157: {  	s21 =	scvt.s32.f32 s20;
	s12 =	sadd.s32 $0x0, s26;
	s20 =	sadd.s32 $0x10, s8;
	v5 =	vld [tilespmem:s6+$0xFFFFFCE0]  }
0x158: {  	s13 =	sadd.s32 $0x0, s26;
	s12 =	scvt.s32.f32 s12;
	v11 =	vor.u32 s20, v1  }
0x159: {  	s16 =	simm.s32 $0x0;
	s19 =	scvt.s32.f32 s13;
	v11 =	vcvt.s32.f32 v11  }
0x15a: {  	s11 =	smul.u32 $0xFFFFFF60, s16;
	v7 =	vld [tilespmem:s6+$0xFFFFFCD0];
	v4 =	vadd.f32 s12, v4  }
0x15b: {  	v3 =	vmov s21;
	v9 =	vld [tilespmem:s6+$0x310];
	v6 =	vadd.f32 s19, v6;
	v8 =	vadd.f32 v11, v8  }
0x15c: {  	s11 =	sadd.s32 $0x0, s11;
	v5 =	vadd.f32 v5, v3;
	v4 =	vadd.f32 $1.600000000e+02, v4  }
0x15d: {  	v10 =	vor.u32 s11, v1;
	v6 =	vadd.f32 $1.600000000e+02, v6;
	v8 =	vadd.f32 $1.600000000e+02, v8  }
0x15e: {  	v10 =	vcvt.s32.f32 v10;
	v5 =	vadd.f32 $1.600000000e+02, v5;
	v11 =	vtrunc.f32 v4  }
0x15f: {  	v7 =	vadd.f32 v7, v3;
	v12 =	vtrunc.f32 v6;
	v14 =	vtrunc.f32 v8  }
0x160: {  	v9 =	vadd.f32 v10, v9;
	v10 =	vcvt.f32.s32 v11;
	v11 =	vtrunc.f32 v5  }
0x161: {  	v7 =	vadd.f32 $1.600000000e+02, v7;
	v14 =	vcvt.f32.s32 v14;
	v12 =	vcvt.f32.s32 v12  }
0x162: {  	v9 =	vadd.f32 $1.600000000e+02, v9;
	v11 =	vcvt.f32.s32 v11;
	v13 =	vcvt.s32.f32 v10  }
0x163: {  	vm0 =	vgt.s32 v10, $0x13F;
	v16 =	vadd.s32 $0xFFFFFEC0, v10;
	vm7 =	vgt.s32 v14, $0x13F  }
0x164: {  	v17 =	vadd.s32 $0xFFFFFEC0, v14;
	vm11 =	vgt.s32 v12, $0x13F;
	v58 =	vadd.s32 $0xFFFFFEC0, v12  }
0x165: {  	v15 =	vcvt.s32.f32 v11;
	v11 =	vsub.s32 v11, v2;
	v10 =	vsel vm0, v16, v10  }
0x166: {  	vm1 =	vgt.s32 v11, $0x0;
	v4 =	vsub.f32 v4, v13;
	vm0 =	vgt.s32 v10, $0x9F  }
0x167: {  	v13 =	vcvt.s32.f32 v14;
	v14 =	vsel vm7, v17, v14;
	v11 =	vnsel vm1, $0x0, v11  }
0x168: {  	v5 =	vsub.f32 v5, v15;
	v15 =	vadd.s32 $0xFFFFFF60, v10;
	vm8 =	vgt.s32 v14, $0x9F  }
0x169: {  	v16 =	vmin.u32 v11, $0x37;
	v10 =	vsel vm0, v15, v10;
	v17 =	vsub.f32 $1.000000000e+00, v4  }
0x16a: {  	v8 =	vsub.f32 v8, v13;
	v13 =	vadd.s32 $0xFFFFFF60, v14;
	v11 =	vmin.u32 v11, $0x36  }
0x16b: {  	v15 =	vadd.s32 $0xFFFFFF61, v10;
	v16 =	vmul.u32 $0x6400, v16;
	v18 =	vmul.u32 $0xA0, v10  }
0x16c: {  	v19 =	vsub.f32 $1.000000000e+00, v5;
	v10 =	vadd.s32 $0x1, v10;
	v13 =	vsel vm8, v13, v14  }
0x16d: {  	v11 =	vmul.u32 $0x6400, v11;
	vm9 =	vgt.s32 v10, $0x9F;
	v14 =	vsub.f32 $1.000000000e+00, v8  }
0x16e: {  	v22 =	vadd.s32 $0x1, v13;
	v23 =	vadd.s32 $0xFFFFFF61, v13;
	v20 =	vadd.s32 v16, v18  }
0x16f: {  	v21 =	vmul.f32 v17, v19;
	v10 =	vsel vm9, v15, v10;
	v19 =	vmul.f32 v4, v19  }
0x170: {  	vm10 =	vgt.s32 v22, $0x9F;
	v17 =	vmul.f32 v17, v5;
	v4 =	vmul.f32 v4, v5  }
0x171: {  	v5 =	vtrunc.f32 v7;
	v11 =	vadd.s32 $0x6400, v11;
	v15 =	vadd.s32 v13, v20  }
0x172: {  	v22 =	vsel vm10, v23, v22;
	v10 =	vmul.u32 $0xA0, v10;
	v23 =	vsel vm11, v58, v12  }
0x173: {  	v5 =	vcvt.f32.s32 v5;
	v12 =	vcvt.s32.f32 v12;
	v18 =	vadd.s32 v11, v18  }
0x174: {  	v24 =	vmul.f32 v14, v21;
	v20 =	vadd.s32 v20, v22;
	v21 =	vmul.f32 v21, v8  }
0x175: {  	s28 =	simm.s32 $0x3BA0;
	vm0 =	vgt.s32 v23, $0x9F;
	v25 =	vadd.s32 $0xFFFFFF60, v23;
	v26 =	vmul.f32 v14, v19  }
0x176: {  	v19 =	vmul.f32 v8, v19;
	[tilespmem:s28+$0xFFFFF070] =	vst v15;
	v15 =	vadd.s32 v13, v18;
	v18 =	vadd.s32 v18, v22  }
0x177: {  	v60 =	vmul.f32 v14, v4;
	v61 =	vmul.f32 v8, v4;
	v16 =	vadd.s32 v16, v10  }
0x178: {  	v23 =	vsel vm0, v25, v23;
	v10 =	vadd.s32 v11, v10;
	v11 =	vcvt.s32.f32 v5  }
0x179: {  	s29 =	simm.s32 $0x6DA0;
	v12 =	vsub.f32 v6, v12;
	v6 =	vtrunc.f32 v9;
	v5 =	vsub.s32 v5, v2  }
0x17a: {  	v59 =	vadd.s32 v13, v16;
	v16 =	vadd.s32 v22, v16;
	[tilespmem:s29+$0xFFFFF070] =	vst v24;
	v6 =	vcvt.f32.s32 v6  }
0x17b: {  	v13 =	vadd.s32 v13, v10;
	v10 =	vadd.s32 v22, v10;
	vm13 =	vgt.s32 v5, $0x0;
	[tilespmem:s28+$0xFFFFF390] =	vst v20  }
0x17c: {  	v7 =	vsub.f32 v7, v11;
	v11 =	vmul.f32 v14, v17;
	v17 =	vmul.f32 v17, v8;
	[tilespmem:s29+$0xFFFFF390] =	vst v21  }
0x17d: {  	v14 =	vcvt.s32.f32 v6;
	vm12 =	vgt.s32 v6, $0x13F;
	v4 =	vadd.s32 $0xFFFFFEC0, v6;
	[tilespmem:s28+$0xFFFFF6B0] =	vst v59  }
0x17e: {  	v8 =	vadd.s32 $0x1, v23;
	v62 =	vnsel vm13, $0x0, v5;
	v6 =	vsel vm12, v4, v6;
	[tilespmem:s29+$0xFFFFF6B0] =	vst v26  }
0x17f: {  	s21 =	simm.s32 $0x10;
	vm14 =	vgt.s32 v8, $0x9F;
	v4 =	vsub.f32 v9, v14;
	vm0 =	vgt.s32 v6, $0x9F;
	[tilespmem:s28+$0xFFFFF9D0] =	vst v16  }
0x180: {  	s0 =	sand.u32 $0x3F0, s21;
	v5 =	vadd.s32 $0xFFFFFF60, v6;
	v9 =	vadd.s32 $0xFFFFFF61, v23;
	v14 =	vsub.f32 $1.000000000e+00, v7;
	[tilespmem:s29+$0xFFFFF9D0] =	vst v19  }
0x181: {  	v16 =	vsub.f32 $1.000000000e+00, v12;
	v8 =	vsel vm14, v9, v8;
	v9 =	vmin.u32 v62, $0x36;
	[tilespmem:s0+$0x3880] =	vst v15  }
0x182: {  	v5 =	vsel vm0, v5, v6;
	v9 =	vmul.u32 $0x6400, v9;
	v19 =	vmul.u32 $0xA0, v8;
	[tilespmem:s0+$0x6A80] =	vst v11  }
0x183: {  	v6 =	vsub.f32 $1.000000000e+00, v4;
	v8 =	vmul.f32 v12, v7;
	v11 =	vmin.u32 v62, $0x37;
	[tilespmem:s28+$0x10] =	vst v18  }
0x184: {  	v63 =	vmul.f32 v16, v14;
	v14 =	vmul.f32 v12, v14;
	v18 =	vadd.s32 $0x1, v5;
	[tilespmem:s29+$0x10] =	vst v17  }
0x185: {  	v15 =	vmul.u32 $0x6400, v11;
	v11 =	vmul.f32 v16, v7;
	v7 =	vadd.s32 $0xFFFFFF61, v5;
	[tilespmem:s28+$0x330] =	vst v13  }
0x186: {  	v9 =	vadd.s32 $0x6400, v9;
	v17 =	vmul.u32 $0xA0, v23;
	vm15 =	vgt.s32 v18, $0x9F;
	[tilespmem:s29+$0x330] =	vst v60  }
0x187: {  	s13 =	simm.s32 $0x3334;
	s30 =	simm.s32 $0x0;
	s15 =	simm.s32 $0xCD0;
	v7 =	vsel vm15, v7, v18;
	v16 =	vadd.s32 v15, v19;
	v13 =	vmul.f32 v6, v63;
	[tilespmem:s28+$0x650] =	vst v10  }
0x188: {  	s20 =	simm.s32 $0x0;
	s19 =	simm.s32 $0x199A;
	s0 =	sand.u32 $0x3E0, s30;
	v12 =	vadd.s32 v9, v17;
	v10 =	vadd.s32 v9, v19;
	v9 =	vmul.f32 v63, v4;
	[tilespmem:s29+$0x650] =	vst v61  }
.LBB2_8:
0x189: {  	s6 =	sshrl.u32 s13, $0x10;
	s8 =	sadd.s32 $0x199A, s13;
	v18 =	vld [tilespmem:s15+$0x0];
	v15 =	vadd.s32 v15, v17;
	v17 =	vmul.f32 v6, v14;
	v14 =	vmul.f32 v4, v14;
	s19 =	sadd.s32 $0x3334, s19  }
0x18a: {  	v20 =	vadd.s32 v5, v16;
	v21 =	vmul.f32 v6, v11;
	v11 =	vmul.f32 v11, v4;
	s11 =	smul.u32 $0xFFFFFF60, s6;
	s12 =	sshrl.u32 s19, $0x10;
	s8 =	sshrl.u32 s8, $0x10;
	v19 =	vld [tilespmem:s15+$0xFFFFFCE0]  }
0x18b: {  	v16 =	vadd.s32 v7, v16;
	v23 =	vmul.f32 v6, v8;
	v8 =	vmul.f32 v4, v8;
	s6 =	sadd.s32 s26, s6;
	s12 =	smul.u32 $0xA0, s12;
	v22 =	vld [tilespmem:s15+$0xFFFFFFF0];
	s8 =	sadd.s32 s26, s8  }
0x18c: {  	v24 =	vadd.s32 v5, v10;
	v10 =	vadd.s32 v7, v10;
	s30 =	sadd.s32 $0x20, s30;
	v6 =	vadd.s32 v15, v7;
	s6 =	scvt.s32.f32 s6;
	v4 =	vld [tilespmem:s15+$0xFFFFFCD0];
	s8 =	scvt.s32.f32 s8  }
0x18d: {  	v26 =	vadd.s32 v5, v12;
	s16 =	sand.u32 $0x3E0, s30;
	v15 =	vadd.s32 v5, v15;
	v7 =	vadd.s32 v12, v7;
	s11 =	sadd.s32 s11, s30;
	v25 =	vld [tilespmem:s15+$0x320];
	s12 =	ssub.s32 s30, s12  }
0x18e: {  	v5 =	vor.u32 s11, v1;
	v12 =	vld [tilespmem:s15+$0x310];
	s11 =	sadd.s32 $0x10, s12;
	v18 =	vadd.f32 s8, v18;
	[tilespmem:s28+$0xFFFFF060] =	vst v15  }
0x18f: {  	v15 =	vcvt.s32.f32 v5;
	v5 =	vor.u32 s11, v1;
	v19 =	vadd.f32 v19, v3;
	[tilespmem:s29+$0xFFFFF060] =	vst v13  }
0x190: {  	v13 =	vadd.f32 s6, v22;
	v22 =	vcvt.s32.f32 v5;
	v18 =	vadd.f32 $1.600000000e+02, v18;
	[tilespmem:s28+$0xFFFFF380] =	vst v6  }
0x191: {  	v4 =	vadd.f32 v4, v3;
	v19 =	vadd.f32 $1.600000000e+02, v19;
	[tilespmem:s29+$0xFFFFF380] =	vst v9  }
0x192: {  	v5 =	vadd.f32 $1.600000000e+02, v13;
	v9 =	vadd.f32 v22, v25;
	v6 =	vtrunc.f32 v18;
	[tilespmem:s28+$0xFFFFF6A0] =	vst v20  }
0x193: {  	v12 =	vadd.f32 v15, v12;
	v13 =	vcvt.f32.s32 v6;
	v15 =	vtrunc.f32 v19;
	[tilespmem:s29+$0xFFFFF6A0] =	vst v17  }
0x194: {  	v6 =	vadd.f32 $1.600000000e+02, v4;
	v9 =	vadd.f32 $1.600000000e+02, v9;
	v15 =	vcvt.f32.s32 v15;
	[tilespmem:s28+$0xFFFFF9C0] =	vst v16  }
0x195: {  	v4 =	vadd.f32 $1.600000000e+02, v12;
	v12 =	vtrunc.f32 v5;
	v16 =	vcvt.s32.f32 v13;
	[tilespmem:s29+$0xFFFFF9C0] =	vst v14  }
0x196: {  	v14 =	vtrunc.f32 v9;
	v17 =	vcvt.s32.f32 v15;
	v15 =	vsub.s32 v15, v2;
	[tilespmem:s0+$0x3880] =	vst v26  }
0x197: {  	vm0 =	vgt.s32 v13, $0x13F;
	v20 =	vadd.s32 $0xFFFFFEC0, v13;
	vm1 =	vgt.s32 v15, $0x0;
	[tilespmem:s0+$0x6A80] =	vst v21;
	s0 =	smov.u32 s16  }
0x198: {  	v13 =	vsel vm0, v20, v13;
	v14 =	vcvt.f32.s32 v14;
	v15 =	vnsel vm1, $0x0, v15;
	[tilespmem:s28+$0x0] =	vst v7  }
0x199: {  	vm0 =	vgt.s32 v13, $0x9F;
	v7 =	vsub.f32 v18, v16;
	v16 =	vsub.f32 v19, v17;
	[tilespmem:s29+$0x0] =	vst v11  }
0x19a: {  	v17 =	vadd.s32 $0xFFFFFF60, v13;
	v11 =	vcvt.s32.f32 v14;
	v18 =	vmin.u32 v15, $0x37;
	[tilespmem:s28+$0x320] =	vst v24  }
0x19b: {  	s20 =	sadd.s32 $0x2, s20;
	vm1 =	vgt.s32 v14, $0x13F;
	v19 =	vadd.s32 $0xFFFFFEC0, v14;
	v13 =	vsel vm0, v17, v13;
	[tilespmem:s29+$0x320] =	vst v23  }
0x19c: {  	p1 =	slt.u32 s20, $0x30;
	v17 =	vadd.s32 $0xFFFFFF61, v13;
	v18 =	vmul.u32 $0x6400, v18;
	v20 =	vmul.u32 $0xA0, v13;
	[tilespmem:s28+$0x640] =	vst v10  }
0x19d: {  	v10 =	vsel vm1, v19, v14;
	v14 =	vsub.f32 $1.000000000e+00, v7;
	v19 =	vsub.f32 $1.000000000e+00, v16;
	[tilespmem:s29+$0x640] =	vst v8  }
0x19e: {  	v8 =	vsub.f32 v9, v11;
	vm0 =	vgt.s32 v10, $0x9F;
	v9 =	vadd.s32 $0x1, v13  }
0x19f: {  	v11 =	vadd.s32 $0xFFFFFF60, v10;
	v13 =	vadd.s32 v18, v20;
	vm1 =	vgt.s32 v9, $0x9F  }
0x1a0: {  	v10 =	vsel vm0, v11, v10;
	v21 =	vmul.f32 v14, v19;
	v11 =	vsub.f32 $1.000000000e+00, v8  }
0x1a1: {  	v22 =	vadd.s32 $0x1, v10;
	v9 =	vsel vm1, v17, v9;
	v17 =	vadd.s32 v10, v13  }
0x1a2: {  	s28 =	sadd.s32 $0x20, s28;
	v23 =	vadd.s32 $0xFFFFFF61, v10;
	vm0 =	vgt.s32 v22, $0x9F;
	v24 =	vmul.f32 v11, v21  }
0x1a3: {  	v15 =	vmin.u32 v15, $0x36;
	s29 =	sadd.s32 $0x20, s29;
	v9 =	vmul.u32 $0xA0, v9;
	v22 =	vsel vm0, v23, v22;
	[tilespmem:s28+$0xFFFFF070] =	vst v17  }
0x1a4: {  	v13 =	vadd.s32 v13, v22;
	v17 =	vmul.f32 v7, v19;
	v19 =	vmul.f32 v21, v8;
	[tilespmem:s29+$0xFFFFF070] =	vst v24  }
0x1a5: {  	v12 =	vcvt.f32.s32 v12;
	v15 =	vmul.u32 $0x6400, v15;
	v18 =	vadd.s32 v18, v9;
	[tilespmem:s28+$0xFFFFF390] =	vst v13  }
0x1a6: {  	v13 =	vtrunc.f32 v6;
	v21 =	vmul.f32 v11, v17;
	[tilespmem:s29+$0xFFFFF390] =	vst v19;
	v19 =	vadd.s32 v10, v18  }
0x1a7: {  	v15 =	vadd.s32 $0x6400, v15;
	vm0 =	vgt.s32 v12, $0x13F;
	v13 =	vcvt.f32.s32 v13;
	[tilespmem:s28+$0xFFFFF6B0] =	vst v19  }
0x1a8: {  	v14 =	vmul.f32 v14, v16;
	v17 =	vmul.f32 v8, v17;
	v18 =	vadd.s32 v22, v18;
	[tilespmem:s29+$0xFFFFF6B0] =	vst v21  }
0x1a9: {  	s6 =	sadd.s32 $0x10, s30;
	v20 =	vadd.s32 v15, v20;
	v19 =	vtrunc.f32 v4;
	v21 =	vadd.s32 $0xFFFFFEC0, v12;
	[tilespmem:s28+$0xFFFFF9D0] =	vst v18  }
0x1aa: {  	s6 =	sand.u32 $0x3F0, s6;
	v18 =	vsel vm0, v21, v12;
	v21 =	vmul.f32 v11, v14;
	[tilespmem:s29+$0xFFFFF9D0] =	vst v17;
	v17 =	vadd.s32 v10, v20  }
0x1ab: {  	v19 =	vcvt.f32.s32 v19;
	v12 =	vcvt.s32.f32 v12;
	vm0 =	vgt.s32 v18, $0x9F;
	[tilespmem:s6+$0x3880] =	vst v17  }
0x1ac: {  	v7 =	vmul.f32 v7, v16;
	v16 =	vadd.s32 v20, v22;
	v14 =	vmul.f32 v14, v8;
	[tilespmem:s6+$0x6A80] =	vst v21  }
0x1ad: {  	v9 =	vadd.s32 v15, v9;
	v20 =	vadd.s32 $0xFFFFFF60, v18;
	v17 =	vcvt.s32.f32 v13;
	[tilespmem:s28+$0x10] =	vst v16  }
0x1ae: {  	v11 =	vmul.f32 v11, v7;
	v10 =	vadd.s32 v10, v9;
	v13 =	vsub.s32 v13, v2;
	[tilespmem:s29+$0x10] =	vst v14  }
0x1af: {  	v12 =	vsub.f32 v5, v12;
	v16 =	vsel vm0, v20, v18;
	v14 =	vcvt.s32.f32 v19;
	[tilespmem:s28+$0x330] =	vst v10  }
0x1b0: {  	v5 =	vadd.s32 v22, v9;
	v10 =	vsub.f32 v6, v17;
	v6 =	vmul.f32 v8, v7;
	[tilespmem:s29+$0x330] =	vst v11  }
0x1b1: {  	vm1 =	vgt.s32 v13, $0x0;
	vm0 =	vgt.s32 v19, $0x13F;
	v7 =	vadd.s32 $0xFFFFFEC0, v19;
	[tilespmem:s28+$0x650] =	vst v5  }
0x1b2: {  	v8 =	vnsel vm1, $0x0, v13;
	v5 =	vsel vm0, v7, v19;
	v7 =	vadd.s32 $0x1, v16;
	[tilespmem:s29+$0x650] =	vst v6  }
0x1b3: {  	v4 =	vsub.f32 v4, v14;
	vm0 =	vgt.s32 v5, $0x9F;
	vm1 =	vgt.s32 v7, $0x9F  }
0x1b4: {  	v9 =	vadd.s32 $0xFFFFFF61, v16;
	v11 =	vsub.f32 $1.000000000e+00, v12;
	v6 =	vadd.s32 $0xFFFFFF60, v5  }
0x1b5: {  	v13 =	vsub.f32 $1.000000000e+00, v10;
	v7 =	vsel vm1, v9, v7;
	v9 =	vmin.u32 v8, $0x36  }
0x1b6: {  	v5 =	vsel vm0, v6, v5;
	v8 =	vmin.u32 v8, $0x37;
	v9 =	vmul.u32 $0x6400, v9  }
0x1b7: {  	v6 =	vsub.f32 $1.000000000e+00, v4;
	v18 =	vadd.s32 $0x1, v5;
	v19 =	vmul.u32 $0xA0, v7  }
.Ltmp4:
0x1b8: {  	v20 =	vmul.f32 v11, v13;
	v14 =	vmul.f32 v12, v13;
	v15 =	vmul.u32 $0x6400, v8;
	(pc) =	sbr.rel @p1 .LBB2_8-.Ltmp4, $4  }
0x1b9: {  	v17 =	vmul.u32 $0xA0, v16;
	v11 =	vmul.f32 v11, v10;
	v8 =	vmul.f32 v12, v10  }
0x1ba: {  	v7 =	vadd.s32 $0xFFFFFF61, v5;
	vm0 =	vgt.s32 v18, $0x9F;
	v9 =	vadd.s32 $0x6400, v9  }
0x1bb: {  	v7 =	vsel vm0, v7, v18;
	v16 =	vadd.s32 v15, v19;
	v10 =	vadd.s32 v9, v19  }
0x1bc: {  	s13 =	sadd.s32 $0x3334, s13;
	s15 =	sadd.s32 $0x20, s15;
	v13 =	vmul.f32 v6, v20;
	v12 =	vadd.s32 v9, v17;
	v9 =	vmul.f32 v20, v4  }
0x1bd: {  	v3 =	vadd.s32 v15, v17  }
0x1be: {  	v15 =	vadd.s32 v5, v3  }
0x1bf: {  	[tilespmem:s28+$0xFFFFF060] =	vst v15  }
0x1c0: {  	v3 =	vadd.s32 v3, v7;
	[tilespmem:s29+$0xFFFFF060] =	vst v13  }
0x1c1: {  	[tilespmem:s28+$0xFFFFF380] =	vst v3  }
0x1c2: {  	v55 =	vadd.s32 v5, v16;
	v3 =	vmul.f32 v6, v14;
	[tilespmem:s29+$0xFFFFF380] =	vst v9  }
0x1c3: {  	[tilespmem:s28+$0xFFFFF6A0] =	vst v55  }
0x1c4: {  	v56 =	vmul.f32 v4, v14;
	v57 =	vadd.s32 v7, v16;
	[tilespmem:s29+$0xFFFFF6A0] =	vst v3  }
0x1c5: {  	[tilespmem:s28+$0xFFFFF9C0] =	vst v57  }
0x1c6: {  	v58 =	vadd.s32 v5, v12;
	v3 =	vmul.f32 v6, v11;
	[tilespmem:s29+$0xFFFFF9C0] =	vst v56  }
0x1c7: {  	[tilespmem:s0+$0x3880] =	vst v58  }
0x1c8: {  	v59 =	vmul.f32 v11, v4;
	v60 =	vadd.s32 v12, v7;
	[tilespmem:s0+$0x6A80] =	vst v3  }
0x1c9: {  	[tilespmem:s28+$0x0] =	vst v60  }
.Ltmp5:
0x1ca: {  	v61 =	vadd.s32 v5, v10;
	v3 =	vmul.f32 v6, v8;
	[tilespmem:s29+$0x0] =	vst v59;
	(pc) =	sbr.rel @p0 .LBB2_11-.Ltmp5, $4  }
0x1cb: {  	[tilespmem:s28+$0x320] =	vst v61  }
0x1cc: {  	v62 =	vmul.f32 v4, v8;
	v63 =	vadd.s32 v7, v10;
	[tilespmem:s29+$0x320] =	vst v3  }
0x1cd: {  	[tilespmem:s28+$0x640] =	vst v63  }
0x1ce: {  	[tilespmem:s29+$0x640] =	vst v62  }
0x1cf: {  	s0 =	smul.u32 $0x320, s25;
	_ =	sdelay $0x1  }
0x1d0: {  	s0 =	sadd.s32 s0, s18  }
0x1d1: {  	s0 =	sshrl.u32 s0, $0x3  }
0x1d2: {  	s6 =	simm.s32 $0x980;
	s0 =	sadd.s32 s5, s0  }
0x1d3: {  	[tilespmem:s6], [sflag:$0x2] =	stream.linear.gather [hbm4b:s0+s4], $0x320, $0x38;
	[tilespmem:$0x1D500] =	vst v63  }
0x1d4: {  	s8 =	simm.s32 $0xCA0;
	s29 =	sadd.s32 $0x7D000, s0  }
0x1d5: {  	[tilespmem:s8], [sflag:$0x2] =	stream.linear.gather [hbm4b:s29+s4], $0x320, $0x38;
	[tilespmem:$0x1D500] =	vst v63  }
.Ltmp6:
0x1d6: {  	_ = 	snop;
	(pc) =	sbr.rel .LBB2_5-.Ltmp6, $4  }
0x1d7: {  	s30 =	simm.s32 $0xFC0;
	s0 =	sadd.s32 $0xFA000, s0  }
0x1d8: {  	[tilespmem:s30], [sflag:$0x2] =	stream.linear.gather [hbm4b:s0+s4], $0x320, $0x38;
	[tilespmem:$0x1D500] =	vst v63  }
0x1d9: {  	s24 =	sadd.s32 $0x1, s24  }
0x1da: {  	[spmem:s3] =	stream.indirect.scatter.add.f32 [tilespmem:s14], [sflag:$0x4], $0x1, s31, s7, $0xb8;
	[tilespmem:$0x1D500] =	vst v63  }
.LBB2_12:
0x1db: {  	s0 =	simm.s32 $0x0;
	s6 =	rddreg [dreg:$0x16]  }
0x1dc: {  	[tilespmem:s14], [sflag:$0x5] =	stream.linear.gather [hbm4b:s6+s0], $0x1900, $0x38;
	[tilespmem:$0x1D500] =	vst v63  }
0x1dd: {  	_ =	swait.ge [sflag:s1], $0x1900  }
0x1de: {  	s11 =	sld [smem:$0x7F3]  }
0x1df: {  	[sflag:s1] =	ssyncset.done $0x0  }
0x1e0: {  	[sflag:s1] =	ssyncadd.s32 $0xFFFFE700  }
0x1e1: {  	[tilespmem:s2], [sflag:$0x5] =	stream.linear.gather [hbm4b:s11+s0], $0x1900, $0x38;
	[tilespmem:$0x1D500] =	vst v63  }
0x1e2: {  	_ =	swait.ge [sflag:s1], $0x1900  }
0x1e3: {  	[sflag:s1] =	ssyncset.done $0x0  }
0x1e4: {  	s0 =	simm.s32 $0x0;
	[sflag:s1] =	ssyncadd.s32 $0xFFFFE700  }
0x1e5: {  	s13 =	simm.s32 $0x40;
	v2 =	vld [tilespmem:s0+$0x5E00]  }
.LBB2_13:
0x1e6: {  	p0 =	sne.s32 s13, $0x63C0;
	v3 =	vld [tilespmem:s0+$0x4500];
	_ =	sdelay $0x2  }
.Ltmp7:
0x1e7: {  	(pc) =	sbr.rel @p0 .LBB2_13-.Ltmp7, $4  }
0x1e8: {  	_ = 	snop  }
0x1e9: {  	v3 =	vadd.f32 v2, v3  }
0x1ea: {  	s6 =	sshra.s32 s13, $0x2  }
0x1eb: {  	s13 =	sadd.s32 $0x40, s13;
	v2 =	vld [tilespmem:s6+$0x5E00];
	[tilespmem:s0+$0x4500] =	vst v3;
	s0 =	smov.u32 s6  }
0x1ec: {  	v3 =	vld [tilespmem:s0+$0x4500];
	_ =	sdelay $0x4  }
0x1ed: {  	v2 =	vadd.f32 v2, v3;
	_ =	sdelay $0x1  }
0x1ee: {  	s30 =	simm.s32 $0x0;
	[tilespmem:s0+$0x4500] =	vst v2  }
0x1ef: {  	[hbm4b:s11+s30] =	stream.linear.scatter [tilespmem:s2], [sflag:$0x5], $0x1900, $0x38;
	[tilespmem:$0x1D500] =	vst v63  }
0x1f0: {  	_ =	swait.ge [sflag:s1], $0x1900  }
0x1f1: {  	[sflag:s1] =	ssyncset.done $0x0  }
0x1f2: {  	s6 =	rddreg [dreg:$0xc];
	[sflag:s1] =	ssyncadd.s32 $0xFFFFE700  }
0x1f3: {  	[tilespmem:s14], [sflag:$0x5] =	stream.linear.gather [hbm4b:s6+s30], $0x1900, $0x38;
	[tilespmem:$0x1D500] =	vst v63  }
0x1f4: {  	_ =	swait.ge [sflag:s1], $0x1900  }
0x1f5: {  	s15 =	sld [smem:$0x7F4]  }
0x1f6: {  	[sflag:s1] =	ssyncset.done $0x0  }
0x1f7: {  	[sflag:s1] =	ssyncadd.s32 $0xFFFFE700  }
0x1f8: {  	[tilespmem:s2], [sflag:$0x5] =	stream.linear.gather [hbm4b:s15+s30], $0x1900, $0x38;
	[tilespmem:$0x1D500] =	vst v63  }
0x1f9: {  	_ =	swait.ge [sflag:s1], $0x1900  }
0x1fa: {  	s12 =	rddreg [dreg:$0xb]  }
0x1fb: {  	s16 =	sld [smem:$0x7F5]  }
0x1fc: {  	s17 =	sld [smem:$0x7F6]  }
0x1fd: {  	s19 =	sld [smem:$0x7F7]  }
0x1fe: {  	s20 =	sld [smem:$0x7F8]  }
0x1ff: {  	s21 =	sld [smem:$0x7F9]  }
0x200: {  	s22 =	sld [smem:$0x7FA]  }
0x201: {  	[sflag:s1] =	ssyncset.done $0x0;
	s23 =	sld [smem:$0x7FB]  }
0x202: {  	s0 =	simm.s32 $0x0;
	s24 =	sld [smem:$0x7FC];
	[sflag:s1] =	ssyncadd.s32 $0xFFFFE700  }
0x203: {  	s13 =	simm.s32 $0x40;
	s25 =	sld [smem:$0x7FD];
	v2 =	vld [tilespmem:s0+$0x5E00]  }
.LBB2_15:
0x204: {  	p0 =	sne.s32 s13, $0x63C0;
	v3 =	vld [tilespmem:s0+$0x4500];
	_ =	sdelay $0x2  }
.Ltmp8:
0x205: {  	(pc) =	sbr.rel @p0 .LBB2_15-.Ltmp8, $4  }
0x206: {  	_ = 	snop  }
0x207: {  	v3 =	vadd.f32 v2, v3  }
0x208: {  	s6 =	sshra.s32 s13, $0x2  }
0x209: {  	s13 =	sadd.s32 $0x40, s13;
	v2 =	vld [tilespmem:s6+$0x5E00];
	[tilespmem:s0+$0x4500] =	vst v3;
	s0 =	smov.u32 s6  }
0x20a: {  	v3 =	vld [tilespmem:s0+$0x4500];
	_ =	sdelay $0x4  }
0x20b: {  	v2 =	vadd.f32 v2, v3;
	_ =	sdelay $0x1  }
0x20c: {  	s30 =	simm.s32 $0x0;
	[tilespmem:s0+$0x4500] =	vst v2  }
0x20d: {  	[hbm4b:s15+s30] =	stream.linear.scatter [tilespmem:s2], [sflag:$0x5], $0x1900, $0x38;
	[tilespmem:$0x1D500] =	vst v63  }
0x20e: {  	_ =	swait.ge [sflag:s1], $0x1900  }
0x20f: {  	[sflag:s1] =	ssyncset.done $0x0  }
0x210: {  	s6 =	rddreg [dreg:$0x17];
	[sflag:s1] =	ssyncadd.s32 $0xFFFFE700  }
0x211: {  	[tilespmem:s14], [sflag:$0x5] =	stream.linear.gather [hbm4b:s6+s30], $0x1900, $0x38;
	[tilespmem:$0x1D500] =	vst v63  }
0x212: {  	_ =	swait.ge [sflag:s1], $0x1900  }
0x213: {  	[sflag:s1] =	ssyncset.done $0x0  }
0x214: {  	[sflag:s1] =	ssyncadd.s32 $0xFFFFE700  }
0x215: {  	[tilespmem:s2], [sflag:$0x5] =	stream.linear.gather [hbm4b:s16+s30], $0x1900, $0x38;
	[tilespmem:$0x1D500] =	vst v63  }
0x216: {  	_ =	swait.ge [sflag:s1], $0x1900  }
0x217: {  	[sflag:s1] =	ssyncset.done $0x0  }
0x218: {  	s0 =	simm.s32 $0x0;
	[sflag:s1] =	ssyncadd.s32 $0xFFFFE700  }
0x219: {  	s13 =	simm.s32 $0x40;
	v2 =	vld [tilespmem:s0+$0x5E00]  }
.LBB2_17:
0x21a: {  	p0 =	sne.s32 s13, $0x63C0;
	v3 =	vld [tilespmem:s0+$0x4500];
	_ =	sdelay $0x2  }
.Ltmp9:
0x21b: {  	(pc) =	sbr.rel @p0 .LBB2_17-.Ltmp9, $4  }
0x21c: {  	_ = 	snop  }
0x21d: {  	v3 =	vadd.f32 v2, v3  }
0x21e: {  	s6 =	sshra.s32 s13, $0x2  }
0x21f: {  	s13 =	sadd.s32 $0x40, s13;
	v2 =	vld [tilespmem:s6+$0x5E00];
	[tilespmem:s0+$0x4500] =	vst v3;
	s0 =	smov.u32 s6  }
0x220: {  	v3 =	vld [tilespmem:s0+$0x4500];
	_ =	sdelay $0x4  }
0x221: {  	v2 =	vadd.f32 v2, v3;
	_ =	sdelay $0x1  }
0x222: {  	s30 =	simm.s32 $0x0;
	[tilespmem:s0+$0x4500] =	vst v2  }
0x223: {  	[hbm4b:s16+s30] =	stream.linear.scatter [tilespmem:s2], [sflag:$0x5], $0x1900, $0x38;
	[tilespmem:$0x1D500] =	vst v63  }
0x224: {  	_ =	swait.ge [sflag:s1], $0x1900  }
0x225: {  	[sflag:s1] =	ssyncset.done $0x0  }
0x226: {  	s6 =	rddreg [dreg:$0xd];
	[sflag:s1] =	ssyncadd.s32 $0xFFFFE700  }
0x227: {  	[tilespmem:s14], [sflag:$0x5] =	stream.linear.gather [hbm4b:s6+s30], $0x1900, $0x38;
	[tilespmem:$0x1D500] =	vst v63  }
0x228: {  	_ =	swait.ge [sflag:s1], $0x1900  }
0x229: {  	[sflag:s1] =	ssyncset.done $0x0  }
0x22a: {  	[sflag:s1] =	ssyncadd.s32 $0xFFFFE700  }
0x22b: {  	[tilespmem:s2], [sflag:$0x5] =	stream.linear.gather [hbm4b:s17+s30], $0x1900, $0x38;
	[tilespmem:$0x1D500] =	vst v63  }
0x22c: {  	_ =	swait.ge [sflag:s1], $0x1900  }
0x22d: {  	[sflag:s1] =	ssyncset.done $0x0  }
0x22e: {  	s0 =	simm.s32 $0x0;
	[sflag:s1] =	ssyncadd.s32 $0xFFFFE700  }
0x22f: {  	s13 =	simm.s32 $0x40;
	v2 =	vld [tilespmem:s0+$0x5E00]  }
.LBB2_19:
0x230: {  	p0 =	sne.s32 s13, $0x63C0;
	v3 =	vld [tilespmem:s0+$0x4500];
	_ =	sdelay $0x2  }
.Ltmp10:
0x231: {  	(pc) =	sbr.rel @p0 .LBB2_19-.Ltmp10, $4  }
0x232: {  	_ = 	snop  }
0x233: {  	v3 =	vadd.f32 v2, v3  }
0x234: {  	s6 =	sshra.s32 s13, $0x2  }
0x235: {  	s13 =	sadd.s32 $0x40, s13;
	v2 =	vld [tilespmem:s6+$0x5E00];
	[tilespmem:s0+$0x4500] =	vst v3;
	s0 =	smov.u32 s6  }
0x236: {  	v3 =	vld [tilespmem:s0+$0x4500];
	_ =	sdelay $0x4  }
0x237: {  	v2 =	vadd.f32 v2, v3;
	_ =	sdelay $0x1  }
0x238: {  	s30 =	simm.s32 $0x0;
	[tilespmem:s0+$0x4500] =	vst v2  }
0x239: {  	[hbm4b:s17+s30] =	stream.linear.scatter [tilespmem:s2], [sflag:$0x5], $0x1900, $0x38;
	[tilespmem:$0x1D500] =	vst v63  }
0x23a: {  	_ =	swait.ge [sflag:s1], $0x1900  }
0x23b: {  	[sflag:s1] =	ssyncset.done $0x0  }
0x23c: {  	s6 =	rddreg [dreg:$0xe];
	[sflag:s1] =	ssyncadd.s32 $0xFFFFE700  }
0x23d: {  	[tilespmem:s14], [sflag:$0x5] =	stream.linear.gather [hbm4b:s6+s30], $0x1900, $0x38;
	[tilespmem:$0x1D500] =	vst v63  }
0x23e: {  	_ =	swait.ge [sflag:s1], $0x1900  }
0x23f: {  	[sflag:s1] =	ssyncset.done $0x0  }
0x240: {  	[sflag:s1] =	ssyncadd.s32 $0xFFFFE700  }
0x241: {  	[tilespmem:s2], [sflag:$0x5] =	stream.linear.gather [hbm4b:s19+s30], $0x1900, $0x38;
	[tilespmem:$0x1D500] =	vst v63  }
0x242: {  	_ =	swait.ge [sflag:s1], $0x1900  }
0x243: {  	[sflag:s1] =	ssyncset.done $0x0  }
0x244: {  	s0 =	simm.s32 $0x0;
	[sflag:s1] =	ssyncadd.s32 $0xFFFFE700  }
0x245: {  	s13 =	simm.s32 $0x40;
	v2 =	vld [tilespmem:s0+$0x5E00]  }
.LBB2_21:
0x246: {  	p0 =	sne.s32 s13, $0x63C0;
	v3 =	vld [tilespmem:s0+$0x4500];
	_ =	sdelay $0x2  }
.Ltmp11:
0x247: {  	(pc) =	sbr.rel @p0 .LBB2_21-.Ltmp11, $4  }
0x248: {  	_ = 	snop  }
0x249: {  	v3 =	vadd.f32 v2, v3  }
0x24a: {  	s6 =	sshra.s32 s13, $0x2  }
0x24b: {  	s13 =	sadd.s32 $0x40, s13;
	v2 =	vld [tilespmem:s6+$0x5E00];
	[tilespmem:s0+$0x4500] =	vst v3;
	s0 =	smov.u32 s6  }
0x24c: {  	v3 =	vld [tilespmem:s0+$0x4500];
	_ =	sdelay $0x4  }
0x24d: {  	v2 =	vadd.f32 v2, v3;
	_ =	sdelay $0x1  }
0x24e: {  	s30 =	simm.s32 $0x0;
	[tilespmem:s0+$0x4500] =	vst v2  }
0x24f: {  	[hbm4b:s19+s30] =	stream.linear.scatter [tilespmem:s2], [sflag:$0x5], $0x1900, $0x38;
	[tilespmem:$0x1D500] =	vst v63  }
0x250: {  	_ =	swait.ge [sflag:s1], $0x1900  }
0x251: {  	[sflag:s1] =	ssyncset.done $0x0  }
0x252: {  	s6 =	rddreg [dreg:$0xf];
	[sflag:s1] =	ssyncadd.s32 $0xFFFFE700  }
0x253: {  	[tilespmem:s14], [sflag:$0x5] =	stream.linear.gather [hbm4b:s6+s30], $0x1900, $0x38;
	[tilespmem:$0x1D500] =	vst v63  }
0x254: {  	_ =	swait.ge [sflag:s1], $0x1900  }
0x255: {  	[sflag:s1] =	ssyncset.done $0x0  }
0x256: {  	[sflag:s1] =	ssyncadd.s32 $0xFFFFE700  }
0x257: {  	[tilespmem:s2], [sflag:$0x5] =	stream.linear.gather [hbm4b:s20+s30], $0x1900, $0x38;
	[tilespmem:$0x1D500] =	vst v63  }
0x258: {  	_ =	swait.ge [sflag:s1], $0x1900  }
0x259: {  	[sflag:s1] =	ssyncset.done $0x0  }
0x25a: {  	s0 =	simm.s32 $0x0;
	[sflag:s1] =	ssyncadd.s32 $0xFFFFE700  }
0x25b: {  	s13 =	simm.s32 $0x40;
	v2 =	vld [tilespmem:s0+$0x5E00]  }
.LBB2_23:
0x25c: {  	p0 =	sne.s32 s13, $0x63C0;
	v3 =	vld [tilespmem:s0+$0x4500];
	_ =	sdelay $0x2  }
.Ltmp12:
0x25d: {  	(pc) =	sbr.rel @p0 .LBB2_23-.Ltmp12, $4  }
0x25e: {  	_ = 	snop  }
0x25f: {  	v3 =	vadd.f32 v2, v3  }
0x260: {  	s6 =	sshra.s32 s13, $0x2  }
0x261: {  	s13 =	sadd.s32 $0x40, s13;
	v2 =	vld [tilespmem:s6+$0x5E00];
	[tilespmem:s0+$0x4500] =	vst v3;
	s0 =	smov.u32 s6  }
0x262: {  	v3 =	vld [tilespmem:s0+$0x4500];
	_ =	sdelay $0x4  }
0x263: {  	v2 =	vadd.f32 v2, v3;
	_ =	sdelay $0x1  }
0x264: {  	s30 =	simm.s32 $0x0;
	[tilespmem:s0+$0x4500] =	vst v2  }
0x265: {  	[hbm4b:s20+s30] =	stream.linear.scatter [tilespmem:s2], [sflag:$0x5], $0x1900, $0x38;
	[tilespmem:$0x1D500] =	vst v63  }
0x266: {  	_ =	swait.ge [sflag:s1], $0x1900  }
0x267: {  	[sflag:s1] =	ssyncset.done $0x0  }
0x268: {  	s6 =	rddreg [dreg:$0x10];
	[sflag:s1] =	ssyncadd.s32 $0xFFFFE700  }
0x269: {  	[tilespmem:s14], [sflag:$0x5] =	stream.linear.gather [hbm4b:s6+s30], $0x1900, $0x38;
	[tilespmem:$0x1D500] =	vst v63  }
0x26a: {  	_ =	swait.ge [sflag:s1], $0x1900  }
0x26b: {  	[sflag:s1] =	ssyncset.done $0x0  }
0x26c: {  	[sflag:s1] =	ssyncadd.s32 $0xFFFFE700  }
0x26d: {  	[tilespmem:s2], [sflag:$0x5] =	stream.linear.gather [hbm4b:s21+s30], $0x1900, $0x38;
	[tilespmem:$0x1D500] =	vst v63  }
0x26e: {  	_ =	swait.ge [sflag:s1], $0x1900  }
0x26f: {  	[sflag:s1] =	ssyncset.done $0x0  }
0x270: {  	s0 =	simm.s32 $0x0;
	[sflag:s1] =	ssyncadd.s32 $0xFFFFE700  }
0x271: {  	s13 =	simm.s32 $0x40;
	v2 =	vld [tilespmem:s0+$0x5E00]  }
.LBB2_25:
0x272: {  	p0 =	sne.s32 s13, $0x63C0;
	v3 =	vld [tilespmem:s0+$0x4500];
	_ =	sdelay $0x2  }
.Ltmp13:
0x273: {  	(pc) =	sbr.rel @p0 .LBB2_25-.Ltmp13, $4  }
0x274: {  	_ = 	snop  }
0x275: {  	v3 =	vadd.f32 v2, v3  }
0x276: {  	s6 =	sshra.s32 s13, $0x2  }
0x277: {  	s13 =	sadd.s32 $0x40, s13;
	v2 =	vld [tilespmem:s6+$0x5E00];
	[tilespmem:s0+$0x4500] =	vst v3;
	s0 =	smov.u32 s6  }
0x278: {  	v3 =	vld [tilespmem:s0+$0x4500];
	_ =	sdelay $0x4  }
0x279: {  	v2 =	vadd.f32 v2, v3;
	_ =	sdelay $0x1  }
0x27a: {  	s30 =	simm.s32 $0x0;
	[tilespmem:s0+$0x4500] =	vst v2  }
0x27b: {  	[hbm4b:s21+s30] =	stream.linear.scatter [tilespmem:s2], [sflag:$0x5], $0x1900, $0x38;
	[tilespmem:$0x1D500] =	vst v63  }
0x27c: {  	_ =	swait.ge [sflag:s1], $0x1900  }
0x27d: {  	[sflag:s1] =	ssyncset.done $0x0  }
0x27e: {  	s6 =	rddreg [dreg:$0x11];
	[sflag:s1] =	ssyncadd.s32 $0xFFFFE700  }
0x27f: {  	[tilespmem:s14], [sflag:$0x5] =	stream.linear.gather [hbm4b:s6+s30], $0x1900, $0x38;
	[tilespmem:$0x1D500] =	vst v63  }
0x280: {  	_ =	swait.ge [sflag:s1], $0x1900  }
0x281: {  	[sflag:s1] =	ssyncset.done $0x0  }
0x282: {  	[sflag:s1] =	ssyncadd.s32 $0xFFFFE700  }
0x283: {  	[tilespmem:s2], [sflag:$0x5] =	stream.linear.gather [hbm4b:s22+s30], $0x1900, $0x38;
	[tilespmem:$0x1D500] =	vst v63  }
0x284: {  	_ =	swait.ge [sflag:s1], $0x1900  }
0x285: {  	[sflag:s1] =	ssyncset.done $0x0  }
0x286: {  	s0 =	simm.s32 $0x0;
	[sflag:s1] =	ssyncadd.s32 $0xFFFFE700  }
0x287: {  	s13 =	simm.s32 $0x40;
	v2 =	vld [tilespmem:s0+$0x5E00]  }
.LBB2_27:
0x288: {  	p0 =	sne.s32 s13, $0x63C0;
	v3 =	vld [tilespmem:s0+$0x4500];
	_ =	sdelay $0x2  }
.Ltmp14:
0x289: {  	(pc) =	sbr.rel @p0 .LBB2_27-.Ltmp14, $4  }
0x28a: {  	_ = 	snop  }
0x28b: {  	v3 =	vadd.f32 v2, v3  }
0x28c: {  	s6 =	sshra.s32 s13, $0x2  }
0x28d: {  	s13 =	sadd.s32 $0x40, s13;
	v2 =	vld [tilespmem:s6+$0x5E00];
	[tilespmem:s0+$0x4500] =	vst v3;
	s0 =	smov.u32 s6  }
0x28e: {  	v3 =	vld [tilespmem:s0+$0x4500];
	_ =	sdelay $0x4  }
0x28f: {  	v2 =	vadd.f32 v2, v3;
	_ =	sdelay $0x1  }
0x290: {  	s30 =	simm.s32 $0x0;
	[tilespmem:s0+$0x4500] =	vst v2  }
0x291: {  	[hbm4b:s22+s30] =	stream.linear.scatter [tilespmem:s2], [sflag:$0x5], $0x1900, $0x38;
	[tilespmem:$0x1D500] =	vst v63  }
0x292: {  	_ =	swait.ge [sflag:s1], $0x1900  }
0x293: {  	[sflag:s1] =	ssyncset.done $0x0  }
0x294: {  	s6 =	rddreg [dreg:$0x12];
	[sflag:s1] =	ssyncadd.s32 $0xFFFFE700  }
0x295: {  	[tilespmem:s14], [sflag:$0x5] =	stream.linear.gather [hbm4b:s6+s30], $0x1900, $0x38;
	[tilespmem:$0x1D500] =	vst v63  }
0x296: {  	_ =	swait.ge [sflag:s1], $0x1900  }
0x297: {  	[sflag:s1] =	ssyncset.done $0x0  }
0x298: {  	[sflag:s1] =	ssyncadd.s32 $0xFFFFE700  }
0x299: {  	[tilespmem:s2], [sflag:$0x5] =	stream.linear.gather [hbm4b:s23+s30], $0x1900, $0x38;
	[tilespmem:$0x1D500] =	vst v63  }
0x29a: {  	_ =	swait.ge [sflag:s1], $0x1900  }
0x29b: {  	[sflag:s1] =	ssyncset.done $0x0  }
0x29c: {  	s0 =	simm.s32 $0x0;
	[sflag:s1] =	ssyncadd.s32 $0xFFFFE700  }
0x29d: {  	s13 =	simm.s32 $0x40;
	v2 =	vld [tilespmem:s0+$0x5E00]  }
.LBB2_29:
0x29e: {  	p0 =	sne.s32 s13, $0x63C0;
	v3 =	vld [tilespmem:s0+$0x4500];
	_ =	sdelay $0x2  }
.Ltmp15:
0x29f: {  	(pc) =	sbr.rel @p0 .LBB2_29-.Ltmp15, $4  }
0x2a0: {  	_ = 	snop  }
0x2a1: {  	v3 =	vadd.f32 v2, v3  }
0x2a2: {  	s6 =	sshra.s32 s13, $0x2  }
0x2a3: {  	s13 =	sadd.s32 $0x40, s13;
	v2 =	vld [tilespmem:s6+$0x5E00];
	[tilespmem:s0+$0x4500] =	vst v3;
	s0 =	smov.u32 s6  }
0x2a4: {  	v3 =	vld [tilespmem:s0+$0x4500];
	_ =	sdelay $0x4  }
0x2a5: {  	v2 =	vadd.f32 v2, v3;
	_ =	sdelay $0x1  }
0x2a6: {  	s30 =	simm.s32 $0x0;
	[tilespmem:s0+$0x4500] =	vst v2  }
0x2a7: {  	[hbm4b:s23+s30] =	stream.linear.scatter [tilespmem:s2], [sflag:$0x5], $0x1900, $0x38;
	[tilespmem:$0x1D500] =	vst v63  }
0x2a8: {  	_ =	swait.ge [sflag:s1], $0x1900  }
0x2a9: {  	[sflag:s1] =	ssyncset.done $0x0  }
0x2aa: {  	s6 =	rddreg [dreg:$0x14];
	[sflag:s1] =	ssyncadd.s32 $0xFFFFE700  }
0x2ab: {  	[tilespmem:s14], [sflag:$0x5] =	stream.linear.gather [hbm4b:s6+s30], $0x1900, $0x38;
	[tilespmem:$0x1D500] =	vst v63  }
0x2ac: {  	_ =	swait.ge [sflag:s1], $0x1900  }
0x2ad: {  	[sflag:s1] =	ssyncset.done $0x0  }
0x2ae: {  	[sflag:s1] =	ssyncadd.s32 $0xFFFFE700  }
0x2af: {  	[tilespmem:s2], [sflag:$0x5] =	stream.linear.gather [hbm4b:s24+s30], $0x1900, $0x38;
	[tilespmem:$0x1D500] =	vst v63  }
0x2b0: {  	_ =	swait.ge [sflag:s1], $0x1900  }
0x2b1: {  	[sflag:s1] =	ssyncset.done $0x0  }
0x2b2: {  	s0 =	simm.s32 $0x0;
	[sflag:s1] =	ssyncadd.s32 $0xFFFFE700  }
0x2b3: {  	s13 =	simm.s32 $0x40;
	v2 =	vld [tilespmem:s0+$0x5E00]  }
.LBB2_31:
0x2b4: {  	p0 =	sne.s32 s13, $0x63C0;
	v3 =	vld [tilespmem:s0+$0x4500];
	_ =	sdelay $0x2  }
.Ltmp16:
0x2b5: {  	(pc) =	sbr.rel @p0 .LBB2_31-.Ltmp16, $4  }
0x2b6: {  	_ = 	snop  }
0x2b7: {  	v3 =	vadd.f32 v2, v3  }
0x2b8: {  	s6 =	sshra.s32 s13, $0x2  }
0x2b9: {  	s13 =	sadd.s32 $0x40, s13;
	v2 =	vld [tilespmem:s6+$0x5E00];
	[tilespmem:s0+$0x4500] =	vst v3;
	s0 =	smov.u32 s6  }
0x2ba: {  	v3 =	vld [tilespmem:s0+$0x4500];
	_ =	sdelay $0x4  }
0x2bb: {  	v2 =	vadd.f32 v2, v3;
	_ =	sdelay $0x1  }
0x2bc: {  	s30 =	simm.s32 $0x0;
	[tilespmem:s0+$0x4500] =	vst v2  }
0x2bd: {  	[hbm4b:s24+s30] =	stream.linear.scatter [tilespmem:s2], [sflag:$0x5], $0x1900, $0x38;
	[tilespmem:$0x1D500] =	vst v63  }
0x2be: {  	_ =	swait.ge [sflag:s1], $0x1900  }
0x2bf: {  	[sflag:s1] =	ssyncset.done $0x0  }
0x2c0: {  	s6 =	rddreg [dreg:$0x13];
	[sflag:s1] =	ssyncadd.s32 $0xFFFFE700  }
0x2c1: {  	[tilespmem:s14], [sflag:$0x5] =	stream.linear.gather [hbm4b:s6+s30], $0x1900, $0x38;
	[tilespmem:$0x1D500] =	vst v63  }
0x2c2: {  	_ =	swait.ge [sflag:s1], $0x1900  }
0x2c3: {  	[sflag:s1] =	ssyncset.done $0x0  }
0x2c4: {  	[sflag:s1] =	ssyncadd.s32 $0xFFFFE700  }
0x2c5: {  	[tilespmem:s2], [sflag:$0x5] =	stream.linear.gather [hbm4b:s25+s30], $0x1900, $0x38;
	[tilespmem:$0x1D500] =	vst v63  }
0x2c6: {  	_ =	swait.ge [sflag:s1], $0x1900  }
0x2c7: {  	[sflag:s1] =	ssyncset.done $0x0  }
0x2c8: {  	s0 =	simm.s32 $0x0;
	[sflag:s1] =	ssyncadd.s32 $0xFFFFE700  }
0x2c9: {  	s13 =	simm.s32 $0x40;
	v2 =	vld [tilespmem:s0+$0x5E00]  }
.LBB2_33:
0x2ca: {  	p0 =	sne.s32 s13, $0x63C0;
	v3 =	vld [tilespmem:s0+$0x4500];
	_ =	sdelay $0x2  }
.Ltmp17:
0x2cb: {  	(pc) =	sbr.rel @p0 .LBB2_33-.Ltmp17, $4  }
0x2cc: {  	_ = 	snop  }
0x2cd: {  	v3 =	vadd.f32 v2, v3  }
0x2ce: {  	s6 =	sshra.s32 s13, $0x2  }
0x2cf: {  	s13 =	sadd.s32 $0x40, s13;
	v2 =	vld [tilespmem:s6+$0x5E00];
	[tilespmem:s0+$0x4500] =	vst v3;
	s0 =	smov.u32 s6  }
0x2d0: {  	v3 =	vld [tilespmem:s0+$0x4500];
	_ =	sdelay $0x4  }
0x2d1: {  	v2 =	vadd.f32 v2, v3;
	_ =	sdelay $0x1  }
0x2d2: {  	s29 =	simm.s32 $0x0;
	[tilespmem:s0+$0x4500] =	vst v2  }
0x2d3: {  	[hbm4b:s25+s29] =	stream.linear.scatter [tilespmem:s2], [sflag:$0x5], $0x1900, $0x38;
	[tilespmem:$0x1D500] =	vst v63  }
0x2d4: {  	_ =	swait.ge [sflag:s1], $0x1900  }
0x2d5: {  	[sflag:s1] =	ssyncset.done $0x0  }
0x2d6: {  	s6 =	rddreg [dreg:$0x15];
	[sflag:s1] =	ssyncadd.s32 $0xFFFFE700  }
0x2d7: {  	[tilespmem:s14], [sflag:$0x5] =	stream.linear.gather [hbm4b:s6+s29], $0x1900, $0x38;
	[tilespmem:$0x1D500] =	vst v63  }
0x2d8: {  	_ =	swait.ge [sflag:s1], $0x1900  }
0x2d9: {  	s30 =	sld [smem:$0x7E2]  }
0x2da: {  	[sflag:s1] =	ssyncset.done $0x0  }
0x2db: {  	[sflag:s1] =	ssyncadd.s32 $0xFFFFE700  }
0x2dc: {  	[tilespmem:s2], [sflag:$0x5] =	stream.linear.gather [hbm4b:s30+s29], $0x1900, $0x38;
	[tilespmem:$0x1D500] =	vst v63  }
0x2dd: {  	_ =	swait.ge [sflag:s1], $0x1900  }
0x2de: {  	[sflag:s1] =	ssyncset.done $0x0  }
0x2df: {  	s0 =	simm.s32 $0x0;
	[sflag:s1] =	ssyncadd.s32 $0xFFFFE700  }
0x2e0: {  	s13 =	simm.s32 $0x40;
	v2 =	vld [tilespmem:s0+$0x5E00]  }
.LBB2_35:
0x2e1: {  	p0 =	sne.s32 s13, $0x63C0;
	v3 =	vld [tilespmem:s0+$0x4500];
	_ =	sdelay $0x2  }
.Ltmp18:
0x2e2: {  	(pc) =	sbr.rel @p0 .LBB2_35-.Ltmp18, $4  }
0x2e3: {  	_ = 	snop  }
0x2e4: {  	v3 =	vadd.f32 v2, v3  }
0x2e5: {  	s6 =	sshra.s32 s13, $0x2  }
0x2e6: {  	s13 =	sadd.s32 $0x40, s13;
	v2 =	vld [tilespmem:s6+$0x5E00];
	[tilespmem:s0+$0x4500] =	vst v3;
	s0 =	smov.u32 s6  }
0x2e7: {  	v3 =	vld [tilespmem:s0+$0x4500];
	_ =	sdelay $0x4  }
0x2e8: {  	s6 =	sld [smem:$0x7E2];
	v2 =	vadd.f32 v2, v3;
	_ =	sdelay $0x1  }
0x2e9: {  	s28 =	simm.s32 $0x0;
	[tilespmem:s0+$0x4500] =	vst v2  }
0x2ea: {  	[hbm4b:s6+s28] =	stream.linear.scatter [tilespmem:s2], [sflag:$0x5], $0x1900, $0x38;
	[tilespmem:$0x1D500] =	vst v63  }
0x2eb: {  	_ =	swait.ge [sflag:s1], $0x1900  }
0x2ec: {  	[sflag:s1] =	ssyncset.done $0x0  }
0x2ed: {  	s29 =	rddreg [dreg:$0x18];
	[sflag:s1] =	ssyncadd.s32 $0xFFFFE700  }
0x2ee: {  	[tilespmem:s14], [sflag:$0x5] =	stream.linear.gather [hbm4b:s29+s28], $0x1900, $0x38;
	[tilespmem:$0x1D500] =	vst v63  }
0x2ef: {  	_ =	swait.ge [sflag:s1], $0x1900  }
0x2f0: {  	s30 =	sld [smem:$0x7E3]  }
0x2f1: {  	[sflag:s1] =	ssyncset.done $0x0  }
0x2f2: {  	[sflag:s1] =	ssyncadd.s32 $0xFFFFE700  }
0x2f3: {  	[tilespmem:s2], [sflag:$0x5] =	stream.linear.gather [hbm4b:s30+s28], $0x1900, $0x38;
	[tilespmem:$0x1D500] =	vst v63  }
0x2f4: {  	_ =	swait.ge [sflag:s1], $0x1900  }
0x2f5: {  	[sflag:s1] =	ssyncset.done $0x0  }
0x2f6: {  	s0 =	simm.s32 $0x0;
	[sflag:s1] =	ssyncadd.s32 $0xFFFFE700  }
0x2f7: {  	s13 =	simm.s32 $0x40;
	v2 =	vld [tilespmem:s0+$0x5E00]  }
.LBB2_37:
0x2f8: {  	p0 =	sne.s32 s13, $0x63C0;
	v3 =	vld [tilespmem:s0+$0x4500];
	_ =	sdelay $0x2  }
.Ltmp19:
0x2f9: {  	(pc) =	sbr.rel @p0 .LBB2_37-.Ltmp19, $4  }
0x2fa: {  	_ = 	snop  }
0x2fb: {  	v3 =	vadd.f32 v2, v3  }
0x2fc: {  	s6 =	sshra.s32 s13, $0x2  }
0x2fd: {  	s13 =	sadd.s32 $0x40, s13;
	v2 =	vld [tilespmem:s6+$0x5E00];
	[tilespmem:s0+$0x4500] =	vst v3;
	s0 =	smov.u32 s6  }
0x2fe: {  	v3 =	vld [tilespmem:s0+$0x4500];
	_ =	sdelay $0x4  }
0x2ff: {  	s6 =	sld [smem:$0x7E3];
	v2 =	vadd.f32 v2, v3;
	_ =	sdelay $0x1  }
0x300: {  	s28 =	simm.s32 $0x0;
	[tilespmem:s0+$0x4500] =	vst v2  }
0x301: {  	[hbm4b:s6+s28] =	stream.linear.scatter [tilespmem:s2], [sflag:$0x5], $0x1900, $0x38;
	[tilespmem:$0x1D500] =	vst v63  }
0x302: {  	_ =	swait.ge [sflag:s1], $0x1900  }
0x303: {  	[sflag:s1] =	ssyncset.done $0x0  }
0x304: {  	s29 =	rddreg [dreg:$0x1a];
	[sflag:s1] =	ssyncadd.s32 $0xFFFFE700  }
0x305: {  	[tilespmem:s14], [sflag:$0x5] =	stream.linear.gather [hbm4b:s29+s28], $0x1900, $0x38;
	[tilespmem:$0x1D500] =	vst v63  }
0x306: {  	_ =	swait.ge [sflag:s1], $0x1900  }
0x307: {  	s30 =	sld [smem:$0x7E4]  }
0x308: {  	[sflag:s1] =	ssyncset.done $0x0  }
0x309: {  	[sflag:s1] =	ssyncadd.s32 $0xFFFFE700  }
0x30a: {  	[tilespmem:s2], [sflag:$0x5] =	stream.linear.gather [hbm4b:s30+s28], $0x1900, $0x38;
	[tilespmem:$0x1D500] =	vst v63  }
0x30b: {  	_ =	swait.ge [sflag:s1], $0x1900  }
0x30c: {  	[sflag:s1] =	ssyncset.done $0x0  }
0x30d: {  	s0 =	simm.s32 $0x0;
	[sflag:s1] =	ssyncadd.s32 $0xFFFFE700  }
0x30e: {  	s13 =	simm.s32 $0x40;
	v2 =	vld [tilespmem:s0+$0x5E00]  }
.LBB2_39:
0x30f: {  	p0 =	sne.s32 s13, $0x63C0;
	v3 =	vld [tilespmem:s0+$0x4500];
	_ =	sdelay $0x2  }
.Ltmp20:
0x310: {  	(pc) =	sbr.rel @p0 .LBB2_39-.Ltmp20, $4  }
0x311: {  	_ = 	snop  }
0x312: {  	v3 =	vadd.f32 v2, v3  }
0x313: {  	s6 =	sshra.s32 s13, $0x2  }
0x314: {  	s13 =	sadd.s32 $0x40, s13;
	v2 =	vld [tilespmem:s6+$0x5E00];
	[tilespmem:s0+$0x4500] =	vst v3;
	s0 =	smov.u32 s6  }
0x315: {  	v3 =	vld [tilespmem:s0+$0x4500];
	_ =	sdelay $0x4  }
0x316: {  	s6 =	sld [smem:$0x7E4];
	v2 =	vadd.f32 v2, v3;
	_ =	sdelay $0x1  }
0x317: {  	s29 =	simm.s32 $0x0;
	[tilespmem:s0+$0x4500] =	vst v2  }
0x318: {  	[hbm4b:s6+s29] =	stream.linear.scatter [tilespmem:s2], [sflag:$0x5], $0x1900, $0x38;
	[tilespmem:$0x1D500] =	vst v63  }
0x319: {  	_ =	swait.ge [sflag:s1], $0x1900  }
0x31a: {  	[sflag:s1] =	ssyncset.done $0x0  }
0x31b: {  	s30 =	rddreg [dreg:$0x19];
	[sflag:s1] =	ssyncadd.s32 $0xFFFFE700  }
0x31c: {  	[tilespmem:s14], [sflag:$0x5] =	stream.linear.gather [hbm4b:s30+s29], $0x1900, $0x38;
	[tilespmem:$0x1D500] =	vst v63  }
0x31d: {  	_ =	swait.ge [sflag:s1], $0x1900  }
0x31e: {  	[sflag:s1] =	ssyncset.done $0x0  }
0x31f: {  	[sflag:s1] =	ssyncadd.s32 $0xFFFFE700  }
0x320: {  	[tilespmem:s2], [sflag:$0x5] =	stream.linear.gather [hbm4b:s12+s29], $0x1900, $0x38;
	[tilespmem:$0x1D500] =	vst v63  }
0x321: {  	_ =	swait.ge [sflag:s1], $0x1900  }
0x322: {  	[sflag:s1] =	ssyncset.done $0x0  }
0x323: {  	s0 =	simm.s32 $0x0;
	[sflag:s1] =	ssyncadd.s32 $0xFFFFE700  }
0x324: {  	s13 =	simm.s32 $0x40;
	v2 =	vld [tilespmem:s0+$0x5E00]  }
.LBB2_41:
0x325: {  	p0 =	sne.s32 s13, $0x63C0;
	v3 =	vld [tilespmem:s0+$0x4500];
	_ =	sdelay $0x2  }
.Ltmp21:
0x326: {  	(pc) =	sbr.rel @p0 .LBB2_41-.Ltmp21, $4  }
0x327: {  	_ = 	snop  }
0x328: {  	v3 =	vadd.f32 v2, v3  }
0x329: {  	s6 =	sshra.s32 s13, $0x2  }
0x32a: {  	s13 =	sadd.s32 $0x40, s13;
	v2 =	vld [tilespmem:s6+$0x5E00];
	[tilespmem:s0+$0x4500] =	vst v3;
	s0 =	smov.u32 s6  }
0x32b: {  	v3 =	vld [tilespmem:s0+$0x4500];
	_ =	sdelay $0x4  }
0x32c: {  	v2 =	vadd.f32 v2, v3;
	_ =	sdelay $0x1  }
0x32d: {  	s29 =	simm.s32 $0x0;
	[tilespmem:s0+$0x4500] =	vst v2  }
0x32e: {  	[hbm4b:s12+s29] =	stream.linear.scatter [tilespmem:s2], [sflag:$0x5], $0x1900, $0x38;
	[tilespmem:$0x1D500] =	vst v63  }
0x32f: {  	_ =	swait.ge [sflag:s1], $0x1900  }
0x330: {  	[sflag:s1] =	ssyncset.done $0x0  }
0x331: {  	s6 =	rddreg [dreg:$0x1b];
	[sflag:s1] =	ssyncadd.s32 $0xFFFFE700  }
0x332: {  	[tilespmem:s14], [sflag:$0x5] =	stream.linear.gather [hbm4b:s6+s29], $0x1900, $0x38;
	[tilespmem:$0x1D500] =	vst v63  }
0x333: {  	_ =	swait.ge [sflag:s1], $0x1900  }
0x334: {  	s30 =	sld [smem:$0x7E5]  }
0x335: {  	[sflag:s1] =	ssyncset.done $0x0  }
0x336: {  	[sflag:s1] =	ssyncadd.s32 $0xFFFFE700  }
0x337: {  	[tilespmem:s2], [sflag:$0x5] =	stream.linear.gather [hbm4b:s30+s29], $0x1900, $0x38;
	[tilespmem:$0x1D500] =	vst v63  }
0x338: {  	_ =	swait.ge [sflag:s1], $0x1900  }
0x339: {  	[sflag:s1] =	ssyncset.done $0x0  }
0x33a: {  	s0 =	simm.s32 $0x0;
	[sflag:s1] =	ssyncadd.s32 $0xFFFFE700  }
0x33b: {  	s13 =	simm.s32 $0x40;
	v2 =	vld [tilespmem:s0+$0x5E00]  }
.LBB2_43:
0x33c: {  	p0 =	sne.s32 s13, $0x63C0;
	v3 =	vld [tilespmem:s0+$0x4500];
	_ =	sdelay $0x2  }
.Ltmp22:
0x33d: {  	(pc) =	sbr.rel @p0 .LBB2_43-.Ltmp22, $4  }
0x33e: {  	_ = 	snop  }
0x33f: {  	v3 =	vadd.f32 v2, v3  }
0x340: {  	s6 =	sshra.s32 s13, $0x2  }
0x341: {  	s13 =	sadd.s32 $0x40, s13;
	v2 =	vld [tilespmem:s6+$0x5E00];
	[tilespmem:s0+$0x4500] =	vst v3;
	s0 =	smov.u32 s6  }
0x342: {  	v3 =	vld [tilespmem:s0+$0x4500];
	_ =	sdelay $0x4  }
0x343: {  	s29 =	sld [smem:$0x7E5];
	v2 =	vadd.f32 v2, v3;
	_ =	sdelay $0x1  }
0x344: {  	[tilespmem:s0+$0x4500] =	vst v2  }
0x345: {  	[hbm4b:s29+s4] =	stream.linear.scatter [tilespmem:s2], [sflag:$0x5], $0x1900, $0x38;
	[tilespmem:$0x1D500] =	vst v63  }
0x346: {  	_ =	swait.ge [sflag:s1], $0x1900  }
0x347: {  	s6 =	sld [smem:$0x7DF];
	_ =	sdelay $0x2  }
0x348: {  	s30 =	rddreg [dreg:$0x1d];
	s6 =	sadd.s32 $0x1, s6  }
0x349: {  	p0 =	sne.s32 s6, s30  }
.Ltmp23:
0x34a: {  	_ = 	snop;
	(pc) =	sbr.rel @p0 .LBB2_1-.Ltmp23, $3  }
0x34b: {  	_ =	sdelay $0x1  }
0x34c: {  	[sflag:s1] =	ssyncset.done $0x0  }
0x34d: {  	[sflag:s1] =	ssyncadd.s32 $0xFFFFE700  }
0x34e: {  	_ =	sfence.sel $0x180000  }
0x34f: {  	[bflag:$0x0] =	sbarrier.arrive $0xFFFF  }
0x350: {  	_ =	strace $0x90000047  }
0x351: {  	s0 =	stileid.u32;
	[bflag:$0x2] =	sbarrier.arrive $0xFFFF  }
0x352: {  	p0 =	sne.s32 s0, $0x0;
	s0 =	rddreg [dreg:$0x3]  }
0x353: {  	s0 =	sadd.s32 @!p0 $0x100000, s0  }
0x354: {  	[sflag:s0] =	ssyncadd.tile.s32 @!p0 $0x1;
	_ =	shalt  }
.Lfunc_end2:
_tile_overlayer_lowered:
.L_overlay_start_2:
0x355: {  	(tag) =	ssettag $0x2  }
0x356: {  	s0 =	rddreg [dreg:$0x0];
	s2 =	stileid.u32  }
0x357: {  	s1 =	rddreg [dreg:$0x1];
	p0 =	sne.s32 s2, $0x0  }
0x358: {  	s3 =	rddreg [dreg:$0x2];
	[bflag:$0x3] =	sbarrier.arrive $0xFFFF;
	s2 =	simm.s32 @!p0 $0x1C05  }
0x359: {  	[timem:s3], [sflag:s2] =	dma.local @!p0 [hbm:s0], s1  }
0x35a: {  	s0 =	simm.s32 @!p0 $0x5  }
0x35b: {  	_ =	swait.ge @!p0 [sflag:s0], s1  }
0x35c: {  	s1 =	ssub.s32 @!p0 $0x0, s1;
	[sflag:s0] =	ssyncset.done @!p0 $0x0  }
0x35d: {  	[sflag:s0] =	ssyncadd.s32 @!p0 s1  }
0x35e: {  	[bflag:$0x3] =	sbarrier.arrive $0xFFFF  }
0x35f: {  	_ =	shalt  }

</sc_bundles>
